<compile_context>
chip_gen: v7x
topology: tpu7x:2x2x1
jax: 0.10.2.dev20260603
libtpu: 0.0.44.dev20260713+nightly
codegen_flags: <defaults>
</compile_context>

<pallas_src>
import functools

import jax
import jax.numpy as jnp
from jax import lax
from jax.experimental import pallas as pl
from jax.experimental.pallas import tpu as pltpu
from jax.experimental.pallas import tpu_sc as plsc

NC = 2
NS = 16
NW = NC * NS
L = 16

K_EDGE = 128

SELU_SCALE = 1.0507009873554805
SELU_ALPHA = 1.6732632423543772


def _sc_sparse_matvec(xT, meta, n, c_per_w):
  nchunk = c_per_w // K_EDGE
  assert nchunk % 2 == 0 and nchunk >= 4
  mrow = 3 * K_EDGE
  mesh = plsc.VectorSubcoreMesh(core_axis_name="c", subcore_axis_name="s")

  @functools.partial(
      pl.kernel,
      out_type=jax.ShapeDtypeStruct((NW, n * L), jnp.float32),
      mesh=mesh,
      scratch_types=[
          pltpu.VMEM((n * L,), jnp.float32),
          pltpu.VMEM((nchunk * mrow,), jnp.int32),
          pltpu.VMEM((2, K_EDGE, L), jnp.float32),
          pltpu.SemaphoreType.DMA,
          pltpu.SemaphoreType.DMA,
          pltpu.SemaphoreType.DMA,
      ],
      compiler_params=pltpu.CompilerParams(needs_layout_passes=False,
                                           use_tc_tiling_on_sc=False),
  )
  def sc_k(xT_h, meta_h, out_h, y_v, meta_v, gbuf, msem, gs0, gs1):
    wid = lax.axis_index("s") * NC + lax.axis_index("c")
    iota16 = lax.iota(jnp.int32, L)
    zero16 = jnp.zeros((L,), jnp.float32)
    gsems = (gs0, gs1)

    def issue_gather(g, b):
      pltpu.async_copy(xT_h.at[meta_v.at[pl.ds(g * mrow, K_EDGE)]],
                       gbuf.at[b], gsems[b])

    def wait_gather(b):
      pltpu.make_async_copy(xT_h.at[pl.ds(0, K_EDGE)],
                            gbuf.at[b], gsems[b]).wait()

    dnums = lax.GatherDimensionNumbers(
        offset_dims=(), collapsed_slice_dims=(0,), start_index_map=(0,))

    def splat(vec, e):
      idxe = jnp.full((L, 1), e, jnp.int32)
      return lax.gather(vec, idxe, dnums, (1,),
                        mode=lax.GatherScatterMode.PROMISE_IN_BOUNDS)

    def compute(g, b):
      mb = g * mrow

      @plsc.parallel_loop(0, K_EDGE // L, unroll=4)
      def group_body(q):
        rbase16 = meta_v[pl.ds(mb + K_EDGE + q * L, L)]
        vals16 = plsc.bitcast(meta_v[pl.ds(mb + 2 * K_EDGE + q * L, L)],
                              jnp.float32)
        for e in range(L):
          vs = splat(vals16, e)
          rs = splat(rbase16, e)
          xrow = gbuf[b, q * L + e]
          plsc.addupdate_scatter(y_v, [rs + iota16], xrow * vs)

    pltpu.async_copy(meta_h.at[wid], meta_v, msem)

    @plsc.parallel_loop(0, (n * L) // (L * 16), unroll=2)
    def zero_body(i):
      base = i * (L * 16)
      for j in range(16):
        y_v[pl.ds(base + j * L, L)] = zero16

    pltpu.make_async_copy(meta_h.at[wid], meta_v, msem).wait()
    issue_gather(0, 0)

    def pair_body(go, _):
      for b in range(2):
        g = go * 2 + b
        issue_gather(g + 1, 1 - b)
        wait_gather(b)
        compute(g, b)
      return 0
    lax.fori_loop(0, (nchunk - 2) // 2, pair_body, 0)

    issue_gather(nchunk - 1, 1)
    wait_gather(0)
    compute(nchunk - 2, 0)
    wait_gather(1)
    compute(nchunk - 1, 1)

    pltpu.sync_copy(y_v, out_h.at[wid])

  return sc_k(xT, meta)


def _tc_reduce(parts2, bc16, fl16, n):
  nj = 8
  blk = (n * L) // nj

  def body(p_r, b_r, f_r, o_r):
    s = jnp.sum(p_r[...], axis=0)
    o_r[...] = b_r[...] + s * f_r[...]

  return pl.pallas_call(
      body,
      grid=(nj,),
      in_specs=[
          pl.BlockSpec((NW, blk), lambda j: (0, j)),
          pl.BlockSpec((blk,), lambda j: (j,)),
          pl.BlockSpec((blk,), lambda j: (j,)),
      ],
      out_specs=pl.BlockSpec((blk,), lambda j: (j,)),
      out_shape=jax.ShapeDtypeStruct((n * L,), jnp.float32),
      compiler_params=pltpu.CompilerParams(
          dimension_semantics=("arbitrary",)),
  )(parts2, bc16, fl16)


def _tc_dense(ys, bcc, flg, weight1, w2r, n, i_blk):
  ni = n // i_blk

  def tc_body(ys_r, bcc_r, flg_r, w1_r, w2r_r, out_r):
    a = ys_r[...]
    acc = jnp.zeros((i_blk, L), jnp.float32)
    for k in range(3):
      t = lax.dot_general(w1_r[k], a, (((1,), (0,)), ((), ())),
                          preferred_element_type=jnp.float32)
      st = SELU_SCALE * jnp.where(t > 0, t, SELU_ALPHA * (jnp.exp(t) - 1.0))
      acc = acc + st * w2r_r[k]
    out_r[...] = bcc_r[...] + acc * flg_r[...]

  return pl.pallas_call(
      tc_body,
      grid=(ni,),
      in_specs=[
          pl.BlockSpec((n, L), lambda i: (0, 0)),
          pl.BlockSpec((i_blk, 1), lambda i: (i, 0)),
          pl.BlockSpec((i_blk, 1), lambda i: (i, 0)),
          pl.BlockSpec((3, i_blk, n), lambda i: (0, i, 0)),
          pl.BlockSpec((3, i_blk, 1), lambda i: (0, i, 0)),
      ],
      out_specs=pl.BlockSpec((i_blk, L), lambda i: (i, 0)),
      out_shape=jax.ShapeDtypeStruct((n, L), jnp.float32),
      compiler_params=pltpu.CompilerParams(
          dimension_semantics=("arbitrary",)),
  )(ys, bcc, flg, weight1, w2r)


def kernel(x, bc_value, interior_flag, B_rows, B_cols, B_vals, weight1,
           weight2):
  n = bc_value.shape[0]
  nnz = B_rows.shape[0]

  c_per_w = -(-nnz // (NW * 2 * K_EDGE)) * 2 * K_EDGE
  pad = NW * c_per_w - nnz
  colsP = jnp.concatenate([B_cols, jnp.zeros((pad,), jnp.int32)])
  rowsP = jnp.concatenate([B_rows, jnp.zeros((pad,), jnp.int32)])
  valsP = jnp.concatenate([B_vals, jnp.zeros((pad,), jnp.float32)])

  nch = c_per_w // K_EDGE
  meta = jnp.stack([
      colsP.reshape(NW, nch, K_EDGE),
      (rowsP * L).reshape(NW, nch, K_EDGE),
      lax.bitcast_convert_type(valsP, jnp.int32).reshape(NW, nch, K_EDGE),
  ], axis=2).reshape(NW, nch * 3 * K_EDGE)

  xT = x.T

  partials = _sc_sparse_matvec(xT, meta, n, c_per_w)

  bc16 = jnp.broadcast_to(bc_value[:, None], (n, L)).reshape(n * L)
  fl16 = jnp.broadcast_to(interior_flag[:, None], (n, L)).reshape(n * L)
  yflat = _tc_reduce(partials, bc16, fl16, n)
  ysum = yflat.reshape(n, L)

  bcc = bc_value.reshape(n, 1)
  flg = interior_flag.reshape(n, 1)
  w2r = weight2.T.reshape(3, n, 1)

  outT = _tc_dense(ysum, bcc, flg, weight1, w2r, n, 256)
  return outT.T

# --- scband reference (transcript-rebuilt; emitter-appended) ---
"""Pipeline reference for scband-tensor-net-17626545783696 (READ-ONLY COPY).

The authoritative reference and input builder live on the scoring server;
editing this copy changes nothing except your own understanding.
"""

import jax, jax.numpy as jnp
import numpy as np

N = 4096
NNZ = 167772
BATCH = 16

def setup_inputs(seed: int = 0) -> dict:
    key = jax.random.key(seed)
    ks = jax.random.split(key, 6)
    x = jax.random.normal(ks[0], (BATCH, N), dtype=jnp.float32)
    bc_value = jax.random.normal(ks[1], (N,), dtype=jnp.float32)
    interior_flag = jax.random.uniform(ks[2], (N,), dtype=jnp.float32)
    B_rows = jax.random.randint(ks[3], (NNZ,), 0, N, dtype=jnp.int64 if jax.config.jax_enable_x64 else jnp.int32).astype(jnp.int32)
    B_cols = jax.random.randint(ks[4], (NNZ,), 0, N, dtype=jnp.int64 if jax.config.jax_enable_x64 else jnp.int32).astype(jnp.int32)
    B_vals = jax.random.normal(ks[5], (NNZ,), dtype=jnp.float32) * 0.05
    # learned parameters (original inits: zeros/ones; use randn/ones for non-trivial math)
    weight1 = jax.random.normal(jax.random.fold_in(key, 100), (3, N, N), dtype=jnp.float32) * 0.01
    weight2 = jnp.ones((N, 3), dtype=jnp.float32)
    return {"x": x, "bc_value": bc_value, "interior_flag": interior_flag,
            "B_rows": B_rows, "B_cols": B_cols, "B_vals": B_vals,
            "weight1": weight1, "weight2": weight2}

def reference(x, bc_value, interior_flag, B_rows, B_cols, B_vals, weight1, weight2):
    n = bc_value.shape[0]
    # batch_mat_vec(B_sp, x): sparse [n,n] times each row-vector of x -> [batch, n]
    contrib = B_vals[None, :] * x[:, B_cols]                      # [batch, nnz] gather
    y = jax.ops.segment_sum(contrib.T, B_rows, num_segments=n).T  # scatter-add -> [batch, n]
    # addcmul(bc_value, y, interior_flag)
    y = bc_value[None, :] + y * interior_flag[None, :]
    # tensor_fcc
    t = jnp.matmul(weight1, y.T)           # [3, n, batch]
    t = jnp.transpose(t, (2, 1, 0))        # [batch, n, 3]
    t = jax.nn.selu(t)
    t = t * weight2[None, :, :]
    t = t.sum(axis=2)                      # [batch, n]
    out = bc_value[None, :] + t * interior_flag[None, :]
    return out

if __name__ == "__main__":
    import jax
    _d = setup_inputs()
    print(jax.jit(kernel)(*tuple(_d.values())))

</pallas_src>

<mosaic_0001>
#map = affine_map<(d0, d1) -> (0, 0)>
module attributes {stable_mosaic.version = 14 : i64} {
  func.func @sc_k(%arg0: i32, %arg1: i32, %arg2: memref<4096x16xf32, #tpu.memory_space<hbm>>, %arg3: memref<32x16128xi32, #tpu.memory_space<hbm>>, %arg4: memref<32x65536xf32, #tpu.memory_space<hbm>>, %arg5: memref<65536xf32, #tpu.memory_space<vmem>>, %arg6: memref<16128xi32, #tpu.memory_space<vmem>>, %arg7: memref<2x128x16xf32, #tpu.memory_space<vmem>>, %arg8: memref<!tpu.dma_semaphore, #tpu.memory_space<semaphore_mem>>, %arg9: memref<!tpu.dma_semaphore, #tpu.memory_space<semaphore_mem>>, %arg10: memref<!tpu.dma_semaphore, #tpu.memory_space<semaphore_mem>>) attributes {dimension_semantics = [#tpu.dimension_semantics<core_parallel>, #tpu.dimension_semantics<subcore_parallel>], iteration_bounds = array<i64: 2, 16>, scalar_prefetch = 0 : i64, scratch_operands = 6 : i64, tpu.core_type = #tpu.core_type<sc_vector_subcore>, window_params = [{transform_indices = #map}, {transform_indices = #map}, {transform_indices = #map}]} {
    %mul3A = arith.constant 2 : i32
    %mul3A_0 = arith.muli %arg1, %mul3A : i32
    %add3A = arith.addi %mul3A_0, %arg0 : i32
    %iota3A = tpu.iota {dimensions = array<i32: 0>} : vector<16xi32>
    %broadcast_in_dim3A = arith.constant 0.000000e+00 : f32
    %broadcast_in_dim3A_1 = vector.broadcast %broadcast_in_dim3A : f32 to vector<16xf32>
    %dma_start3A = arith.constant 0 : i32
    %dma_start3A_2 = tpu.memref_slice %arg3[%add3A, %dma_start3A] : memref<32x16128xi32, #tpu.memory_space<hbm>> -> memref<1x16128xi32, #tpu.memory_space<hbm>>
    %dma_start3A_3 = tpu.memref_squeeze %dma_start3A_2 : memref<1x16128xi32, #tpu.memory_space<hbm>> -> memref<16128xi32, #tpu.memory_space<hbm>>
    %dma_start3A_4 = arith.constant 0 : i32
    %dma_start3A_5 = tpu.memref_slice %arg3[%add3A, %dma_start3A_4] : memref<32x16128xi32, #tpu.memory_space<hbm>> -> memref<1x16128xi32, #tpu.memory_space<hbm>>
    %dma_start3A_6 = tpu.memref_squeeze %dma_start3A_5 : memref<1x16128xi32, #tpu.memory_space<hbm>> -> memref<16128xi32, #tpu.memory_space<hbm>>
    tpu.enqueue_dma source(%dma_start3A_6 : memref<16128xi32, #tpu.memory_space<hbm>>) target(%arg6 : memref<16128xi32, #tpu.memory_space<vmem>>) target_semaphore(%arg8 : memref<!tpu.dma_semaphore, #tpu.memory_space<semaphore_mem>>)
    %parallel_loop3A = arith.constant 0 : i32
    %parallel_loop3A_7 = arith.constant 256 : i32
    %parallel_loop3A_8 = arith.constant 1 : i32
    scf.for %parallel_loop3A_76 = %parallel_loop3A to %parallel_loop3A_7 step %parallel_loop3A_8  : i32 {
      %parallel_loop3A_77 = arith.constant 256 : i32
      %parallel_loop3A_78 = arith.muli %parallel_loop3A_76, %parallel_loop3A_77 : i32
      %parallel_loop3A_79 = arith.constant 0 : i32
      %parallel_loop3A_80 = arith.addi %parallel_loop3A_78, %parallel_loop3A_79 : i32
      %parallel_loop3A_81 = arith.index_cast %parallel_loop3A_80 : i32 to index
      %parallel_loop3A_82 = tpu.vector_load %arg5[%parallel_loop3A_81] {strides = array<i32>} : memref<65536xf32, #tpu.memory_space<vmem>>, vector<16xf32>,
      tpu.vector_store %arg5[%parallel_loop3A_81], %broadcast_in_dim3A_1 {strides = array<i32>} : memref<65536xf32, #tpu.memory_space<vmem>>, vector<16xf32>,
      %parallel_loop3A_83 = arith.constant 16 : i32
      %parallel_loop3A_84 = arith.addi %parallel_loop3A_78, %parallel_loop3A_83 : i32
      %parallel_loop3A_85 = arith.index_cast %parallel_loop3A_84 : i32 to index
      %parallel_loop3A_86 = tpu.vector_load %arg5[%parallel_loop3A_85] {strides = array<i32>} : memref<65536xf32, #tpu.memory_space<vmem>>, vector<16xf32>,
      tpu.vector_store %arg5[%parallel_loop3A_85], %broadcast_in_dim3A_1 {strides = array<i32>} : memref<65536xf32, #tpu.memory_space<vmem>>, vector<16xf32>,
      %parallel_loop3A_87 = arith.constant 32 : i32
      %parallel_loop3A_88 = arith.addi %parallel_loop3A_78, %parallel_loop3A_87 : i32
      %parallel_loop3A_89 = arith.index_cast %parallel_loop3A_88 : i32 to index
      %parallel_loop3A_90 = tpu.vector_load %arg5[%parallel_loop3A_89] {strides = array<i32>} : memref<65536xf32, #tpu.memory_space<vmem>>, vector<16xf32>,
      tpu.vector_store %arg5[%parallel_loop3A_89], %broadcast_in_dim3A_1 {strides = array<i32>} : memref<65536xf32, #tpu.memory_space<vmem>>, vector<16xf32>,
      %parallel_loop3A_91 = arith.constant 48 : i32
      %parallel_loop3A_92 = arith.addi %parallel_loop3A_78, %parallel_loop3A_91 : i32
      %parallel_loop3A_93 = arith.index_cast %parallel_loop3A_92 : i32 to index
      %parallel_loop3A_94 = tpu.vector_load %arg5[%parallel_loop3A_93] {strides = array<i32>} : memref<65536xf32, #tpu.memory_space<vmem>>, vector<16xf32>,
      tpu.vector_store %arg5[%parallel_loop3A_93], %broadcast_in_dim3A_1 {strides = array<i32>} : memref<65536xf32, #tpu.memory_space<vmem>>, vector<16xf32>,
      %parallel_loop3A_95 = arith.constant 64 : i32
      %parallel_loop3A_96 = arith.addi %parallel_loop3A_78, %parallel_loop3A_95 : i32
      %parallel_loop3A_97 = arith.index_cast %parallel_loop3A_96 : i32 to index
      %parallel_loop3A_98 = tpu.vector_load %arg5[%parallel_loop3A_97] {strides = array<i32>} : memref<65536xf32, #tpu.memory_space<vmem>>, vector<16xf32>,
      tpu.vector_store %arg5[%parallel_loop3A_97], %broadcast_in_dim3A_1 {strides = array<i32>} : memref<65536xf32, #tpu.memory_space<vmem>>, vector<16xf32>,
      %parallel_loop3A_99 = arith.constant 80 : i32
      %parallel_loop3A_100 = arith.addi %parallel_loop3A_78, %parallel_loop3A_99 : i32
      %parallel_loop3A_101 = arith.index_cast %parallel_loop3A_100 : i32 to index
      %parallel_loop3A_102 = tpu.vector_load %arg5[%parallel_loop3A_101] {strides = array<i32>} : memref<65536xf32, #tpu.memory_space<vmem>>, vector<16xf32>,
      tpu.vector_store %arg5[%parallel_loop3A_101], %broadcast_in_dim3A_1 {strides = array<i32>} : memref<65536xf32, #tpu.memory_space<vmem>>, vector<16xf32>,
      %parallel_loop3A_103 = arith.constant 96 : i32
      %parallel_loop3A_104 = arith.addi %parallel_loop3A_78, %parallel_loop3A_103 : i32
      %parallel_loop3A_105 = arith.index_cast %parallel_loop3A_104 : i32 to index
      %parallel_loop3A_106 = tpu.vector_load %arg5[%parallel_loop3A_105] {strides = array<i32>} : memref<65536xf32, #tpu.memory_space<vmem>>, vector<16xf32>,
      tpu.vector_store %arg5[%parallel_loop3A_105], %broadcast_in_dim3A_1 {strides = array<i32>} : memref<65536xf32, #tpu.memory_space<vmem>>, vector<16xf32>,
      %parallel_loop3A_107 = arith.constant 112 : i32
      %parallel_loop3A_108 = arith.addi %parallel_loop3A_78, %parallel_loop3A_107 : i32
      %parallel_loop3A_109 = arith.index_cast %parallel_loop3A_108 : i32 to index
      %parallel_loop3A_110 = tpu.vector_load %arg5[%parallel_loop3A_109] {strides = array<i32>} : memref<65536xf32, #tpu.memory_space<vmem>>, vector<16xf32>,
      tpu.vector_store %arg5[%parallel_loop3A_109], %broadcast_in_dim3A_1 {strides = array<i32>} : memref<65536xf32, #tpu.memory_space<vmem>>, vector<16xf32>,
      %parallel_loop3A_111 = arith.constant 128 : i32
      %parallel_loop3A_112 = arith.addi %parallel_loop3A_78, %parallel_loop3A_111 : i32
      %parallel_loop3A_113 = arith.index_cast %parallel_loop3A_112 : i32 to index
      %parallel_loop3A_114 = tpu.vector_load %arg5[%parallel_loop3A_113] {strides = array<i32>} : memref<65536xf32, #tpu.memory_space<vmem>>, vector<16xf32>,
      tpu.vector_store %arg5[%parallel_loop3A_113], %broadcast_in_dim3A_1 {strides = array<i32>} : memref<65536xf32, #tpu.memory_space<vmem>>, vector<16xf32>,
      %parallel_loop3A_115 = arith.constant 144 : i32
      %parallel_loop3A_116 = arith.addi %parallel_loop3A_78, %parallel_loop3A_115 : i32
      %parallel_loop3A_117 = arith.index_cast %parallel_loop3A_116 : i32 to index
      %parallel_loop3A_118 = tpu.vector_load %arg5[%parallel_loop3A_117] {strides = array<i32>} : memref<65536xf32, #tpu.memory_space<vmem>>, vector<16xf32>,
      tpu.vector_store %arg5[%parallel_loop3A_117], %broadcast_in_dim3A_1 {strides = array<i32>} : memref<65536xf32, #tpu.memory_space<vmem>>, vector<16xf32>,
      %parallel_loop3A_119 = arith.constant 160 : i32
      %parallel_loop3A_120 = arith.addi %parallel_loop3A_78, %parallel_loop3A_119 : i32
      %parallel_loop3A_121 = arith.index_cast %parallel_loop3A_120 : i32 to index
      %parallel_loop3A_122 = tpu.vector_load %arg5[%parallel_loop3A_121] {strides = array<i32>} : memref<65536xf32, #tpu.memory_space<vmem>>, vector<16xf32>,
      tpu.vector_store %arg5[%parallel_loop3A_121], %broadcast_in_dim3A_1 {strides = array<i32>} : memref<65536xf32, #tpu.memory_space<vmem>>, vector<16xf32>,
      %parallel_loop3A_123 = arith.constant 176 : i32
      %parallel_loop3A_124 = arith.addi %parallel_loop3A_78, %parallel_loop3A_123 : i32
      %parallel_loop3A_125 = arith.index_cast %parallel_loop3A_124 : i32 to index
      %parallel_loop3A_126 = tpu.vector_load %arg5[%parallel_loop3A_125] {strides = array<i32>} : memref<65536xf32, #tpu.memory_space<vmem>>, vector<16xf32>,
      tpu.vector_store %arg5[%parallel_loop3A_125], %broadcast_in_dim3A_1 {strides = array<i32>} : memref<65536xf32, #tpu.memory_space<vmem>>, vector<16xf32>,
      %parallel_loop3A_127 = arith.constant 192 : i32
      %parallel_loop3A_128 = arith.addi %parallel_loop3A_78, %parallel_loop3A_127 : i32
      %parallel_loop3A_129 = arith.index_cast %parallel_loop3A_128 : i32 to index
      %parallel_loop3A_130 = tpu.vector_load %arg5[%parallel_loop3A_129] {strides = array<i32>} : memref<65536xf32, #tpu.memory_space<vmem>>, vector<16xf32>,
      tpu.vector_store %arg5[%parallel_loop3A_129], %broadcast_in_dim3A_1 {strides = array<i32>} : memref<65536xf32, #tpu.memory_space<vmem>>, vector<16xf32>,
      %parallel_loop3A_131 = arith.constant 208 : i32
      %parallel_loop3A_132 = arith.addi %parallel_loop3A_78, %parallel_loop3A_131 : i32
      %parallel_loop3A_133 = arith.index_cast %parallel_loop3A_132 : i32 to index
      %parallel_loop3A_134 = tpu.vector_load %arg5[%parallel_loop3A_133] {strides = array<i32>} : memref<65536xf32, #tpu.memory_space<vmem>>, vector<16xf32>,
      tpu.vector_store %arg5[%parallel_loop3A_133], %broadcast_in_dim3A_1 {strides = array<i32>} : memref<65536xf32, #tpu.memory_space<vmem>>, vector<16xf32>,
      %parallel_loop3A_135 = arith.constant 224 : i32
      %parallel_loop3A_136 = arith.addi %parallel_loop3A_78, %parallel_loop3A_135 : i32
      %parallel_loop3A_137 = arith.index_cast %parallel_loop3A_136 : i32 to index
      %parallel_loop3A_138 = tpu.vector_load %arg5[%parallel_loop3A_137] {strides = array<i32>} : memref<65536xf32, #tpu.memory_space<vmem>>, vector<16xf32>,
      tpu.vector_store %arg5[%parallel_loop3A_137], %broadcast_in_dim3A_1 {strides = array<i32>} : memref<65536xf32, #tpu.memory_space<vmem>>, vector<16xf32>,
      %parallel_loop3A_139 = arith.constant 240 : i32
      %parallel_loop3A_140 = arith.addi %parallel_loop3A_78, %parallel_loop3A_139 : i32
      %parallel_loop3A_141 = arith.index_cast %parallel_loop3A_140 : i32 to index
      %parallel_loop3A_142 = tpu.vector_load %arg5[%parallel_loop3A_141] {strides = array<i32>} : memref<65536xf32, #tpu.memory_space<vmem>>, vector<16xf32>,
      tpu.vector_store %arg5[%parallel_loop3A_141], %broadcast_in_dim3A_1 {strides = array<i32>} : memref<65536xf32, #tpu.memory_space<vmem>>, vector<16xf32>,
    } {sc.loop_unroll_factor = 2 : i64, sc.parallel_access}
    %dma_wait3A = arith.constant 0 : i32
    %dma_wait3A_9 = tpu.memref_slice %arg3[%add3A, %dma_wait3A] : memref<32x16128xi32, #tpu.memory_space<hbm>> -> memref<1x16128xi32, #tpu.memory_space<hbm>>
    %dma_wait3A_10 = tpu.memref_squeeze %dma_wait3A_9 : memref<1x16128xi32, #tpu.memory_space<hbm>> -> memref<16128xi32, #tpu.memory_space<hbm>>
    %dma_wait3A_11 = arith.constant 0 : i32
    %dma_wait3A_12 = tpu.memref_slice %arg3[%add3A, %dma_wait3A_11] : memref<32x16128xi32, #tpu.memory_space<hbm>> -> memref<1x16128xi32, #tpu.memory_space<hbm>>
    %dma_wait3A_13 = tpu.memref_squeeze %dma_wait3A_12 : memref<1x16128xi32, #tpu.memory_space<hbm>> -> memref<16128xi32, #tpu.memory_space<hbm>>
    tpu.wait_dma2 semaphore(%arg8 : memref<!tpu.dma_semaphore, #tpu.memory_space<semaphore_mem>>) src(%dma_wait3A_13 : memref<16128xi32, #tpu.memory_space<hbm>>) dst(%arg6 : memref<16128xi32, #tpu.memory_space<vmem>>)
    %dma_start3A_14 = arith.constant 0 : i32
    %dma_start3A_15 = arith.constant 0 : i32
    %dma_start3A_16 = arith.constant 0 : i32
    %dma_start3A_17 = tpu.memref_slice %arg7[%dma_start3A_14, %dma_start3A_15, %dma_start3A_16] : memref<2x128x16xf32, #tpu.memory_space<vmem>> -> memref<1x128x16xf32, #tpu.memory_space<vmem>>
    %dma_start3A_18 = tpu.memref_squeeze %dma_start3A_17 : memref<1x128x16xf32, #tpu.memory_space<vmem>> -> memref<128x16xf32, #tpu.memory_space<vmem>>
    %dma_start3A_19 = arith.constant 0 : i32
    %dma_start3A_20 = tpu.memref_slice %arg6[%dma_start3A_19] : memref<16128xi32, #tpu.memory_space<vmem>> -> memref<128xi32, #tpu.memory_space<vmem>>
    %dma_start3A_21 = arith.constant 0 : i32
    %dma_start3A_22 = arith.constant 0 : i32
    %dma_start3A_23 = tpu.memref_slice %arg2[%dma_start3A_21, %dma_start3A_22] : memref<4096x16xf32, #tpu.memory_space<hbm>> -> memref<4096x16xf32, #tpu.memory_space<hbm>>
    tpu.enqueue_indirect_dma source(%dma_start3A_23 : memref<4096x16xf32, #tpu.memory_space<hbm>>) target(%dma_start3A_18 : memref<128x16xf32, #tpu.memory_space<vmem>>) offsets(%dma_start3A_20 : memref<128xi32, #tpu.memory_space<vmem>>) semaphore(%arg9 : memref<!tpu.dma_semaphore, #tpu.memory_space<semaphore_mem>>)
    %scan3A = arith.constant 0 : i32
    %scan3A_24 = arith.constant 0 : i32
    %scan3A_25 = arith.constant 20 : i32
    %scan3A_26 = arith.addi %scan3A_24, %scan3A_25 : i32
    %scan3A_27 = arith.constant 1 : i32
    %scan3A_28 = scf.for %scan3A_76 = %scan3A_24 to %scan3A_26 step %scan3A_27 iter_args(%scan3A_77 = %scan3A) -> (i32)  : i32 {
      %mul3A_78 = arith.constant 2 : i32
      %mul3A_79 = arith.muli %scan3A_76, %mul3A_78 : i32
      %add3A_80 = arith.constant 0 : i32
      %add3A_81 = arith.addi %mul3A_79, %add3A_80 : i32
      %add3A_82 = arith.constant 1 : i32
      %add3A_83 = arith.addi %add3A_81, %add3A_82 : i32
      %mul3A_84 = arith.constant 384 : i32
      %mul3A_85 = arith.muli %add3A_83, %mul3A_84 : i32
      %dma_start3A_86 = arith.constant 1 : i32
      %dma_start3A_87 = arith.constant 0 : i32
      %dma_start3A_88 = arith.constant 0 : i32
      %dma_start3A_89 = tpu.memref_slice %arg7[%dma_start3A_86, %dma_start3A_87, %dma_start3A_88] : memref<2x128x16xf32, #tpu.memory_space<vmem>> -> memref<1x128x16xf32, #tpu.memory_space<vmem>>
      %dma_start3A_90 = tpu.memref_squeeze %dma_start3A_89 : memref<1x128x16xf32, #tpu.memory_space<vmem>> -> memref<128x16xf32, #tpu.memory_space<vmem>>
      %dma_start3A_91 = tpu.memref_slice %arg6[%mul3A_85] : memref<16128xi32, #tpu.memory_space<vmem>> -> memref<128xi32, #tpu.memory_space<vmem>>
      %dma_start3A_92 = arith.constant 0 : i32
      %dma_start3A_93 = arith.constant 0 : i32
      %dma_start3A_94 = tpu.memref_slice %arg2[%dma_start3A_92, %dma_start3A_93] : memref<4096x16xf32, #tpu.memory_space<hbm>> -> memref<4096x16xf32, #tpu.memory_space<hbm>>
      tpu.enqueue_indirect_dma source(%dma_start3A_94 : memref<4096x16xf32, #tpu.memory_space<hbm>>) target(%dma_start3A_90 : memref<128x16xf32, #tpu.memory_space<vmem>>) offsets(%dma_start3A_91 : memref<128xi32, #tpu.memory_space<vmem>>) semaphore(%arg10 : memref<!tpu.dma_semaphore, #tpu.memory_space<semaphore_mem>>)
      %dma_wait3A_95 = arith.constant 0 : i32
      %dma_wait3A_96 = arith.constant 0 : i32
      %dma_wait3A_97 = arith.constant 0 : i32
      %dma_wait3A_98 = tpu.memref_slice %arg7[%dma_wait3A_95, %dma_wait3A_96, %dma_wait3A_97] : memref<2x128x16xf32, #tpu.memory_space<vmem>> -> memref<1x128x16xf32, #tpu.memory_space<vmem>>
      %dma_wait3A_99 = tpu.memref_squeeze %dma_wait3A_98 : memref<1x128x16xf32, #tpu.memory_space<vmem>> -> memref<128x16xf32, #tpu.memory_space<vmem>>
      %dma_wait3A_100 = arith.constant 0 : i32
      %dma_wait3A_101 = arith.constant 0 : i32
      %dma_wait3A_102 = tpu.memref_slice %arg2[%dma_wait3A_100, %dma_wait3A_101] : memref<4096x16xf32, #tpu.memory_space<hbm>> -> memref<128x16xf32, #tpu.memory_space<hbm>>
      %dma_wait3A_103 = arith.constant 0 : i32
      %dma_wait3A_104 = arith.constant 0 : i32
      %dma_wait3A_105 = tpu.memref_slice %arg7[%dma_wait3A_95, %dma_wait3A_103, %dma_wait3A_104] : memref<2x128x16xf32, #tpu.memory_space<vmem>> -> memref<1x128x16xf32, #tpu.memory_space<vmem>>
      %dma_wait3A_106 = tpu.memref_squeeze %dma_wait3A_105 : memref<1x128x16xf32, #tpu.memory_space<vmem>> -> memref<128x16xf32, #tpu.memory_space<vmem>>
      %dma_wait3A_107 = arith.constant 0 : i32
      %dma_wait3A_108 = arith.constant 0 : i32
      %dma_wait3A_109 = tpu.memref_slice %arg2[%dma_wait3A_107, %dma_wait3A_108] : memref<4096x16xf32, #tpu.memory_space<hbm>> -> memref<128x16xf32, #tpu.memory_space<hbm>>
      tpu.wait_dma2 semaphore(%arg9 : memref<!tpu.dma_semaphore, #tpu.memory_space<semaphore_mem>>) src(%dma_wait3A_109 : memref<128x16xf32, #tpu.memory_space<hbm>>) dst(%dma_wait3A_106 : memref<128x16xf32, #tpu.memory_space<vmem>>)
      %mul3A_110 = arith.constant 384 : i32
      %mul3A_111 = arith.muli %add3A_81, %mul3A_110 : i32
      %parallel_loop3A_112 = arith.constant 0 : i32
      %parallel_loop3A_113 = arith.constant 8 : i32
      %parallel_loop3A_114 = arith.constant 1 : i32
      scf.for %parallel_loop3A_153 = %parallel_loop3A_112 to %parallel_loop3A_113 step %parallel_loop3A_114  : i32 {
        %parallel_loop3A_154 = arith.constant 128 : i32
        %parallel_loop3A_155 = arith.addi %mul3A_111, %parallel_loop3A_154 : i32
        %parallel_loop3A_156 = arith.constant 16 : i32
        %parallel_loop3A_157 = arith.muli %parallel_loop3A_153, %parallel_loop3A_156 : i32
        %parallel_loop3A_158 = arith.addi %parallel_loop3A_155, %parallel_loop3A_157 : i32
        %parallel_loop3A_159 = arith.index_cast %parallel_loop3A_158 : i32 to index
        %parallel_loop3A_160 = tpu.vector_load %arg6[%parallel_loop3A_159] {strides = array<i32>} : memref<16128xi32, #tpu.memory_space<vmem>>, vector<16xi32>,
        %parallel_loop3A_161 = arith.constant 256 : i32
        %parallel_loop3A_162 = arith.addi %mul3A_111, %parallel_loop3A_161 : i32
        %parallel_loop3A_163 = arith.constant 16 : i32
        %parallel_loop3A_164 = arith.muli %parallel_loop3A_153, %parallel_loop3A_163 : i32
        %parallel_loop3A_165 = arith.addi %parallel_loop3A_162, %parallel_loop3A_164 : i32
        %parallel_loop3A_166 = arith.index_cast %parallel_loop3A_165 : i32 to index
        %parallel_loop3A_167 = tpu.vector_load %arg6[%parallel_loop3A_166] {strides = array<i32>} : memref<16128xi32, #tpu.memory_space<vmem>>, vector<16xi32>,
        %parallel_loop3A_168 = vector.bitcast %parallel_loop3A_167 : vector<16xi32> to vector<16xf32>
        %parallel_loop3A_169 = arith.constant 0 : i32
        %parallel_loop3A_170 = vector.broadcast %parallel_loop3A_169 : i32 to vector<16x1xi32>
        %parallel_loop3A_171 = vector.shape_cast %parallel_loop3A_170 : vector<16x1xi32> to vector<16xi32>
        %parallel_loop3A_172 = tpu.dynamic_gather %parallel_loop3A_168[%parallel_loop3A_171] in [0] : vector<16xf32>, vector<16xi32> -> vector<16xf32>
        %parallel_loop3A_173 = arith.constant 0 : i32
        %parallel_loop3A_174 = vector.broadcast %parallel_loop3A_173 : i32 to vector<16x1xi32>
        %parallel_loop3A_175 = vector.shape_cast %parallel_loop3A_174 : vector<16x1xi32> to vector<16xi32>
        %parallel_loop3A_176 = tpu.dynamic_gather %parallel_loop3A_160[%parallel_loop3A_175] in [0] : vector<16xi32>, vector<16xi32> -> vector<16xi32>
        %parallel_loop3A_177 = arith.constant 16 : i32
        %parallel_loop3A_178 = arith.muli %parallel_loop3A_153, %parallel_loop3A_177 : i32
        %parallel_loop3A_179 = arith.constant 0 : i32
        %parallel_loop3A_180 = arith.addi %parallel_loop3A_178, %parallel_loop3A_179 : i32
        %parallel_loop3A_181 = arith.constant 0 : i32
        %parallel_loop3A_182 = arith.index_cast %parallel_loop3A_181 : i32 to index
        %parallel_loop3A_183 = arith.index_cast %parallel_loop3A_180 : i32 to index
        %parallel_loop3A_184 = arith.constant 0 : index
        %parallel_loop3A_185 = tpu.vector_load %arg7[%parallel_loop3A_182, %parallel_loop3A_183, %parallel_loop3A_184] {strides = array<i32>} : memref<2x128x16xf32, #tpu.memory_space<vmem>>, vector<16xf32>,
        %parallel_loop3A_186 = arith.addi %parallel_loop3A_176, %iota3A : vector<16xi32>
        %parallel_loop3A_187 = arith.mulf %parallel_loop3A_185, %parallel_loop3A_172 : vector<16xf32>
        tpu.vector_store_idx %arg5[%parallel_loop3A_186], %parallel_loop3A_187 {add = true} : memref<65536xf32, #tpu.memory_space<vmem>>[vector<16xi32>], vector<16xf32>,
        %parallel_loop3A_188 = arith.constant 1 : i32
        %parallel_loop3A_189 = vector.broadcast %parallel_loop3A_188 : i32 to vector<16x1xi32>
        %parallel_loop3A_190 = vector.shape_cast %parallel_loop3A_189 : vector<16x1xi32> to vector<16xi32>
        %parallel_loop3A_191 = tpu.dynamic_gather %parallel_loop3A_168[%parallel_loop3A_190] in [0] : vector<16xf32>, vector<16xi32> -> vector<16xf32>
        %parallel_loop3A_192 = arith.constant 1 : i32
        %parallel_loop3A_193 = vector.broadcast %parallel_loop3A_192 : i32 to vector<16x1xi32>
        %parallel_loop3A_194 = vector.shape_cast %parallel_loop3A_193 : vector<16x1xi32> to vector<16xi32>
        %parallel_loop3A_195 = tpu.dynamic_gather %parallel_loop3A_160[%parallel_loop3A_194] in [0] : vector<16xi32>, vector<16xi32> -> vector<16xi32>
        %parallel_loop3A_196 = arith.constant 16 : i32
        %parallel_loop3A_197 = arith.muli %parallel_loop3A_153, %parallel_loop3A_196 : i32
        %parallel_loop3A_198 = arith.constant 1 : i32
        %parallel_loop3A_199 = arith.addi %parallel_loop3A_197, %parallel_loop3A_198 : i32
        %parallel_loop3A_200 = arith.constant 0 : i32
        %parallel_loop3A_201 = arith.index_cast %parallel_loop3A_200 : i32 to index
        %parallel_loop3A_202 = arith.index_cast %parallel_loop3A_199 : i32 to index
        %parallel_loop3A_203 = arith.constant 0 : index
        %parallel_loop3A_204 = tpu.vector_load %arg7[%parallel_loop3A_201, %parallel_loop3A_202, %parallel_loop3A_203] {strides = array<i32>} : memref<2x128x16xf32, #tpu.memory_space<vmem>>, vector<16xf32>,
        %parallel_loop3A_205 = arith.addi %parallel_loop3A_195, %iota3A : vector<16xi32>
        %parallel_loop3A_206 = arith.mulf %parallel_loop3A_204, %parallel_loop3A_191 : vector<16xf32>
        tpu.vector_store_idx %arg5[%parallel_loop3A_205], %parallel_loop3A_206 {add = true} : memref<65536xf32, #tpu.memory_space<vmem>>[vector<16xi32>], vector<16xf32>,
        %parallel_loop3A_207 = arith.constant 2 : i32
        %parallel_loop3A_208 = vector.broadcast %parallel_loop3A_207 : i32 to vector<16x1xi32>
        %parallel_loop3A_209 = vector.shape_cast %parallel_loop3A_208 : vector<16x1xi32> to vector<16xi32>
        %parallel_loop3A_210 = tpu.dynamic_gather %parallel_loop3A_168[%parallel_loop3A_209] in [0] : vector<16xf32>, vector<16xi32> -> vector<16xf32>
        %parallel_loop3A_211 = arith.constant 2 : i32
        %parallel_loop3A_212 = vector.broadcast %parallel_loop3A_211 : i32 to vector<16x1xi32>
        %parallel_loop3A_213 = vector.shape_cast %parallel_loop3A_212 : vector<16x1xi32> to vector<16xi32>
        %parallel_loop3A_214 = tpu.dynamic_gather %parallel_loop3A_160[%parallel_loop3A_213] in [0] : vector<16xi32>, vector<16xi32> -> vector<16xi32>
        %parallel_loop3A_215 = arith.constant 16 : i32
        %parallel_loop3A_216 = arith.muli %parallel_loop3A_153, %parallel_loop3A_215 : i32
        %parallel_loop3A_217 = arith.constant 2 : i32
        %parallel_loop3A_218 = arith.addi %parallel_loop3A_216, %parallel_loop3A_217 : i32
        %parallel_loop3A_219 = arith.constant 0 : i32
        %parallel_loop3A_220 = arith.index_cast %parallel_loop3A_219 : i32 to index
        %parallel_loop3A_221 = arith.index_cast %parallel_loop3A_218 : i32 to index
        %parallel_loop3A_222 = arith.constant 0 : index
        %parallel_loop3A_223 = tpu.vector_load %arg7[%parallel_loop3A_220, %parallel_loop3A_221, %parallel_loop3A_222] {strides = array<i32>} : memref<2x128x16xf32, #tpu.memory_space<vmem>>, vector<16xf32>,
        %parallel_loop3A_224 = arith.addi %parallel_loop3A_214, %iota3A : vector<16xi32>
        %parallel_loop3A_225 = arith.mulf %parallel_loop3A_223, %parallel_loop3A_210 : vector<16xf32>
        tpu.vector_store_idx %arg5[%parallel_loop3A_224], %parallel_loop3A_225 {add = true} : memref<65536xf32, #tpu.memory_space<vmem>>[vector<16xi32>], vector<16xf32>,
        %parallel_loop3A_226 = arith.constant 3 : i32
        %parallel_loop3A_227 = vector.broadcast %parallel_loop3A_226 : i32 to vector<16x1xi32>
        %parallel_loop3A_228 = vector.shape_cast %parallel_loop3A_227 : vector<16x1xi32> to vector<16xi32>
        %parallel_loop3A_229 = tpu.dynamic_gather %parallel_loop3A_168[%parallel_loop3A_228] in [0] : vector<16xf32>, vector<16xi32> -> vector<16xf32>
        %parallel_loop3A_230 = arith.constant 3 : i32
        %parallel_loop3A_231 = vector.broadcast %parallel_loop3A_230 : i32 to vector<16x1xi32>
        %parallel_loop3A_232 = vector.shape_cast %parallel_loop3A_231 : vector<16x1xi32> to vector<16xi32>
        %parallel_loop3A_233 = tpu.dynamic_gather %parallel_loop3A_160[%parallel_loop3A_232] in [0] : vector<16xi32>, vector<16xi32> -> vector<16xi32>
        %parallel_loop3A_234 = arith.constant 16 : i32
        %parallel_loop3A_235 = arith.muli %parallel_loop3A_153, %parallel_loop3A_234 : i32
        %parallel_loop3A_236 = arith.constant 3 : i32
        %parallel_loop3A_237 = arith.addi %parallel_loop3A_235, %parallel_loop3A_236 : i32
        %parallel_loop3A_238 = arith.constant 0 : i32
        %parallel_loop3A_239 = arith.index_cast %parallel_loop3A_238 : i32 to index
        %parallel_loop3A_240 = arith.index_cast %parallel_loop3A_237 : i32 to index
        %parallel_loop3A_241 = arith.constant 0 : index
        %parallel_loop3A_242 = tpu.vector_load %arg7[%parallel_loop3A_239, %parallel_loop3A_240, %parallel_loop3A_241] {strides = array<i32>} : memref<2x128x16xf32, #tpu.memory_space<vmem>>, vector<16xf32>,
        %parallel_loop3A_243 = arith.addi %parallel_loop3A_233, %iota3A : vector<16xi32>
        %parallel_loop3A_244 = arith.mulf %parallel_loop3A_242, %parallel_loop3A_229 : vector<16xf32>
        tpu.vector_store_idx %arg5[%parallel_loop3A_243], %parallel_loop3A_244 {add = true} : memref<65536xf32, #tpu.memory_space<vmem>>[vector<16xi32>], vector<16xf32>,
        %parallel_loop3A_245 = arith.constant 4 : i32
        %parallel_loop3A_246 = vector.broadcast %parallel_loop3A_245 : i32 to vector<16x1xi32>
        %parallel_loop3A_247 = vector.shape_cast %parallel_loop3A_246 : vector<16x1xi32> to vector<16xi32>
        %parallel_loop3A_248 = tpu.dynamic_gather %parallel_loop3A_168[%parallel_loop3A_247] in [0] : vector<16xf32>, vector<16xi32> -> vector<16xf32>
        %parallel_loop3A_249 = arith.constant 4 : i32
        %parallel_loop3A_250 = vector.broadcast %parallel_loop3A_249 : i32 to vector<16x1xi32>
        %parallel_loop3A_251 = vector.shape_cast %parallel_loop3A_250 : vector<16x1xi32> to vector<16xi32>
        %parallel_loop3A_252 = tpu.dynamic_gather %parallel_loop3A_160[%parallel_loop3A_251] in [0] : vector<16xi32>, vector<16xi32> -> vector<16xi32>
        %parallel_loop3A_253 = arith.constant 16 : i32
        %parallel_loop3A_254 = arith.muli %parallel_loop3A_153, %parallel_loop3A_253 : i32
        %parallel_loop3A_255 = arith.constant 4 : i32
        %parallel_loop3A_256 = arith.addi %parallel_loop3A_254, %parallel_loop3A_255 : i32
        %parallel_loop3A_257 = arith.constant 0 : i32
        %parallel_loop3A_258 = arith.index_cast %parallel_loop3A_257 : i32 to index
        %parallel_loop3A_259 = arith.index_cast %parallel_loop3A_256 : i32 to index
        %parallel_loop3A_260 = arith.constant 0 : index
        %parallel_loop3A_261 = tpu.vector_load %arg7[%parallel_loop3A_258, %parallel_loop3A_259, %parallel_loop3A_260] {strides = array<i32>} : memref<2x128x16xf32, #tpu.memory_space<vmem>>, vector<16xf32>,
        %parallel_loop3A_262 = arith.addi %parallel_loop3A_252, %iota3A : vector<16xi32>
        %parallel_loop3A_263 = arith.mulf %parallel_loop3A_261, %parallel_loop3A_248 : vector<16xf32>
        tpu.vector_store_idx %arg5[%parallel_loop3A_262], %parallel_loop3A_263 {add = true} : memref<65536xf32, #tpu.memory_space<vmem>>[vector<16xi32>], vector<16xf32>,
        %parallel_loop3A_264 = arith.constant 5 : i32
        %parallel_loop3A_265 = vector.broadcast %parallel_loop3A_264 : i32 to vector<16x1xi32>
        %parallel_loop3A_266 = vector.shape_cast %parallel_loop3A_265 : vector<16x1xi32> to vector<16xi32>
        %parallel_loop3A_267 = tpu.dynamic_gather %parallel_loop3A_168[%parallel_loop3A_266] in [0] : vector<16xf32>, vector<16xi32> -> vector<16xf32>
        %parallel_loop3A_268 = arith.constant 5 : i32
        %parallel_loop3A_269 = vector.broadcast %parallel_loop3A_268 : i32 to vector<16x1xi32>
        %parallel_loop3A_270 = vector.shape_cast %parallel_loop3A_269 : vector<16x1xi32> to vector<16xi32>
        %parallel_loop3A_271 = tpu.dynamic_gather %parallel_loop3A_160[%parallel_loop3A_270] in [0] : vector<16xi32>, vector<16xi32> -> vector<16xi32>
        %parallel_loop3A_272 = arith.constant 16 : i32
        %parallel_loop3A_273 = arith.muli %parallel_loop3A_153, %parallel_loop3A_272 : i32
        %parallel_loop3A_274 = arith.constant 5 : i32
        %parallel_loop3A_275 = arith.addi %parallel_loop3A_273, %parallel_loop3A_274 : i32
        %parallel_loop3A_276 = arith.constant 0 : i32
        %parallel_loop3A_277 = arith.index_cast %parallel_loop3A_276 : i32 to index
        %parallel_loop3A_278 = arith.index_cast %parallel_loop3A_275 : i32 to index
        %parallel_loop3A_279 = arith.constant 0 : index
        %parallel_loop3A_280 = tpu.vector_load %arg7[%parallel_loop3A_277, %parallel_loop3A_278, %parallel_loop3A_279] {strides = array<i32>} : memref<2x128x16xf32, #tpu.memory_space<vmem>>, vector<16xf32>,
        %parallel_loop3A_281 = arith.addi %parallel_loop3A_271, %iota3A : vector<16xi32>
        %parallel_loop3A_282 = arith.mulf %parallel_loop3A_280, %parallel_loop3A_267 : vector<16xf32>
        tpu.vector_store_idx %arg5[%parallel_loop3A_281], %parallel_loop3A_282 {add = true} : memref<65536xf32, #tpu.memory_space<vmem>>[vector<16xi32>], vector<16xf32>,
        %parallel_loop3A_283 = arith.constant 6 : i32
        %parallel_loop3A_284 = vector.broadcast %parallel_loop3A_283 : i32 to vector<16x1xi32>
        %parallel_loop3A_285 = vector.shape_cast %parallel_loop3A_284 : vector<16x1xi32> to vector<16xi32>
        %parallel_loop3A_286 = tpu.dynamic_gather %parallel_loop3A_168[%parallel_loop3A_285] in [0] : vector<16xf32>, vector<16xi32> -> vector<16xf32>
        %parallel_loop3A_287 = arith.constant 6 : i32
        %parallel_loop3A_288 = vector.broadcast %parallel_loop3A_287 : i32 to vector<16x1xi32>
        %parallel_loop3A_289 = vector.shape_cast %parallel_loop3A_288 : vector<16x1xi32> to vector<16xi32>
        %parallel_loop3A_290 = tpu.dynamic_gather %parallel_loop3A_160[%parallel_loop3A_289] in [0] : vector<16xi32>, vector<16xi32> -> vector<16xi32>
        %parallel_loop3A_291 = arith.constant 16 : i32
        %parallel_loop3A_292 = arith.muli %parallel_loop3A_153, %parallel_loop3A_291 : i32
        %parallel_loop3A_293 = arith.constant 6 : i32
        %parallel_loop3A_294 = arith.addi %parallel_loop3A_292, %parallel_loop3A_293 : i32
        %parallel_loop3A_295 = arith.constant 0 : i32
        %parallel_loop3A_296 = arith.index_cast %parallel_loop3A_295 : i32 to index
        %parallel_loop3A_297 = arith.index_cast %parallel_loop3A_294 : i32 to index
        %parallel_loop3A_298 = arith.constant 0 : index
        %parallel_loop3A_299 = tpu.vector_load %arg7[%parallel_loop3A_296, %parallel_loop3A_297, %parallel_loop3A_298] {strides = array<i32>} : memref<2x128x16xf32, #tpu.memory_space<vmem>>, vector<16xf32>,
        %parallel_loop3A_300 = arith.addi %parallel_loop3A_290, %iota3A : vector<16xi32>
        %parallel_loop3A_301 = arith.mulf %parallel_loop3A_299, %parallel_loop3A_286 : vector<16xf32>
        tpu.vector_store_idx %arg5[%parallel_loop3A_300], %parallel_loop3A_301 {add = true} : memref<65536xf32, #tpu.memory_space<vmem>>[vector<16xi32>], vector<16xf32>,
        %parallel_loop3A_302 = arith.constant 7 : i32
        %parallel_loop3A_303 = vector.broadcast %parallel_loop3A_302 : i32 to vector<16x1xi32>
        %parallel_loop3A_304 = vector.shape_cast %parallel_loop3A_303 : vector<16x1xi32> to vector<16xi32>
        %parallel_loop3A_305 = tpu.dynamic_gather %parallel_loop3A_168[%parallel_loop3A_304] in [0] : vector<16xf32>, vector<16xi32> -> vector<16xf32>
        %parallel_loop3A_306 = arith.constant 7 : i32
        %parallel_loop3A_307 = vector.broadcast %parallel_loop3A_306 : i32 to vector<16x1xi32>
        %parallel_loop3A_308 = vector.shape_cast %parallel_loop3A_307 : vector<16x1xi32> to vector<16xi32>
        %parallel_loop3A_309 = tpu.dynamic_gather %parallel_loop3A_160[%parallel_loop3A_308] in [0] : vector<16xi32>, vector<16xi32> -> vector<16xi32>
        %parallel_loop3A_310 = arith.constant 16 : i32
        %parallel_loop3A_311 = arith.muli %parallel_loop3A_153, %parallel_loop3A_310 : i32
        %parallel_loop3A_312 = arith.constant 7 : i32
        %parallel_loop3A_313 = arith.addi %parallel_loop3A_311, %parallel_loop3A_312 : i32
        %parallel_loop3A_314 = arith.constant 0 : i32
        %parallel_loop3A_315 = arith.index_cast %parallel_loop3A_314 : i32 to index
        %parallel_loop3A_316 = arith.index_cast %parallel_loop3A_313 : i32 to index
        %parallel_loop3A_317 = arith.constant 0 : index
        %parallel_loop3A_318 = tpu.vector_load %arg7[%parallel_loop3A_315, %parallel_loop3A_316, %parallel_loop3A_317] {strides = array<i32>} : memref<2x128x16xf32, #tpu.memory_space<vmem>>, vector<16xf32>,
        %parallel_loop3A_319 = arith.addi %parallel_loop3A_309, %iota3A : vector<16xi32>
        %parallel_loop3A_320 = arith.mulf %parallel_loop3A_318, %parallel_loop3A_305 : vector<16xf32>
        tpu.vector_store_idx %arg5[%parallel_loop3A_319], %parallel_loop3A_320 {add = true} : memref<65536xf32, #tpu.memory_space<vmem>>[vector<16xi32>], vector<16xf32>,
        %parallel_loop3A_321 = arith.constant 8 : i32
        %parallel_loop3A_322 = vector.broadcast %parallel_loop3A_321 : i32 to vector<16x1xi32>
        %parallel_loop3A_323 = vector.shape_cast %parallel_loop3A_322 : vector<16x1xi32> to vector<16xi32>
        %parallel_loop3A_324 = tpu.dynamic_gather %parallel_loop3A_168[%parallel_loop3A_323] in [0] : vector<16xf32>, vector<16xi32> -> vector<16xf32>
        %parallel_loop3A_325 = arith.constant 8 : i32
        %parallel_loop3A_326 = vector.broadcast %parallel_loop3A_325 : i32 to vector<16x1xi32>
        %parallel_loop3A_327 = vector.shape_cast %parallel_loop3A_326 : vector<16x1xi32> to vector<16xi32>
        %parallel_loop3A_328 = tpu.dynamic_gather %parallel_loop3A_160[%parallel_loop3A_327] in [0] : vector<16xi32>, vector<16xi32> -> vector<16xi32>
        %parallel_loop3A_329 = arith.constant 16 : i32
        %parallel_loop3A_330 = arith.muli %parallel_loop3A_153, %parallel_loop3A_329 : i32
        %parallel_loop3A_331 = arith.constant 8 : i32
        %parallel_loop3A_332 = arith.addi %parallel_loop3A_330, %parallel_loop3A_331 : i32
        %parallel_loop3A_333 = arith.constant 0 : i32
        %parallel_loop3A_334 = arith.index_cast %parallel_loop3A_333 : i32 to index
        %parallel_loop3A_335 = arith.index_cast %parallel_loop3A_332 : i32 to index
        %parallel_loop3A_336 = arith.constant 0 : index
        %parallel_loop3A_337 = tpu.vector_load %arg7[%parallel_loop3A_334, %parallel_loop3A_335, %parallel_loop3A_336] {strides = array<i32>} : memref<2x128x16xf32, #tpu.memory_space<vmem>>, vector<16xf32>,
        %parallel_loop3A_338 = arith.addi %parallel_loop3A_328, %iota3A : vector<16xi32>
        %parallel_loop3A_339 = arith.mulf %parallel_loop3A_337, %parallel_loop3A_324 : vector<16xf32>
        tpu.vector_store_idx %arg5[%parallel_loop3A_338], %parallel_loop3A_339 {add = true} : memref<65536xf32, #tpu.memory_space<vmem>>[vector<16xi32>], vector<16xf32>,
        %parallel_loop3A_340 = arith.constant 9 : i32
        %parallel_loop3A_341 = vector.broadcast %parallel_loop3A_340 : i32 to vector<16x1xi32>
        %parallel_loop3A_342 = vector.shape_cast %parallel_loop3A_341 : vector<16x1xi32> to vector<16xi32>
        %parallel_loop3A_343 = tpu.dynamic_gather %parallel_loop3A_168[%parallel_loop3A_342] in [0] : vector<16xf32>, vector<16xi32> -> vector<16xf32>
        %parallel_loop3A_344 = arith.constant 9 : i32
        %parallel_loop3A_345 = vector.broadcast %parallel_loop3A_344 : i32 to vector<16x1xi32>
        %parallel_loop3A_346 = vector.shape_cast %parallel_loop3A_345 : vector<16x1xi32> to vector<16xi32>
        %parallel_loop3A_347 = tpu.dynamic_gather %parallel_loop3A_160[%parallel_loop3A_346] in [0] : vector<16xi32>, vector<16xi32> -> vector<16xi32>
        %parallel_loop3A_348 = arith.constant 16 : i32
        %parallel_loop3A_349 = arith.muli %parallel_loop3A_153, %parallel_loop3A_348 : i32
        %parallel_loop3A_350 = arith.constant 9 : i32
        %parallel_loop3A_351 = arith.addi %parallel_loop3A_349, %parallel_loop3A_350 : i32
        %parallel_loop3A_352 = arith.constant 0 : i32
        %parallel_loop3A_353 = arith.index_cast %parallel_loop3A_352 : i32 to index
        %parallel_loop3A_354 = arith.index_cast %parallel_loop3A_351 : i32 to index
        %parallel_loop3A_355 = arith.constant 0 : index
        %parallel_loop3A_356 = tpu.vector_load %arg7[%parallel_loop3A_353, %parallel_loop3A_354, %parallel_loop3A_355] {strides = array<i32>} : memref<2x128x16xf32, #tpu.memory_space<vmem>>, vector<16xf32>,
        %parallel_loop3A_357 = arith.addi %parallel_loop3A_347, %iota3A : vector<16xi32>
        %parallel_loop3A_358 = arith.mulf %parallel_loop3A_356, %parallel_loop3A_343 : vector<16xf32>
        tpu.vector_store_idx %arg5[%parallel_loop3A_357], %parallel_loop3A_358 {add = true} : memref<65536xf32, #tpu.memory_space<vmem>>[vector<16xi32>], vector<16xf32>,
        %parallel_loop3A_359 = arith.constant 10 : i32
        %parallel_loop3A_360 = vector.broadcast %parallel_loop3A_359 : i32 to vector<16x1xi32>
        %parallel_loop3A_361 = vector.shape_cast %parallel_loop3A_360 : vector<16x1xi32> to vector<16xi32>
        %parallel_loop3A_362 = tpu.dynamic_gather %parallel_loop3A_168[%parallel_loop3A_361] in [0] : vector<16xf32>, vector<16xi32> -> vector<16xf32>
        %parallel_loop3A_363 = arith.constant 10 : i32
        %parallel_loop3A_364 = vector.broadcast %parallel_loop3A_363 : i32 to vector<16x1xi32>
        %parallel_loop3A_365 = vector.shape_cast %parallel_loop3A_364 : vector<16x1xi32> to vector<16xi32>
        %parallel_loop3A_366 = tpu.dynamic_gather %parallel_loop3A_160[%parallel_loop3A_365] in [0] : vector<16xi32>, vector<16xi32> -> vector<16xi32>
        %parallel_loop3A_367 = arith.constant 16 : i32
        %parallel_loop3A_368 = arith.muli %parallel_loop3A_153, %parallel_loop3A_367 : i32
        %parallel_loop3A_369 = arith.constant 10 : i32
        %parallel_loop3A_370 = arith.addi %parallel_loop3A_368, %parallel_loop3A_369 : i32
        %parallel_loop3A_371 = arith.constant 0 : i32
        %parallel_loop3A_372 = arith.index_cast %parallel_loop3A_371 : i32 to index
        %parallel_loop3A_373 = arith.index_cast %parallel_loop3A_370 : i32 to index
        %parallel_loop3A_374 = arith.constant 0 : index
        %parallel_loop3A_375 = tpu.vector_load %arg7[%parallel_loop3A_372, %parallel_loop3A_373, %parallel_loop3A_374] {strides = array<i32>} : memref<2x128x16xf32, #tpu.memory_space<vmem>>, vector<16xf32>,
        %parallel_loop3A_376 = arith.addi %parallel_loop3A_366, %iota3A : vector<16xi32>
        %parallel_loop3A_377 = arith.mulf %parallel_loop3A_375, %parallel_loop3A_362 : vector<16xf32>
        tpu.vector_store_idx %arg5[%parallel_loop3A_376], %parallel_loop3A_377 {add = true} : memref<65536xf32, #tpu.memory_space<vmem>>[vector<16xi32>], vector<16xf32>,
        %parallel_loop3A_378 = arith.constant 11 : i32
        %parallel_loop3A_379 = vector.broadcast %parallel_loop3A_378 : i32 to vector<16x1xi32>
        %parallel_loop3A_380 = vector.shape_cast %parallel_loop3A_379 : vector<16x1xi32> to vector<16xi32>
        %parallel_loop3A_381 = tpu.dynamic_gather %parallel_loop3A_168[%parallel_loop3A_380] in [0] : vector<16xf32>, vector<16xi32> -> vector<16xf32>
        %parallel_loop3A_382 = arith.constant 11 : i32
        %parallel_loop3A_383 = vector.broadcast %parallel_loop3A_382 : i32 to vector<16x1xi32>
        %parallel_loop3A_384 = vector.shape_cast %parallel_loop3A_383 : vector<16x1xi32> to vector<16xi32>
        %parallel_loop3A_385 = tpu.dynamic_gather %parallel_loop3A_160[%parallel_loop3A_384] in [0] : vector<16xi32>, vector<16xi32> -> vector<16xi32>
        %parallel_loop3A_386 = arith.constant 16 : i32
        %parallel_loop3A_387 = arith.muli %parallel_loop3A_153, %parallel_loop3A_386 : i32
        %parallel_loop3A_388 = arith.constant 11 : i32
        %parallel_loop3A_389 = arith.addi %parallel_loop3A_387, %parallel_loop3A_388 : i32
        %parallel_loop3A_390 = arith.constant 0 : i32
        %parallel_loop3A_391 = arith.index_cast %parallel_loop3A_390 : i32 to index
        %parallel_loop3A_392 = arith.index_cast %parallel_loop3A_389 : i32 to index
        %parallel_loop3A_393 = arith.constant 0 : index
        %parallel_loop3A_394 = tpu.vector_load %arg7[%parallel_loop3A_391, %parallel_loop3A_392, %parallel_loop3A_393] {strides = array<i32>} : memref<2x128x16xf32, #tpu.memory_space<vmem>>, vector<16xf32>,
        %parallel_loop3A_395 = arith.addi %parallel_loop3A_385, %iota3A : vector<16xi32>
        %parallel_loop3A_396 = arith.mulf %parallel_loop3A_394, %parallel_loop3A_381 : vector<16xf32>
        tpu.vector_store_idx %arg5[%parallel_loop3A_395], %parallel_loop3A_396 {add = true} : memref<65536xf32, #tpu.memory_space<vmem>>[vector<16xi32>], vector<16xf32>,
        %parallel_loop3A_397 = arith.constant 12 : i32
        %parallel_loop3A_398 = vector.broadcast %parallel_loop3A_397 : i32 to vector<16x1xi32>
        %parallel_loop3A_399 = vector.shape_cast %parallel_loop3A_398 : vector<16x1xi32> to vector<16xi32>
        %parallel_loop3A_400 = tpu.dynamic_gather %parallel_loop3A_168[%parallel_loop3A_399] in [0] : vector<16xf32>, vector<16xi32> -> vector<16xf32>
        %parallel_loop3A_401 = arith.constant 12 : i32
        %parallel_loop3A_402 = vector.broadcast %parallel_loop3A_401 : i32 to vector<16x1xi32>
        %parallel_loop3A_403 = vector.shape_cast %parallel_loop3A_402 : vector<16x1xi32> to vector<16xi32>
        %parallel_loop3A_404 = tpu.dynamic_gather %parallel_loop3A_160[%parallel_loop3A_403] in [0] : vector<16xi32>, vector<16xi32> -> vector<16xi32>
        %parallel_loop3A_405 = arith.constant 16 : i32
        %parallel_loop3A_406 = arith.muli %parallel_loop3A_153, %parallel_loop3A_405 : i32
        %parallel_loop3A_407 = arith.constant 12 : i32
        %parallel_loop3A_408 = arith.addi %parallel_loop3A_406, %parallel_loop3A_407 : i32
        %parallel_loop3A_409 = arith.constant 0 : i32
        %parallel_loop3A_410 = arith.index_cast %parallel_loop3A_409 : i32 to index
        %parallel_loop3A_411 = arith.index_cast %parallel_loop3A_408 : i32 to index
        %parallel_loop3A_412 = arith.constant 0 : index
        %parallel_loop3A_413 = tpu.vector_load %arg7[%parallel_loop3A_410, %parallel_loop3A_411, %parallel_loop3A_412] {strides = array<i32>} : memref<2x128x16xf32, #tpu.memory_space<vmem>>, vector<16xf32>,
        %parallel_loop3A_414 = arith.addi %parallel_loop3A_404, %iota3A : vector<16xi32>
        %parallel_loop3A_415 = arith.mulf %parallel_loop3A_413, %parallel_loop3A_400 : vector<16xf32>
        tpu.vector_store_idx %arg5[%parallel_loop3A_414], %parallel_loop3A_415 {add = true} : memref<65536xf32, #tpu.memory_space<vmem>>[vector<16xi32>], vector<16xf32>,
        %parallel_loop3A_416 = arith.constant 13 : i32
        %parallel_loop3A_417 = vector.broadcast %parallel_loop3A_416 : i32 to vector<16x1xi32>
        %parallel_loop3A_418 = vector.shape_cast %parallel_loop3A_417 : vector<16x1xi32> to vector<16xi32>
        %parallel_loop3A_419 = tpu.dynamic_gather %parallel_loop3A_168[%parallel_loop3A_418] in [0] : vector<16xf32>, vector<16xi32> -> vector<16xf32>
        %parallel_loop3A_420 = arith.constant 13 : i32
        %parallel_loop3A_421 = vector.broadcast %parallel_loop3A_420 : i32 to vector<16x1xi32>
        %parallel_loop3A_422 = vector.shape_cast %parallel_loop3A_421 : vector<16x1xi32> to vector<16xi32>
        %parallel_loop3A_423 = tpu.dynamic_gather %parallel_loop3A_160[%parallel_loop3A_422] in [0] : vector<16xi32>, vector<16xi32> -> vector<16xi32>
        %parallel_loop3A_424 = arith.constant 16 : i32
        %parallel_loop3A_425 = arith.muli %parallel_loop3A_153, %parallel_loop3A_424 : i32
        %parallel_loop3A_426 = arith.constant 13 : i32
        %parallel_loop3A_427 = arith.addi %parallel_loop3A_425, %parallel_loop3A_426 : i32
        %parallel_loop3A_428 = arith.constant 0 : i32
        %parallel_loop3A_429 = arith.index_cast %parallel_loop3A_428 : i32 to index
        %parallel_loop3A_430 = arith.index_cast %parallel_loop3A_427 : i32 to index
        %parallel_loop3A_431 = arith.constant 0 : index
        %parallel_loop3A_432 = tpu.vector_load %arg7[%parallel_loop3A_429, %parallel_loop3A_430, %parallel_loop3A_431] {strides = array<i32>} : memref<2x128x16xf32, #tpu.memory_space<vmem>>, vector<16xf32>,
        %parallel_loop3A_433 = arith.addi %parallel_loop3A_423, %iota3A : vector<16xi32>
        %parallel_loop3A_434 = arith.mulf %parallel_loop3A_432, %parallel_loop3A_419 : vector<16xf32>
        tpu.vector_store_idx %arg5[%parallel_loop3A_433], %parallel_loop3A_434 {add = true} : memref<65536xf32, #tpu.memory_space<vmem>>[vector<16xi32>], vector<16xf32>,
        %parallel_loop3A_435 = arith.constant 14 : i32
        %parallel_loop3A_436 = vector.broadcast %parallel_loop3A_435 : i32 to vector<16x1xi32>
        %parallel_loop3A_437 = vector.shape_cast %parallel_loop3A_436 : vector<16x1xi32> to vector<16xi32>
        %parallel_loop3A_438 = tpu.dynamic_gather %parallel_loop3A_168[%parallel_loop3A_437] in [0] : vector<16xf32>, vector<16xi32> -> vector<16xf32>
        %parallel_loop3A_439 = arith.constant 14 : i32
        %parallel_loop3A_440 = vector.broadcast %parallel_loop3A_439 : i32 to vector<16x1xi32>
        %parallel_loop3A_441 = vector.shape_cast %parallel_loop3A_440 : vector<16x1xi32> to vector<16xi32>
        %parallel_loop3A_442 = tpu.dynamic_gather %parallel_loop3A_160[%parallel_loop3A_441] in [0] : vector<16xi32>, vector<16xi32> -> vector<16xi32>
        %parallel_loop3A_443 = arith.constant 16 : i32
        %parallel_loop3A_444 = arith.muli %parallel_loop3A_153, %parallel_loop3A_443 : i32
        %parallel_loop3A_445 = arith.constant 14 : i32
        %parallel_loop3A_446 = arith.addi %parallel_loop3A_444, %parallel_loop3A_445 : i32
        %parallel_loop3A_447 = arith.constant 0 : i32
        %parallel_loop3A_448 = arith.index_cast %parallel_loop3A_447 : i32 to index
        %parallel_loop3A_449 = arith.index_cast %parallel_loop3A_446 : i32 to index
        %parallel_loop3A_450 = arith.constant 0 : index
        %parallel_loop3A_451 = tpu.vector_load %arg7[%parallel_loop3A_448, %parallel_loop3A_449, %parallel_loop3A_450] {strides = array<i32>} : memref<2x128x16xf32, #tpu.memory_space<vmem>>, vector<16xf32>,
        %parallel_loop3A_452 = arith.addi %parallel_loop3A_442, %iota3A : vector<16xi32>
        %parallel_loop3A_453 = arith.mulf %parallel_loop3A_451, %parallel_loop3A_438 : vector<16xf32>
        tpu.vector_store_idx %arg5[%parallel_loop3A_452], %parallel_loop3A_453 {add = true} : memref<65536xf32, #tpu.memory_space<vmem>>[vector<16xi32>], vector<16xf32>,
        %parallel_loop3A_454 = arith.constant 15 : i32
        %parallel_loop3A_455 = vector.broadcast %parallel_loop3A_454 : i32 to vector<16x1xi32>
        %parallel_loop3A_456 = vector.shape_cast %parallel_loop3A_455 : vector<16x1xi32> to vector<16xi32>
        %parallel_loop3A_457 = tpu.dynamic_gather %parallel_loop3A_168[%parallel_loop3A_456] in [0] : vector<16xf32>, vector<16xi32> -> vector<16xf32>
        %parallel_loop3A_458 = arith.constant 15 : i32
        %parallel_loop3A_459 = vector.broadcast %parallel_loop3A_458 : i32 to vector<16x1xi32>
        %parallel_loop3A_460 = vector.shape_cast %parallel_loop3A_459 : vector<16x1xi32> to vector<16xi32>
        %parallel_loop3A_461 = tpu.dynamic_gather %parallel_loop3A_160[%parallel_loop3A_460] in [0] : vector<16xi32>, vector<16xi32> -> vector<16xi32>
        %parallel_loop3A_462 = arith.constant 16 : i32
        %parallel_loop3A_463 = arith.muli %parallel_loop3A_153, %parallel_loop3A_462 : i32
        %parallel_loop3A_464 = arith.constant 15 : i32
        %parallel_loop3A_465 = arith.addi %parallel_loop3A_463, %parallel_loop3A_464 : i32
        %parallel_loop3A_466 = arith.constant 0 : i32
        %parallel_loop3A_467 = arith.index_cast %parallel_loop3A_466 : i32 to index
        %parallel_loop3A_468 = arith.index_cast %parallel_loop3A_465 : i32 to index
        %parallel_loop3A_469 = arith.constant 0 : index
        %parallel_loop3A_470 = tpu.vector_load %arg7[%parallel_loop3A_467, %parallel_loop3A_468, %parallel_loop3A_469] {strides = array<i32>} : memref<2x128x16xf32, #tpu.memory_space<vmem>>, vector<16xf32>,
        %parallel_loop3A_471 = arith.addi %parallel_loop3A_461, %iota3A : vector<16xi32>
        %parallel_loop3A_472 = arith.mulf %parallel_loop3A_470, %parallel_loop3A_457 : vector<16xf32>
        tpu.vector_store_idx %arg5[%parallel_loop3A_471], %parallel_loop3A_472 {add = true} : memref<65536xf32, #tpu.memory_space<vmem>>[vector<16xi32>], vector<16xf32>,
      } {sc.loop_unroll_factor = 4 : i64, sc.parallel_access}
      %mul3A_115 = arith.constant 2 : i32
      %mul3A_116 = arith.muli %scan3A_76, %mul3A_115 : i32
      %add3A_117 = arith.constant 1 : i32
      %add3A_118 = arith.addi %mul3A_116, %add3A_117 : i32
      %add3A_119 = arith.constant 1 : i32
      %add3A_120 = arith.addi %add3A_118, %add3A_119 : i32
      %mul3A_121 = arith.constant 384 : i32
      %mul3A_122 = arith.muli %add3A_120, %mul3A_121 : i32
      %dma_start3A_123 = arith.constant 0 : i32
      %dma_start3A_124 = arith.constant 0 : i32
      %dma_start3A_125 = arith.constant 0 : i32
      %dma_start3A_126 = tpu.memref_slice %arg7[%dma_start3A_123, %dma_start3A_124, %dma_start3A_125] : memref<2x128x16xf32, #tpu.memory_space<vmem>> -> memref<1x128x16xf32, #tpu.memory_space<vmem>>
      %dma_start3A_127 = tpu.memref_squeeze %dma_start3A_126 : memref<1x128x16xf32, #tpu.memory_space<vmem>> -> memref<128x16xf32, #tpu.memory_space<vmem>>
      %dma_start3A_128 = tpu.memref_slice %arg6[%mul3A_122] : memref<16128xi32, #tpu.memory_space<vmem>> -> memref<128xi32, #tpu.memory_space<vmem>>
      %dma_start3A_129 = arith.constant 0 : i32
      %dma_start3A_130 = arith.constant 0 : i32
      %dma_start3A_131 = tpu.memref_slice %arg2[%dma_start3A_129, %dma_start3A_130] : memref<4096x16xf32, #tpu.memory_space<hbm>> -> memref<4096x16xf32, #tpu.memory_space<hbm>>
      tpu.enqueue_indirect_dma source(%dma_start3A_131 : memref<4096x16xf32, #tpu.memory_space<hbm>>) target(%dma_start3A_127 : memref<128x16xf32, #tpu.memory_space<vmem>>) offsets(%dma_start3A_128 : memref<128xi32, #tpu.memory_space<vmem>>) semaphore(%arg9 : memref<!tpu.dma_semaphore, #tpu.memory_space<semaphore_mem>>)
      %dma_wait3A_132 = arith.constant 1 : i32
      %dma_wait3A_133 = arith.constant 0 : i32
      %dma_wait3A_134 = arith.constant 0 : i32
      %dma_wait3A_135 = tpu.memref_slice %arg7[%dma_wait3A_132, %dma_wait3A_133, %dma_wait3A_134] : memref<2x128x16xf32, #tpu.memory_space<vmem>> -> memref<1x128x16xf32, #tpu.memory_space<vmem>>
      %dma_wait3A_136 = tpu.memref_squeeze %dma_wait3A_135 : memref<1x128x16xf32, #tpu.memory_space<vmem>> -> memref<128x16xf32, #tpu.memory_space<vmem>>
      %dma_wait3A_137 = arith.constant 0 : i32
      %dma_wait3A_138 = arith.constant 0 : i32
      %dma_wait3A_139 = tpu.memref_slice %arg2[%dma_wait3A_137, %dma_wait3A_138] : memref<4096x16xf32, #tpu.memory_space<hbm>> -> memref<128x16xf32, #tpu.memory_space<hbm>>
      %dma_wait3A_140 = arith.constant 0 : i32
      %dma_wait3A_141 = arith.constant 0 : i32
      %dma_wait3A_142 = tpu.memref_slice %arg7[%dma_wait3A_132, %dma_wait3A_140, %dma_wait3A_141] : memref<2x128x16xf32, #tpu.memory_space<vmem>> -> memref<1x128x16xf32, #tpu.memory_space<vmem>>
      %dma_wait3A_143 = tpu.memref_squeeze %dma_wait3A_142 : memref<1x128x16xf32, #tpu.memory_space<vmem>> -> memref<128x16xf32, #tpu.memory_space<vmem>>
      %dma_wait3A_144 = arith.constant 0 : i32
      %dma_wait3A_145 = arith.constant 0 : i32
      %dma_wait3A_146 = tpu.memref_slice %arg2[%dma_wait3A_144, %dma_wait3A_145] : memref<4096x16xf32, #tpu.memory_space<hbm>> -> memref<128x16xf32, #tpu.memory_space<hbm>>
      tpu.wait_dma2 semaphore(%arg10 : memref<!tpu.dma_semaphore, #tpu.memory_space<semaphore_mem>>) src(%dma_wait3A_146 : memref<128x16xf32, #tpu.memory_space<hbm>>) dst(%dma_wait3A_143 : memref<128x16xf32, #tpu.memory_space<vmem>>)
      %mul3A_147 = arith.constant 384 : i32
      %mul3A_148 = arith.muli %add3A_118, %mul3A_147 : i32
      %parallel_loop3A_149 = arith.constant 0 : i32
      %parallel_loop3A_150 = arith.constant 8 : i32
      %parallel_loop3A_151 = arith.constant 1 : i32
      scf.for %parallel_loop3A_153 = %parallel_loop3A_149 to %parallel_loop3A_150 step %parallel_loop3A_151  : i32 {
        %parallel_loop3A_154 = arith.constant 128 : i32
        %parallel_loop3A_155 = arith.addi %mul3A_148, %parallel_loop3A_154 : i32
        %parallel_loop3A_156 = arith.constant 16 : i32
        %parallel_loop3A_157 = arith.muli %parallel_loop3A_153, %parallel_loop3A_156 : i32
        %parallel_loop3A_158 = arith.addi %parallel_loop3A_155, %parallel_loop3A_157 : i32
        %parallel_loop3A_159 = arith.index_cast %parallel_loop3A_158 : i32 to index
        %parallel_loop3A_160 = tpu.vector_load %arg6[%parallel_loop3A_159] {strides = array<i32>} : memref<16128xi32, #tpu.memory_space<vmem>>, vector<16xi32>,
        %parallel_loop3A_161 = arith.constant 256 : i32
        %parallel_loop3A_162 = arith.addi %mul3A_148, %parallel_loop3A_161 : i32
        %parallel_loop3A_163 = arith.constant 16 : i32
        %parallel_loop3A_164 = arith.muli %parallel_loop3A_153, %parallel_loop3A_163 : i32
        %parallel_loop3A_165 = arith.addi %parallel_loop3A_162, %parallel_loop3A_164 : i32
        %parallel_loop3A_166 = arith.index_cast %parallel_loop3A_165 : i32 to index
        %parallel_loop3A_167 = tpu.vector_load %arg6[%parallel_loop3A_166] {strides = array<i32>} : memref<16128xi32, #tpu.memory_space<vmem>>, vector<16xi32>,
        %parallel_loop3A_168 = vector.bitcast %parallel_loop3A_167 : vector<16xi32> to vector<16xf32>
        %parallel_loop3A_169 = arith.constant 0 : i32
        %parallel_loop3A_170 = vector.broadcast %parallel_loop3A_169 : i32 to vector<16x1xi32>
        %parallel_loop3A_171 = vector.shape_cast %parallel_loop3A_170 : vector<16x1xi32> to vector<16xi32>
        %parallel_loop3A_172 = tpu.dynamic_gather %parallel_loop3A_168[%parallel_loop3A_171] in [0] : vector<16xf32>, vector<16xi32> -> vector<16xf32>
        %parallel_loop3A_173 = arith.constant 0 : i32
        %parallel_loop3A_174 = vector.broadcast %parallel_loop3A_173 : i32 to vector<16x1xi32>
        %parallel_loop3A_175 = vector.shape_cast %parallel_loop3A_174 : vector<16x1xi32> to vector<16xi32>
        %parallel_loop3A_176 = tpu.dynamic_gather %parallel_loop3A_160[%parallel_loop3A_175] in [0] : vector<16xi32>, vector<16xi32> -> vector<16xi32>
        %parallel_loop3A_177 = arith.constant 16 : i32
        %parallel_loop3A_178 = arith.muli %parallel_loop3A_153, %parallel_loop3A_177 : i32
        %parallel_loop3A_179 = arith.constant 0 : i32
        %parallel_loop3A_180 = arith.addi %parallel_loop3A_178, %parallel_loop3A_179 : i32
        %parallel_loop3A_181 = arith.constant 1 : i32
        %parallel_loop3A_182 = arith.index_cast %parallel_loop3A_181 : i32 to index
        %parallel_loop3A_183 = arith.index_cast %parallel_loop3A_180 : i32 to index
        %parallel_loop3A_184 = arith.constant 0 : index
        %parallel_loop3A_185 = tpu.vector_load %arg7[%parallel_loop3A_182, %parallel_loop3A_183, %parallel_loop3A_184] {strides = array<i32>} : memref<2x128x16xf32, #tpu.memory_space<vmem>>, vector<16xf32>,
        %parallel_loop3A_186 = arith.addi %parallel_loop3A_176, %iota3A : vector<16xi32>
        %parallel_loop3A_187 = arith.mulf %parallel_loop3A_185, %parallel_loop3A_172 : vector<16xf32>
        tpu.vector_store_idx %arg5[%parallel_loop3A_186], %parallel_loop3A_187 {add = true} : memref<65536xf32, #tpu.memory_space<vmem>>[vector<16xi32>], vector<16xf32>,
        %parallel_loop3A_188 = arith.constant 1 : i32
        %parallel_loop3A_189 = vector.broadcast %parallel_loop3A_188 : i32 to vector<16x1xi32>
        %parallel_loop3A_190 = vector.shape_cast %parallel_loop3A_189 : vector<16x1xi32> to vector<16xi32>
        %parallel_loop3A_191 = tpu.dynamic_gather %parallel_loop3A_168[%parallel_loop3A_190] in [0] : vector<16xf32>, vector<16xi32> -> vector<16xf32>
        %parallel_loop3A_192 = arith.constant 1 : i32
        %parallel_loop3A_193 = vector.broadcast %parallel_loop3A_192 : i32 to vector<16x1xi32>
        %parallel_loop3A_194 = vector.shape_cast %parallel_loop3A_193 : vector<16x1xi32> to vector<16xi32>
        %parallel_loop3A_195 = tpu.dynamic_gather %parallel_loop3A_160[%parallel_loop3A_194] in [0] : vector<16xi32>, vector<16xi32> -> vector<16xi32>
        %parallel_loop3A_196 = arith.constant 16 : i32
        %parallel_loop3A_197 = arith.muli %parallel_loop3A_153, %parallel_loop3A_196 : i32
        %parallel_loop3A_198 = arith.constant 1 : i32
        %parallel_loop3A_199 = arith.addi %parallel_loop3A_197, %parallel_loop3A_198 : i32
        %parallel_loop3A_200 = arith.constant 1 : i32
        %parallel_loop3A_201 = arith.index_cast %parallel_loop3A_200 : i32 to index
        %parallel_loop3A_202 = arith.index_cast %parallel_loop3A_199 : i32 to index
        %parallel_loop3A_203 = arith.constant 0 : index
        %parallel_loop3A_204 = tpu.vector_load %arg7[%parallel_loop3A_201, %parallel_loop3A_202, %parallel_loop3A_203] {strides = array<i32>} : memref<2x128x16xf32, #tpu.memory_space<vmem>>, vector<16xf32>,
        %parallel_loop3A_205 = arith.addi %parallel_loop3A_195, %iota3A : vector<16xi32>
        %parallel_loop3A_206 = arith.mulf %parallel_loop3A_204, %parallel_loop3A_191 : vector<16xf32>
        tpu.vector_store_idx %arg5[%parallel_loop3A_205], %parallel_loop3A_206 {add = true} : memref<65536xf32, #tpu.memory_space<vmem>>[vector<16xi32>], vector<16xf32>,
        %parallel_loop3A_207 = arith.constant 2 : i32
        %parallel_loop3A_208 = vector.broadcast %parallel_loop3A_207 : i32 to vector<16x1xi32>
        %parallel_loop3A_209 = vector.shape_cast %parallel_loop3A_208 : vector<16x1xi32> to vector<16xi32>
        %parallel_loop3A_210 = tpu.dynamic_gather %parallel_loop3A_168[%parallel_loop3A_209] in [0] : vector<16xf32>, vector<16xi32> -> vector<16xf32>
        %parallel_loop3A_211 = arith.constant 2 : i32
        %parallel_loop3A_212 = vector.broadcast %parallel_loop3A_211 : i32 to vector<16x1xi32>
        %parallel_loop3A_213 = vector.shape_cast %parallel_loop3A_212 : vector<16x1xi32> to vector<16xi32>
        %parallel_loop3A_214 = tpu.dynamic_gather %parallel_loop3A_160[%parallel_loop3A_213] in [0] : vector<16xi32>, vector<16xi32> -> vector<16xi32>
        %parallel_loop3A_215 = arith.constant 16 : i32
        %parallel_loop3A_216 = arith.muli %parallel_loop3A_153, %parallel_loop3A_215 : i32
        %parallel_loop3A_217 = arith.constant 2 : i32
        %parallel_loop3A_218 = arith.addi %parallel_loop3A_216, %parallel_loop3A_217 : i32
        %parallel_loop3A_219 = arith.constant 1 : i32
        %parallel_loop3A_220 = arith.index_cast %parallel_loop3A_219 : i32 to index
        %parallel_loop3A_221 = arith.index_cast %parallel_loop3A_218 : i32 to index
        %parallel_loop3A_222 = arith.constant 0 : index
        %parallel_loop3A_223 = tpu.vector_load %arg7[%parallel_loop3A_220, %parallel_loop3A_221, %parallel_loop3A_222] {strides = array<i32>} : memref<2x128x16xf32, #tpu.memory_space<vmem>>, vector<16xf32>,
        %parallel_loop3A_224 = arith.addi %parallel_loop3A_214, %iota3A : vector<16xi32>
        %parallel_loop3A_225 = arith.mulf %parallel_loop3A_223, %parallel_loop3A_210 : vector<16xf32>
        tpu.vector_store_idx %arg5[%parallel_loop3A_224], %parallel_loop3A_225 {add = true} : memref<65536xf32, #tpu.memory_space<vmem>>[vector<16xi32>], vector<16xf32>,
        %parallel_loop3A_226 = arith.constant 3 : i32
        %parallel_loop3A_227 = vector.broadcast %parallel_loop3A_226 : i32 to vector<16x1xi32>
        %parallel_loop3A_228 = vector.shape_cast %parallel_loop3A_227 : vector<16x1xi32> to vector<16xi32>
        %parallel_loop3A_229 = tpu.dynamic_gather %parallel_loop3A_168[%parallel_loop3A_228] in [0] : vector<16xf32>, vector<16xi32> -> vector<16xf32>
        %parallel_loop3A_230 = arith.constant 3 : i32
        %parallel_loop3A_231 = vector.broadcast %parallel_loop3A_230 : i32 to vector<16x1xi32>
        %parallel_loop3A_232 = vector.shape_cast %parallel_loop3A_231 : vector<16x1xi32> to vector<16xi32>
        %parallel_loop3A_233 = tpu.dynamic_gather %parallel_loop3A_160[%parallel_loop3A_232] in [0] : vector<16xi32>, vector<16xi32> -> vector<16xi32>
        %parallel_loop3A_234 = arith.constant 16 : i32
        %parallel_loop3A_235 = arith.muli %parallel_loop3A_153, %parallel_loop3A_234 : i32
        %parallel_loop3A_236 = arith.constant 3 : i32
        %parallel_loop3A_237 = arith.addi %parallel_loop3A_235, %parallel_loop3A_236 : i32
        %parallel_loop3A_238 = arith.constant 1 : i32
        %parallel_loop3A_239 = arith.index_cast %parallel_loop3A_238 : i32 to index
        %parallel_loop3A_240 = arith.index_cast %parallel_loop3A_237 : i32 to index
        %parallel_loop3A_241 = arith.constant 0 : index
        %parallel_loop3A_242 = tpu.vector_load %arg7[%parallel_loop3A_239, %parallel_loop3A_240, %parallel_loop3A_241] {strides = array<i32>} : memref<2x128x16xf32, #tpu.memory_space<vmem>>, vector<16xf32>,
        %parallel_loop3A_243 = arith.addi %parallel_loop3A_233, %iota3A : vector<16xi32>
        %parallel_loop3A_244 = arith.mulf %parallel_loop3A_242, %parallel_loop3A_229 : vector<16xf32>
        tpu.vector_store_idx %arg5[%parallel_loop3A_243], %parallel_loop3A_244 {add = true} : memref<65536xf32, #tpu.memory_space<vmem>>[vector<16xi32>], vector<16xf32>,
        %parallel_loop3A_245 = arith.constant 4 : i32
        %parallel_loop3A_246 = vector.broadcast %parallel_loop3A_245 : i32 to vector<16x1xi32>
        %parallel_loop3A_247 = vector.shape_cast %parallel_loop3A_246 : vector<16x1xi32> to vector<16xi32>
        %parallel_loop3A_248 = tpu.dynamic_gather %parallel_loop3A_168[%parallel_loop3A_247] in [0] : vector<16xf32>, vector<16xi32> -> vector<16xf32>
        %parallel_loop3A_249 = arith.constant 4 : i32
        %parallel_loop3A_250 = vector.broadcast %parallel_loop3A_249 : i32 to vector<16x1xi32>
        %parallel_loop3A_251 = vector.shape_cast %parallel_loop3A_250 : vector<16x1xi32> to vector<16xi32>
        %parallel_loop3A_252 = tpu.dynamic_gather %parallel_loop3A_160[%parallel_loop3A_251] in [0] : vector<16xi32>, vector<16xi32> -> vector<16xi32>
        %parallel_loop3A_253 = arith.constant 16 : i32
        %parallel_loop3A_254 = arith.muli %parallel_loop3A_153, %parallel_loop3A_253 : i32
        %parallel_loop3A_255 = arith.constant 4 : i32
        %parallel_loop3A_256 = arith.addi %parallel_loop3A_254, %parallel_loop3A_255 : i32
        %parallel_loop3A_257 = arith.constant 1 : i32
        %parallel_loop3A_258 = arith.index_cast %parallel_loop3A_257 : i32 to index
        %parallel_loop3A_259 = arith.index_cast %parallel_loop3A_256 : i32 to index
        %parallel_loop3A_260 = arith.constant 0 : index
        %parallel_loop3A_261 = tpu.vector_load %arg7[%parallel_loop3A_258, %parallel_loop3A_259, %parallel_loop3A_260] {strides = array<i32>} : memref<2x128x16xf32, #tpu.memory_space<vmem>>, vector<16xf32>,
        %parallel_loop3A_262 = arith.addi %parallel_loop3A_252, %iota3A : vector<16xi32>
        %parallel_loop3A_263 = arith.mulf %parallel_loop3A_261, %parallel_loop3A_248 : vector<16xf32>
        tpu.vector_store_idx %arg5[%parallel_loop3A_262], %parallel_loop3A_263 {add = true} : memref<65536xf32, #tpu.memory_space<vmem>>[vector<16xi32>], vector<16xf32>,
        %parallel_loop3A_264 = arith.constant 5 : i32
        %parallel_loop3A_265 = vector.broadcast %parallel_loop3A_264 : i32 to vector<16x1xi32>
        %parallel_loop3A_266 = vector.shape_cast %parallel_loop3A_265 : vector<16x1xi32> to vector<16xi32>
        %parallel_loop3A_267 = tpu.dynamic_gather %parallel_loop3A_168[%parallel_loop3A_266] in [0] : vector<16xf32>, vector<16xi32> -> vector<16xf32>
        %parallel_loop3A_268 = arith.constant 5 : i32
        %parallel_loop3A_269 = vector.broadcast %parallel_loop3A_268 : i32 to vector<16x1xi32>
        %parallel_loop3A_270 = vector.shape_cast %parallel_loop3A_269 : vector<16x1xi32> to vector<16xi32>
        %parallel_loop3A_271 = tpu.dynamic_gather %parallel_loop3A_160[%parallel_loop3A_270] in [0] : vector<16xi32>, vector<16xi32> -> vector<16xi32>
        %parallel_loop3A_272 = arith.constant 16 : i32
        %parallel_loop3A_273 = arith.muli %parallel_loop3A_153, %parallel_loop3A_272 : i32
        %parallel_loop3A_274 = arith.constant 5 : i32
        %parallel_loop3A_275 = arith.addi %parallel_loop3A_273, %parallel_loop3A_274 : i32
        %parallel_loop3A_276 = arith.constant 1 : i32
        %parallel_loop3A_277 = arith.index_cast %parallel_loop3A_276 : i32 to index
        %parallel_loop3A_278 = arith.index_cast %parallel_loop3A_275 : i32 to index
        %parallel_loop3A_279 = arith.constant 0 : index
        %parallel_loop3A_280 = tpu.vector_load %arg7[%parallel_loop3A_277, %parallel_loop3A_278, %parallel_loop3A_279] {strides = array<i32>} : memref<2x128x16xf32, #tpu.memory_space<vmem>>, vector<16xf32>,
        %parallel_loop3A_281 = arith.addi %parallel_loop3A_271, %iota3A : vector<16xi32>
        %parallel_loop3A_282 = arith.mulf %parallel_loop3A_280, %parallel_loop3A_267 : vector<16xf32>
        tpu.vector_store_idx %arg5[%parallel_loop3A_281], %parallel_loop3A_282 {add = true} : memref<65536xf32, #tpu.memory_space<vmem>>[vector<16xi32>], vector<16xf32>,
        %parallel_loop3A_283 = arith.constant 6 : i32
        %parallel_loop3A_284 = vector.broadcast %parallel_loop3A_283 : i32 to vector<16x1xi32>
        %parallel_loop3A_285 = vector.shape_cast %parallel_loop3A_284 : vector<16x1xi32> to vector<16xi32>
        %parallel_loop3A_286 = tpu.dynamic_gather %parallel_loop3A_168[%parallel_loop3A_285] in [0] : vector<16xf32>, vector<16xi32> -> vector<16xf32>
        %parallel_loop3A_287 = arith.constant 6 : i32
        %parallel_loop3A_288 = vector.broadcast %parallel_loop3A_287 : i32 to vector<16x1xi32>
        %parallel_loop3A_289 = vector.shape_cast %parallel_loop3A_288 : vector<16x1xi32> to vector<16xi32>
        %parallel_loop3A_290 = tpu.dynamic_gather %parallel_loop3A_160[%parallel_loop3A_289] in [0] : vector<16xi32>, vector<16xi32> -> vector<16xi32>
        %parallel_loop3A_291 = arith.constant 16 : i32
        %parallel_loop3A_292 = arith.muli %parallel_loop3A_153, %parallel_loop3A_291 : i32
        %parallel_loop3A_293 = arith.constant 6 : i32
        %parallel_loop3A_294 = arith.addi %parallel_loop3A_292, %parallel_loop3A_293 : i32
        %parallel_loop3A_295 = arith.constant 1 : i32
        %parallel_loop3A_296 = arith.index_cast %parallel_loop3A_295 : i32 to index
        %parallel_loop3A_297 = arith.index_cast %parallel_loop3A_294 : i32 to index
        %parallel_loop3A_298 = arith.constant 0 : index
        %parallel_loop3A_299 = tpu.vector_load %arg7[%parallel_loop3A_296, %parallel_loop3A_297, %parallel_loop3A_298] {strides = array<i32>} : memref<2x128x16xf32, #tpu.memory_space<vmem>>, vector<16xf32>,
        %parallel_loop3A_300 = arith.addi %parallel_loop3A_290, %iota3A : vector<16xi32>
        %parallel_loop3A_301 = arith.mulf %parallel_loop3A_299, %parallel_loop3A_286 : vector<16xf32>
        tpu.vector_store_idx %arg5[%parallel_loop3A_300], %parallel_loop3A_301 {add = true} : memref<65536xf32, #tpu.memory_space<vmem>>[vector<16xi32>], vector<16xf32>,
        %parallel_loop3A_302 = arith.constant 7 : i32
        %parallel_loop3A_303 = vector.broadcast %parallel_loop3A_302 : i32 to vector<16x1xi32>
        %parallel_loop3A_304 = vector.shape_cast %parallel_loop3A_303 : vector<16x1xi32> to vector<16xi32>
        %parallel_loop3A_305 = tpu.dynamic_gather %parallel_loop3A_168[%parallel_loop3A_304] in [0] : vector<16xf32>, vector<16xi32> -> vector<16xf32>
        %parallel_loop3A_306 = arith.constant 7 : i32
        %parallel_loop3A_307 = vector.broadcast %parallel_loop3A_306 : i32 to vector<16x1xi32>
        %parallel_loop3A_308 = vector.shape_cast %parallel_loop3A_307 : vector<16x1xi32> to vector<16xi32>
        %parallel_loop3A_309 = tpu.dynamic_gather %parallel_loop3A_160[%parallel_loop3A_308] in [0] : vector<16xi32>, vector<16xi32> -> vector<16xi32>
        %parallel_loop3A_310 = arith.constant 16 : i32
        %parallel_loop3A_311 = arith.muli %parallel_loop3A_153, %parallel_loop3A_310 : i32
        %parallel_loop3A_312 = arith.constant 7 : i32
        %parallel_loop3A_313 = arith.addi %parallel_loop3A_311, %parallel_loop3A_312 : i32
        %parallel_loop3A_314 = arith.constant 1 : i32
        %parallel_loop3A_315 = arith.index_cast %parallel_loop3A_314 : i32 to index
        %parallel_loop3A_316 = arith.index_cast %parallel_loop3A_313 : i32 to index
        %parallel_loop3A_317 = arith.constant 0 : index
        %parallel_loop3A_318 = tpu.vector_load %arg7[%parallel_loop3A_315, %parallel_loop3A_316, %parallel_loop3A_317] {strides = array<i32>} : memref<2x128x16xf32, #tpu.memory_space<vmem>>, vector<16xf32>,
        %parallel_loop3A_319 = arith.addi %parallel_loop3A_309, %iota3A : vector<16xi32>
        %parallel_loop3A_320 = arith.mulf %parallel_loop3A_318, %parallel_loop3A_305 : vector<16xf32>
        tpu.vector_store_idx %arg5[%parallel_loop3A_319], %parallel_loop3A_320 {add = true} : memref<65536xf32, #tpu.memory_space<vmem>>[vector<16xi32>], vector<16xf32>,
        %parallel_loop3A_321 = arith.constant 8 : i32
        %parallel_loop3A_322 = vector.broadcast %parallel_loop3A_321 : i32 to vector<16x1xi32>
        %parallel_loop3A_323 = vector.shape_cast %parallel_loop3A_322 : vector<16x1xi32> to vector<16xi32>
        %parallel_loop3A_324 = tpu.dynamic_gather %parallel_loop3A_168[%parallel_loop3A_323] in [0] : vector<16xf32>, vector<16xi32> -> vector<16xf32>
        %parallel_loop3A_325 = arith.constant 8 : i32
        %parallel_loop3A_326 = vector.broadcast %parallel_loop3A_325 : i32 to vector<16x1xi32>
        %parallel_loop3A_327 = vector.shape_cast %parallel_loop3A_326 : vector<16x1xi32> to vector<16xi32>
        %parallel_loop3A_328 = tpu.dynamic_gather %parallel_loop3A_160[%parallel_loop3A_327] in [0] : vector<16xi32>, vector<16xi32> -> vector<16xi32>
        %parallel_loop3A_329 = arith.constant 16 : i32
        %parallel_loop3A_330 = arith.muli %parallel_loop3A_153, %parallel_loop3A_329 : i32
        %parallel_loop3A_331 = arith.constant 8 : i32
        %parallel_loop3A_332 = arith.addi %parallel_loop3A_330, %parallel_loop3A_331 : i32
        %parallel_loop3A_333 = arith.constant 1 : i32
        %parallel_loop3A_334 = arith.index_cast %parallel_loop3A_333 : i32 to index
        %parallel_loop3A_335 = arith.index_cast %parallel_loop3A_332 : i32 to index
        %parallel_loop3A_336 = arith.constant 0 : index
        %parallel_loop3A_337 = tpu.vector_load %arg7[%parallel_loop3A_334, %parallel_loop3A_335, %parallel_loop3A_336] {strides = array<i32>} : memref<2x128x16xf32, #tpu.memory_space<vmem>>, vector<16xf32>,
        %parallel_loop3A_338 = arith.addi %parallel_loop3A_328, %iota3A : vector<16xi32>
        %parallel_loop3A_339 = arith.mulf %parallel_loop3A_337, %parallel_loop3A_324 : vector<16xf32>
        tpu.vector_store_idx %arg5[%parallel_loop3A_338], %parallel_loop3A_339 {add = true} : memref<65536xf32, #tpu.memory_space<vmem>>[vector<16xi32>], vector<16xf32>,
        %parallel_loop3A_340 = arith.constant 9 : i32
        %parallel_loop3A_341 = vector.broadcast %parallel_loop3A_340 : i32 to vector<16x1xi32>
        %parallel_loop3A_342 = vector.shape_cast %parallel_loop3A_341 : vector<16x1xi32> to vector<16xi32>
        %parallel_loop3A_343 = tpu.dynamic_gather %parallel_loop3A_168[%parallel_loop3A_342] in [0] : vector<16xf32>, vector<16xi32> -> vector<16xf32>
        %parallel_loop3A_344 = arith.constant 9 : i32
        %parallel_loop3A_345 = vector.broadcast %parallel_loop3A_344 : i32 to vector<16x1xi32>
        %parallel_loop3A_346 = vector.shape_cast %parallel_loop3A_345 : vector<16x1xi32> to vector<16xi32>
        %parallel_loop3A_347 = tpu.dynamic_gather %parallel_loop3A_160[%parallel_loop3A_346] in [0] : vector<16xi32>, vector<16xi32> -> vector<16xi32>
        %parallel_loop3A_348 = arith.constant 16 : i32
        %parallel_loop3A_349 = arith.muli %parallel_loop3A_153, %parallel_loop3A_348 : i32
        %parallel_loop3A_350 = arith.constant 9 : i32
        %parallel_loop3A_351 = arith.addi %parallel_loop3A_349, %parallel_loop3A_350 : i32
        %parallel_loop3A_352 = arith.constant 1 : i32
        %parallel_loop3A_353 = arith.index_cast %parallel_loop3A_352 : i32 to index
        %parallel_loop3A_354 = arith.index_cast %parallel_loop3A_351 : i32 to index
        %parallel_loop3A_355 = arith.constant 0 : index
        %parallel_loop3A_356 = tpu.vector_load %arg7[%parallel_loop3A_353, %parallel_loop3A_354, %parallel_loop3A_355] {strides = array<i32>} : memref<2x128x16xf32, #tpu.memory_space<vmem>>, vector<16xf32>,
        %parallel_loop3A_357 = arith.addi %parallel_loop3A_347, %iota3A : vector<16xi32>
        %parallel_loop3A_358 = arith.mulf %parallel_loop3A_356, %parallel_loop3A_343 : vector<16xf32>
        tpu.vector_store_idx %arg5[%parallel_loop3A_357], %parallel_loop3A_358 {add = true} : memref<65536xf32, #tpu.memory_space<vmem>>[vector<16xi32>], vector<16xf32>,
        %parallel_loop3A_359 = arith.constant 10 : i32
        %parallel_loop3A_360 = vector.broadcast %parallel_loop3A_359 : i32 to vector<16x1xi32>
        %parallel_loop3A_361 = vector.shape_cast %parallel_loop3A_360 : vector<16x1xi32> to vector<16xi32>
        %parallel_loop3A_362 = tpu.dynamic_gather %parallel_loop3A_168[%parallel_loop3A_361] in [0] : vector<16xf32>, vector<16xi32> -> vector<16xf32>
        %parallel_loop3A_363 = arith.constant 10 : i32
        %parallel_loop3A_364 = vector.broadcast %parallel_loop3A_363 : i32 to vector<16x1xi32>
        %parallel_loop3A_365 = vector.shape_cast %parallel_loop3A_364 : vector<16x1xi32> to vector<16xi32>
        %parallel_loop3A_366 = tpu.dynamic_gather %parallel_loop3A_160[%parallel_loop3A_365] in [0] : vector<16xi32>, vector<16xi32> -> vector<16xi32>
        %parallel_loop3A_367 = arith.constant 16 : i32
        %parallel_loop3A_368 = arith.muli %parallel_loop3A_153, %parallel_loop3A_367 : i32
        %parallel_loop3A_369 = arith.constant 10 : i32
        %parallel_loop3A_370 = arith.addi %parallel_loop3A_368, %parallel_loop3A_369 : i32
        %parallel_loop3A_371 = arith.constant 1 : i32
        %parallel_loop3A_372 = arith.index_cast %parallel_loop3A_371 : i32 to index
        %parallel_loop3A_373 = arith.index_cast %parallel_loop3A_370 : i32 to index
        %parallel_loop3A_374 = arith.constant 0 : index
        %parallel_loop3A_375 = tpu.vector_load %arg7[%parallel_loop3A_372, %parallel_loop3A_373, %parallel_loop3A_374] {strides = array<i32>} : memref<2x128x16xf32, #tpu.memory_space<vmem>>, vector<16xf32>,
        %parallel_loop3A_376 = arith.addi %parallel_loop3A_366, %iota3A : vector<16xi32>
        %parallel_loop3A_377 = arith.mulf %parallel_loop3A_375, %parallel_loop3A_362 : vector<16xf32>
        tpu.vector_store_idx %arg5[%parallel_loop3A_376], %parallel_loop3A_377 {add = true} : memref<65536xf32, #tpu.memory_space<vmem>>[vector<16xi32>], vector<16xf32>,
        %parallel_loop3A_378 = arith.constant 11 : i32
        %parallel_loop3A_379 = vector.broadcast %parallel_loop3A_378 : i32 to vector<16x1xi32>
        %parallel_loop3A_380 = vector.shape_cast %parallel_loop3A_379 : vector<16x1xi32> to vector<16xi32>
        %parallel_loop3A_381 = tpu.dynamic_gather %parallel_loop3A_168[%parallel_loop3A_380] in [0] : vector<16xf32>, vector<16xi32> -> vector<16xf32>
        %parallel_loop3A_382 = arith.constant 11 : i32
        %parallel_loop3A_383 = vector.broadcast %parallel_loop3A_382 : i32 to vector<16x1xi32>
        %parallel_loop3A_384 = vector.shape_cast %parallel_loop3A_383 : vector<16x1xi32> to vector<16xi32>
        %parallel_loop3A_385 = tpu.dynamic_gather %parallel_loop3A_160[%parallel_loop3A_384] in [0] : vector<16xi32>, vector<16xi32> -> vector<16xi32>
        %parallel_loop3A_386 = arith.constant 16 : i32
        %parallel_loop3A_387 = arith.muli %parallel_loop3A_153, %parallel_loop3A_386 : i32
        %parallel_loop3A_388 = arith.constant 11 : i32
        %parallel_loop3A_389 = arith.addi %parallel_loop3A_387, %parallel_loop3A_388 : i32
        %parallel_loop3A_390 = arith.constant 1 : i32
        %parallel_loop3A_391 = arith.index_cast %parallel_loop3A_390 : i32 to index
        %parallel_loop3A_392 = arith.index_cast %parallel_loop3A_389 : i32 to index
        %parallel_loop3A_393 = arith.constant 0 : index
        %parallel_loop3A_394 = tpu.vector_load %arg7[%parallel_loop3A_391, %parallel_loop3A_392, %parallel_loop3A_393] {strides = array<i32>} : memref<2x128x16xf32, #tpu.memory_space<vmem>>, vector<16xf32>,
        %parallel_loop3A_395 = arith.addi %parallel_loop3A_385, %iota3A : vector<16xi32>
        %parallel_loop3A_396 = arith.mulf %parallel_loop3A_394, %parallel_loop3A_381 : vector<16xf32>
        tpu.vector_store_idx %arg5[%parallel_loop3A_395], %parallel_loop3A_396 {add = true} : memref<65536xf32, #tpu.memory_space<vmem>>[vector<16xi32>], vector<16xf32>,
        %parallel_loop3A_397 = arith.constant 12 : i32
        %parallel_loop3A_398 = vector.broadcast %parallel_loop3A_397 : i32 to vector<16x1xi32>
        %parallel_loop3A_399 = vector.shape_cast %parallel_loop3A_398 : vector<16x1xi32> to vector<16xi32>
        %parallel_loop3A_400 = tpu.dynamic_gather %parallel_loop3A_168[%parallel_loop3A_399] in [0] : vector<16xf32>, vector<16xi32> -> vector<16xf32>
        %parallel_loop3A_401 = arith.constant 12 : i32
        %parallel_loop3A_402 = vector.broadcast %parallel_loop3A_401 : i32 to vector<16x1xi32>
        %parallel_loop3A_403 = vector.shape_cast %parallel_loop3A_402 : vector<16x1xi32> to vector<16xi32>
        %parallel_loop3A_404 = tpu.dynamic_gather %parallel_loop3A_160[%parallel_loop3A_403] in [0] : vector<16xi32>, vector<16xi32> -> vector<16xi32>
        %parallel_loop3A_405 = arith.constant 16 : i32
        %parallel_loop3A_406 = arith.muli %parallel_loop3A_153, %parallel_loop3A_405 : i32
        %parallel_loop3A_407 = arith.constant 12 : i32
        %parallel_loop3A_408 = arith.addi %parallel_loop3A_406, %parallel_loop3A_407 : i32
        %parallel_loop3A_409 = arith.constant 1 : i32
        %parallel_loop3A_410 = arith.index_cast %parallel_loop3A_409 : i32 to index
        %parallel_loop3A_411 = arith.index_cast %parallel_loop3A_408 : i32 to index
        %parallel_loop3A_412 = arith.constant 0 : index
        %parallel_loop3A_413 = tpu.vector_load %arg7[%parallel_loop3A_410, %parallel_loop3A_411, %parallel_loop3A_412] {strides = array<i32>} : memref<2x128x16xf32, #tpu.memory_space<vmem>>, vector<16xf32>,
        %parallel_loop3A_414 = arith.addi %parallel_loop3A_404, %iota3A : vector<16xi32>
        %parallel_loop3A_415 = arith.mulf %parallel_loop3A_413, %parallel_loop3A_400 : vector<16xf32>
        tpu.vector_store_idx %arg5[%parallel_loop3A_414], %parallel_loop3A_415 {add = true} : memref<65536xf32, #tpu.memory_space<vmem>>[vector<16xi32>], vector<16xf32>,
        %parallel_loop3A_416 = arith.constant 13 : i32
        %parallel_loop3A_417 = vector.broadcast %parallel_loop3A_416 : i32 to vector<16x1xi32>
        %parallel_loop3A_418 = vector.shape_cast %parallel_loop3A_417 : vector<16x1xi32> to vector<16xi32>
        %parallel_loop3A_419 = tpu.dynamic_gather %parallel_loop3A_168[%parallel_loop3A_418] in [0] : vector<16xf32>, vector<16xi32> -> vector<16xf32>
        %parallel_loop3A_420 = arith.constant 13 : i32
        %parallel_loop3A_421 = vector.broadcast %parallel_loop3A_420 : i32 to vector<16x1xi32>
        %parallel_loop3A_422 = vector.shape_cast %parallel_loop3A_421 : vector<16x1xi32> to vector<16xi32>
        %parallel_loop3A_423 = tpu.dynamic_gather %parallel_loop3A_160[%parallel_loop3A_422] in [0] : vector<16xi32>, vector<16xi32> -> vector<16xi32>
        %parallel_loop3A_424 = arith.constant 16 : i32
        %parallel_loop3A_425 = arith.muli %parallel_loop3A_153, %parallel_loop3A_424 : i32
        %parallel_loop3A_426 = arith.constant 13 : i32
        %parallel_loop3A_427 = arith.addi %parallel_loop3A_425, %parallel_loop3A_426 : i32
        %parallel_loop3A_428 = arith.constant 1 : i32
        %parallel_loop3A_429 = arith.index_cast %parallel_loop3A_428 : i32 to index
        %parallel_loop3A_430 = arith.index_cast %parallel_loop3A_427 : i32 to index
        %parallel_loop3A_431 = arith.constant 0 : index
        %parallel_loop3A_432 = tpu.vector_load %arg7[%parallel_loop3A_429, %parallel_loop3A_430, %parallel_loop3A_431] {strides = array<i32>} : memref<2x128x16xf32, #tpu.memory_space<vmem>>, vector<16xf32>,
        %parallel_loop3A_433 = arith.addi %parallel_loop3A_423, %iota3A : vector<16xi32>
        %parallel_loop3A_434 = arith.mulf %parallel_loop3A_432, %parallel_loop3A_419 : vector<16xf32>
        tpu.vector_store_idx %arg5[%parallel_loop3A_433], %parallel_loop3A_434 {add = true} : memref<65536xf32, #tpu.memory_space<vmem>>[vector<16xi32>], vector<16xf32>,
        %parallel_loop3A_435 = arith.constant 14 : i32
        %parallel_loop3A_436 = vector.broadcast %parallel_loop3A_435 : i32 to vector<16x1xi32>
        %parallel_loop3A_437 = vector.shape_cast %parallel_loop3A_436 : vector<16x1xi32> to vector<16xi32>
        %parallel_loop3A_438 = tpu.dynamic_gather %parallel_loop3A_168[%parallel_loop3A_437] in [0] : vector<16xf32>, vector<16xi32> -> vector<16xf32>
        %parallel_loop3A_439 = arith.constant 14 : i32
        %parallel_loop3A_440 = vector.broadcast %parallel_loop3A_439 : i32 to vector<16x1xi32>
        %parallel_loop3A_441 = vector.shape_cast %parallel_loop3A_440 : vector<16x1xi32> to vector<16xi32>
        %parallel_loop3A_442 = tpu.dynamic_gather %parallel_loop3A_160[%parallel_loop3A_441] in [0] : vector<16xi32>, vector<16xi32> -> vector<16xi32>
        %parallel_loop3A_443 = arith.constant 16 : i32
        %parallel_loop3A_444 = arith.muli %parallel_loop3A_153, %parallel_loop3A_443 : i32
        %parallel_loop3A_445 = arith.constant 14 : i32
        %parallel_loop3A_446 = arith.addi %parallel_loop3A_444, %parallel_loop3A_445 : i32
        %parallel_loop3A_447 = arith.constant 1 : i32
        %parallel_loop3A_448 = arith.index_cast %parallel_loop3A_447 : i32 to index
        %parallel_loop3A_449 = arith.index_cast %parallel_loop3A_446 : i32 to index
        %parallel_loop3A_450 = arith.constant 0 : index
        %parallel_loop3A_451 = tpu.vector_load %arg7[%parallel_loop3A_448, %parallel_loop3A_449, %parallel_loop3A_450] {strides = array<i32>} : memref<2x128x16xf32, #tpu.memory_space<vmem>>, vector<16xf32>,
        %parallel_loop3A_452 = arith.addi %parallel_loop3A_442, %iota3A : vector<16xi32>
        %parallel_loop3A_453 = arith.mulf %parallel_loop3A_451, %parallel_loop3A_438 : vector<16xf32>
        tpu.vector_store_idx %arg5[%parallel_loop3A_452], %parallel_loop3A_453 {add = true} : memref<65536xf32, #tpu.memory_space<vmem>>[vector<16xi32>], vector<16xf32>,
        %parallel_loop3A_454 = arith.constant 15 : i32
        %parallel_loop3A_455 = vector.broadcast %parallel_loop3A_454 : i32 to vector<16x1xi32>
        %parallel_loop3A_456 = vector.shape_cast %parallel_loop3A_455 : vector<16x1xi32> to vector<16xi32>
        %parallel_loop3A_457 = tpu.dynamic_gather %parallel_loop3A_168[%parallel_loop3A_456] in [0] : vector<16xf32>, vector<16xi32> -> vector<16xf32>
        %parallel_loop3A_458 = arith.constant 15 : i32
        %parallel_loop3A_459 = vector.broadcast %parallel_loop3A_458 : i32 to vector<16x1xi32>
        %parallel_loop3A_460 = vector.shape_cast %parallel_loop3A_459 : vector<16x1xi32> to vector<16xi32>
        %parallel_loop3A_461 = tpu.dynamic_gather %parallel_loop3A_160[%parallel_loop3A_460] in [0] : vector<16xi32>, vector<16xi32> -> vector<16xi32>
        %parallel_loop3A_462 = arith.constant 16 : i32
        %parallel_loop3A_463 = arith.muli %parallel_loop3A_153, %parallel_loop3A_462 : i32
        %parallel_loop3A_464 = arith.constant 15 : i32
        %parallel_loop3A_465 = arith.addi %parallel_loop3A_463, %parallel_loop3A_464 : i32
        %parallel_loop3A_466 = arith.constant 1 : i32
        %parallel_loop3A_467 = arith.index_cast %parallel_loop3A_466 : i32 to index
        %parallel_loop3A_468 = arith.index_cast %parallel_loop3A_465 : i32 to index
        %parallel_loop3A_469 = arith.constant 0 : index
        %parallel_loop3A_470 = tpu.vector_load %arg7[%parallel_loop3A_467, %parallel_loop3A_468, %parallel_loop3A_469] {strides = array<i32>} : memref<2x128x16xf32, #tpu.memory_space<vmem>>, vector<16xf32>,
        %parallel_loop3A_471 = arith.addi %parallel_loop3A_461, %iota3A : vector<16xi32>
        %parallel_loop3A_472 = arith.mulf %parallel_loop3A_470, %parallel_loop3A_457 : vector<16xf32>
        tpu.vector_store_idx %arg5[%parallel_loop3A_471], %parallel_loop3A_472 {add = true} : memref<65536xf32, #tpu.memory_space<vmem>>[vector<16xi32>], vector<16xf32>,
      } {sc.loop_unroll_factor = 4 : i64, sc.parallel_access}
      %scan3A_152 = arith.constant 0 : i32
      scf.yield %scan3A_152 : i32
    }
    %scan3A_29 = arith.constant 20 : i32
    %dma_start3A_30 = arith.constant 1 : i32
    %dma_start3A_31 = arith.constant 0 : i32
    %dma_start3A_32 = arith.constant 0 : i32
    %dma_start3A_33 = tpu.memref_slice %arg7[%dma_start3A_30, %dma_start3A_31, %dma_start3A_32] : memref<2x128x16xf32, #tpu.memory_space<vmem>> -> memref<1x128x16xf32, #tpu.memory_space<vmem>>
    %dma_start3A_34 = tpu.memref_squeeze %dma_start3A_33 : memref<1x128x16xf32, #tpu.memory_space<vmem>> -> memref<128x16xf32, #tpu.memory_space<vmem>>
    %dma_start3A_35 = arith.constant 15744 : i32
    %dma_start3A_36 = tpu.memref_slice %arg6[%dma_start3A_35] : memref<16128xi32, #tpu.memory_space<vmem>> -> memref<128xi32, #tpu.memory_space<vmem>>
    %dma_start3A_37 = arith.constant 0 : i32
    %dma_start3A_38 = arith.constant 0 : i32
    %dma_start3A_39 = tpu.memref_slice %arg2[%dma_start3A_37, %dma_start3A_38] : memref<4096x16xf32, #tpu.memory_space<hbm>> -> memref<4096x16xf32, #tpu.memory_space<hbm>>
    tpu.enqueue_indirect_dma source(%dma_start3A_39 : memref<4096x16xf32, #tpu.memory_space<hbm>>) target(%dma_start3A_34 : memref<128x16xf32, #tpu.memory_space<vmem>>) offsets(%dma_start3A_36 : memref<128xi32, #tpu.memory_space<vmem>>) semaphore(%arg10 : memref<!tpu.dma_semaphore, #tpu.memory_space<semaphore_mem>>)
    %dma_wait3A_40 = arith.constant 0 : i32
    %dma_wait3A_41 = arith.constant 0 : i32
    %dma_wait3A_42 = arith.constant 0 : i32
    %dma_wait3A_43 = tpu.memref_slice %arg7[%dma_wait3A_40, %dma_wait3A_41, %dma_wait3A_42] : memref<2x128x16xf32, #tpu.memory_space<vmem>> -> memref<1x128x16xf32, #tpu.memory_space<vmem>>
    %dma_wait3A_44 = tpu.memref_squeeze %dma_wait3A_43 : memref<1x128x16xf32, #tpu.memory_space<vmem>> -> memref<128x16xf32, #tpu.memory_space<vmem>>
    %dma_wait3A_45 = arith.constant 0 : i32
    %dma_wait3A_46 = arith.constant 0 : i32
    %dma_wait3A_47 = tpu.memref_slice %arg2[%dma_wait3A_45, %dma_wait3A_46] : memref<4096x16xf32, #tpu.memory_space<hbm>> -> memref<128x16xf32, #tpu.memory_space<hbm>>
    %dma_wait3A_48 = arith.constant 0 : i32
    %dma_wait3A_49 = arith.constant 0 : i32
    %dma_wait3A_50 = tpu.memref_slice %arg7[%dma_wait3A_40, %dma_wait3A_48, %dma_wait3A_49] : memref<2x128x16xf32, #tpu.memory_space<vmem>> -> memref<1x128x16xf32, #tpu.memory_space<vmem>>
    %dma_wait3A_51 = tpu.memref_squeeze %dma_wait3A_50 : memref<1x128x16xf32, #tpu.memory_space<vmem>> -> memref<128x16xf32, #tpu.memory_space<vmem>>
    %dma_wait3A_52 = arith.constant 0 : i32
    %dma_wait3A_53 = arith.constant 0 : i32
    %dma_wait3A_54 = tpu.memref_slice %arg2[%dma_wait3A_52, %dma_wait3A_53] : memref<4096x16xf32, #tpu.memory_space<hbm>> -> memref<128x16xf32, #tpu.memory_space<hbm>>
    tpu.wait_dma2 semaphore(%arg9 : memref<!tpu.dma_semaphore, #tpu.memory_space<semaphore_mem>>) src(%dma_wait3A_54 : memref<128x16xf32, #tpu.memory_space<hbm>>) dst(%dma_wait3A_51 : memref<128x16xf32, #tpu.memory_space<vmem>>)
    %parallel_loop3A_55 = arith.constant 0 : i32
    %parallel_loop3A_56 = arith.constant 8 : i32
    %parallel_loop3A_57 = arith.constant 1 : i32
    scf.for %parallel_loop3A_76 = %parallel_loop3A_55 to %parallel_loop3A_56 step %parallel_loop3A_57  : i32 {
      %parallel_loop3A_77 = arith.constant 16 : i32
      %parallel_loop3A_78 = arith.muli %parallel_loop3A_76, %parallel_loop3A_77 : i32
      %parallel_loop3A_79 = arith.constant 15488 : i32
      %parallel_loop3A_80 = arith.addi %parallel_loop3A_79, %parallel_loop3A_78 : i32
      %parallel_loop3A_81 = arith.index_cast %parallel_loop3A_80 : i32 to index
      %parallel_loop3A_82 = tpu.vector_load %arg6[%parallel_loop3A_81] {strides = array<i32>} : memref<16128xi32, #tpu.memory_space<vmem>>, vector<16xi32>,
      %parallel_loop3A_83 = arith.constant 16 : i32
      %parallel_loop3A_84 = arith.muli %parallel_loop3A_76, %parallel_loop3A_83 : i32
      %parallel_loop3A_85 = arith.constant 15616 : i32
      %parallel_loop3A_86 = arith.addi %parallel_loop3A_85, %parallel_loop3A_84 : i32
      %parallel_loop3A_87 = arith.index_cast %parallel_loop3A_86 : i32 to index
      %parallel_loop3A_88 = tpu.vector_load %arg6[%parallel_loop3A_87] {strides = array<i32>} : memref<16128xi32, #tpu.memory_space<vmem>>, vector<16xi32>,
      %parallel_loop3A_89 = vector.bitcast %parallel_loop3A_88 : vector<16xi32> to vector<16xf32>
      %parallel_loop3A_90 = arith.constant 0 : i32
      %parallel_loop3A_91 = vector.broadcast %parallel_loop3A_90 : i32 to vector<16x1xi32>
      %parallel_loop3A_92 = vector.shape_cast %parallel_loop3A_91 : vector<16x1xi32> to vector<16xi32>
      %parallel_loop3A_93 = tpu.dynamic_gather %parallel_loop3A_89[%parallel_loop3A_92] in [0] : vector<16xf32>, vector<16xi32> -> vector<16xf32>
      %parallel_loop3A_94 = arith.constant 0 : i32
      %parallel_loop3A_95 = vector.broadcast %parallel_loop3A_94 : i32 to vector<16x1xi32>
      %parallel_loop3A_96 = vector.shape_cast %parallel_loop3A_95 : vector<16x1xi32> to vector<16xi32>
      %parallel_loop3A_97 = tpu.dynamic_gather %parallel_loop3A_82[%parallel_loop3A_96] in [0] : vector<16xi32>, vector<16xi32> -> vector<16xi32>
      %parallel_loop3A_98 = arith.constant 16 : i32
      %parallel_loop3A_99 = arith.muli %parallel_loop3A_76, %parallel_loop3A_98 : i32
      %parallel_loop3A_100 = arith.constant 0 : i32
      %parallel_loop3A_101 = arith.addi %parallel_loop3A_99, %parallel_loop3A_100 : i32
      %parallel_loop3A_102 = arith.constant 0 : i32
      %parallel_loop3A_103 = arith.index_cast %parallel_loop3A_102 : i32 to index
      %parallel_loop3A_104 = arith.index_cast %parallel_loop3A_101 : i32 to index
      %parallel_loop3A_105 = arith.constant 0 : index
      %parallel_loop3A_106 = tpu.vector_load %arg7[%parallel_loop3A_103, %parallel_loop3A_104, %parallel_loop3A_105] {strides = array<i32>} : memref<2x128x16xf32, #tpu.memory_space<vmem>>, vector<16xf32>,
      %parallel_loop3A_107 = arith.addi %parallel_loop3A_97, %iota3A : vector<16xi32>
      %parallel_loop3A_108 = arith.mulf %parallel_loop3A_106, %parallel_loop3A_93 : vector<16xf32>
      tpu.vector_store_idx %arg5[%parallel_loop3A_107], %parallel_loop3A_108 {add = true} : memref<65536xf32, #tpu.memory_space<vmem>>[vector<16xi32>], vector<16xf32>,
      %parallel_loop3A_109 = arith.constant 1 : i32
      %parallel_loop3A_110 = vector.broadcast %parallel_loop3A_109 : i32 to vector<16x1xi32>
      %parallel_loop3A_111 = vector.shape_cast %parallel_loop3A_110 : vector<16x1xi32> to vector<16xi32>
      %parallel_loop3A_112 = tpu.dynamic_gather %parallel_loop3A_89[%parallel_loop3A_111] in [0] : vector<16xf32>, vector<16xi32> -> vector<16xf32>
      %parallel_loop3A_113 = arith.constant 1 : i32
      %parallel_loop3A_114 = vector.broadcast %parallel_loop3A_113 : i32 to vector<16x1xi32>
      %parallel_loop3A_115 = vector.shape_cast %parallel_loop3A_114 : vector<16x1xi32> to vector<16xi32>
      %parallel_loop3A_116 = tpu.dynamic_gather %parallel_loop3A_82[%parallel_loop3A_115] in [0] : vector<16xi32>, vector<16xi32> -> vector<16xi32>
      %parallel_loop3A_117 = arith.constant 16 : i32
      %parallel_loop3A_118 = arith.muli %parallel_loop3A_76, %parallel_loop3A_117 : i32
      %parallel_loop3A_119 = arith.constant 1 : i32
      %parallel_loop3A_120 = arith.addi %parallel_loop3A_118, %parallel_loop3A_119 : i32
      %parallel_loop3A_121 = arith.constant 0 : i32
      %parallel_loop3A_122 = arith.index_cast %parallel_loop3A_121 : i32 to index
      %parallel_loop3A_123 = arith.index_cast %parallel_loop3A_120 : i32 to index
      %parallel_loop3A_124 = arith.constant 0 : index
      %parallel_loop3A_125 = tpu.vector_load %arg7[%parallel_loop3A_122, %parallel_loop3A_123, %parallel_loop3A_124] {strides = array<i32>} : memref<2x128x16xf32, #tpu.memory_space<vmem>>, vector<16xf32>,
      %parallel_loop3A_126 = arith.addi %parallel_loop3A_116, %iota3A : vector<16xi32>
      %parallel_loop3A_127 = arith.mulf %parallel_loop3A_125, %parallel_loop3A_112 : vector<16xf32>
      tpu.vector_store_idx %arg5[%parallel_loop3A_126], %parallel_loop3A_127 {add = true} : memref<65536xf32, #tpu.memory_space<vmem>>[vector<16xi32>], vector<16xf32>,
      %parallel_loop3A_128 = arith.constant 2 : i32
      %parallel_loop3A_129 = vector.broadcast %parallel_loop3A_128 : i32 to vector<16x1xi32>
      %parallel_loop3A_130 = vector.shape_cast %parallel_loop3A_129 : vector<16x1xi32> to vector<16xi32>
      %parallel_loop3A_131 = tpu.dynamic_gather %parallel_loop3A_89[%parallel_loop3A_130] in [0] : vector<16xf32>, vector<16xi32> -> vector<16xf32>
      %parallel_loop3A_132 = arith.constant 2 : i32
      %parallel_loop3A_133 = vector.broadcast %parallel_loop3A_132 : i32 to vector<16x1xi32>
      %parallel_loop3A_134 = vector.shape_cast %parallel_loop3A_133 : vector<16x1xi32> to vector<16xi32>
      %parallel_loop3A_135 = tpu.dynamic_gather %parallel_loop3A_82[%parallel_loop3A_134] in [0] : vector<16xi32>, vector<16xi32> -> vector<16xi32>
      %parallel_loop3A_136 = arith.constant 16 : i32
      %parallel_loop3A_137 = arith.muli %parallel_loop3A_76, %parallel_loop3A_136 : i32
      %parallel_loop3A_138 = arith.constant 2 : i32
      %parallel_loop3A_139 = arith.addi %parallel_loop3A_137, %parallel_loop3A_138 : i32
      %parallel_loop3A_140 = arith.constant 0 : i32
      %parallel_loop3A_141 = arith.index_cast %parallel_loop3A_140 : i32 to index
      %parallel_loop3A_142 = arith.index_cast %parallel_loop3A_139 : i32 to index
      %parallel_loop3A_143 = arith.constant 0 : index
      %parallel_loop3A_144 = tpu.vector_load %arg7[%parallel_loop3A_141, %parallel_loop3A_142, %parallel_loop3A_143] {strides = array<i32>} : memref<2x128x16xf32, #tpu.memory_space<vmem>>, vector<16xf32>,
      %parallel_loop3A_145 = arith.addi %parallel_loop3A_135, %iota3A : vector<16xi32>
      %parallel_loop3A_146 = arith.mulf %parallel_loop3A_144, %parallel_loop3A_131 : vector<16xf32>
      tpu.vector_store_idx %arg5[%parallel_loop3A_145], %parallel_loop3A_146 {add = true} : memref<65536xf32, #tpu.memory_space<vmem>>[vector<16xi32>], vector<16xf32>,
      %parallel_loop3A_147 = arith.constant 3 : i32
      %parallel_loop3A_148 = vector.broadcast %parallel_loop3A_147 : i32 to vector<16x1xi32>
      %parallel_loop3A_149 = vector.shape_cast %parallel_loop3A_148 : vector<16x1xi32> to vector<16xi32>
      %parallel_loop3A_150 = tpu.dynamic_gather %parallel_loop3A_89[%parallel_loop3A_149] in [0] : vector<16xf32>, vector<16xi32> -> vector<16xf32>
      %parallel_loop3A_151 = arith.constant 3 : i32
      %parallel_loop3A_152 = vector.broadcast %parallel_loop3A_151 : i32 to vector<16x1xi32>
      %parallel_loop3A_153 = vector.shape_cast %parallel_loop3A_152 : vector<16x1xi32> to vector<16xi32>
      %parallel_loop3A_154 = tpu.dynamic_gather %parallel_loop3A_82[%parallel_loop3A_153] in [0] : vector<16xi32>, vector<16xi32> -> vector<16xi32>
      %parallel_loop3A_155 = arith.constant 16 : i32
      %parallel_loop3A_156 = arith.muli %parallel_loop3A_76, %parallel_loop3A_155 : i32
      %parallel_loop3A_157 = arith.constant 3 : i32
      %parallel_loop3A_158 = arith.addi %parallel_loop3A_156, %parallel_loop3A_157 : i32
      %parallel_loop3A_159 = arith.constant 0 : i32
      %parallel_loop3A_160 = arith.index_cast %parallel_loop3A_159 : i32 to index
      %parallel_loop3A_161 = arith.index_cast %parallel_loop3A_158 : i32 to index
      %parallel_loop3A_162 = arith.constant 0 : index
      %parallel_loop3A_163 = tpu.vector_load %arg7[%parallel_loop3A_160, %parallel_loop3A_161, %parallel_loop3A_162] {strides = array<i32>} : memref<2x128x16xf32, #tpu.memory_space<vmem>>, vector<16xf32>,
      %parallel_loop3A_164 = arith.addi %parallel_loop3A_154, %iota3A : vector<16xi32>
      %parallel_loop3A_165 = arith.mulf %parallel_loop3A_163, %parallel_loop3A_150 : vector<16xf32>
      tpu.vector_store_idx %arg5[%parallel_loop3A_164], %parallel_loop3A_165 {add = true} : memref<65536xf32, #tpu.memory_space<vmem>>[vector<16xi32>], vector<16xf32>,
      %parallel_loop3A_166 = arith.constant 4 : i32
      %parallel_loop3A_167 = vector.broadcast %parallel_loop3A_166 : i32 to vector<16x1xi32>
      %parallel_loop3A_168 = vector.shape_cast %parallel_loop3A_167 : vector<16x1xi32> to vector<16xi32>
      %parallel_loop3A_169 = tpu.dynamic_gather %parallel_loop3A_89[%parallel_loop3A_168] in [0] : vector<16xf32>, vector<16xi32> -> vector<16xf32>
      %parallel_loop3A_170 = arith.constant 4 : i32
      %parallel_loop3A_171 = vector.broadcast %parallel_loop3A_170 : i32 to vector<16x1xi32>
      %parallel_loop3A_172 = vector.shape_cast %parallel_loop3A_171 : vector<16x1xi32> to vector<16xi32>
      %parallel_loop3A_173 = tpu.dynamic_gather %parallel_loop3A_82[%parallel_loop3A_172] in [0] : vector<16xi32>, vector<16xi32> -> vector<16xi32>
      %parallel_loop3A_174 = arith.constant 16 : i32
      %parallel_loop3A_175 = arith.muli %parallel_loop3A_76, %parallel_loop3A_174 : i32
      %parallel_loop3A_176 = arith.constant 4 : i32
      %parallel_loop3A_177 = arith.addi %parallel_loop3A_175, %parallel_loop3A_176 : i32
      %parallel_loop3A_178 = arith.constant 0 : i32
      %parallel_loop3A_179 = arith.index_cast %parallel_loop3A_178 : i32 to index
      %parallel_loop3A_180 = arith.index_cast %parallel_loop3A_177 : i32 to index
      %parallel_loop3A_181 = arith.constant 0 : index
      %parallel_loop3A_182 = tpu.vector_load %arg7[%parallel_loop3A_179, %parallel_loop3A_180, %parallel_loop3A_181] {strides = array<i32>} : memref<2x128x16xf32, #tpu.memory_space<vmem>>, vector<16xf32>,
      %parallel_loop3A_183 = arith.addi %parallel_loop3A_173, %iota3A : vector<16xi32>
      %parallel_loop3A_184 = arith.mulf %parallel_loop3A_182, %parallel_loop3A_169 : vector<16xf32>
      tpu.vector_store_idx %arg5[%parallel_loop3A_183], %parallel_loop3A_184 {add = true} : memref<65536xf32, #tpu.memory_space<vmem>>[vector<16xi32>], vector<16xf32>,
      %parallel_loop3A_185 = arith.constant 5 : i32
      %parallel_loop3A_186 = vector.broadcast %parallel_loop3A_185 : i32 to vector<16x1xi32>
      %parallel_loop3A_187 = vector.shape_cast %parallel_loop3A_186 : vector<16x1xi32> to vector<16xi32>
      %parallel_loop3A_188 = tpu.dynamic_gather %parallel_loop3A_89[%parallel_loop3A_187] in [0] : vector<16xf32>, vector<16xi32> -> vector<16xf32>
      %parallel_loop3A_189 = arith.constant 5 : i32
      %parallel_loop3A_190 = vector.broadcast %parallel_loop3A_189 : i32 to vector<16x1xi32>
      %parallel_loop3A_191 = vector.shape_cast %parallel_loop3A_190 : vector<16x1xi32> to vector<16xi32>
      %parallel_loop3A_192 = tpu.dynamic_gather %parallel_loop3A_82[%parallel_loop3A_191] in [0] : vector<16xi32>, vector<16xi32> -> vector<16xi32>
      %parallel_loop3A_193 = arith.constant 16 : i32
      %parallel_loop3A_194 = arith.muli %parallel_loop3A_76, %parallel_loop3A_193 : i32
      %parallel_loop3A_195 = arith.constant 5 : i32
      %parallel_loop3A_196 = arith.addi %parallel_loop3A_194, %parallel_loop3A_195 : i32
      %parallel_loop3A_197 = arith.constant 0 : i32
      %parallel_loop3A_198 = arith.index_cast %parallel_loop3A_197 : i32 to index
      %parallel_loop3A_199 = arith.index_cast %parallel_loop3A_196 : i32 to index
      %parallel_loop3A_200 = arith.constant 0 : index
      %parallel_loop3A_201 = tpu.vector_load %arg7[%parallel_loop3A_198, %parallel_loop3A_199, %parallel_loop3A_200] {strides = array<i32>} : memref<2x128x16xf32, #tpu.memory_space<vmem>>, vector<16xf32>,
      %parallel_loop3A_202 = arith.addi %parallel_loop3A_192, %iota3A : vector<16xi32>
      %parallel_loop3A_203 = arith.mulf %parallel_loop3A_201, %parallel_loop3A_188 : vector<16xf32>
      tpu.vector_store_idx %arg5[%parallel_loop3A_202], %parallel_loop3A_203 {add = true} : memref<65536xf32, #tpu.memory_space<vmem>>[vector<16xi32>], vector<16xf32>,
      %parallel_loop3A_204 = arith.constant 6 : i32
      %parallel_loop3A_205 = vector.broadcast %parallel_loop3A_204 : i32 to vector<16x1xi32>
      %parallel_loop3A_206 = vector.shape_cast %parallel_loop3A_205 : vector<16x1xi32> to vector<16xi32>
      %parallel_loop3A_207 = tpu.dynamic_gather %parallel_loop3A_89[%parallel_loop3A_206] in [0] : vector<16xf32>, vector<16xi32> -> vector<16xf32>
      %parallel_loop3A_208 = arith.constant 6 : i32
      %parallel_loop3A_209 = vector.broadcast %parallel_loop3A_208 : i32 to vector<16x1xi32>
      %parallel_loop3A_210 = vector.shape_cast %parallel_loop3A_209 : vector<16x1xi32> to vector<16xi32>
      %parallel_loop3A_211 = tpu.dynamic_gather %parallel_loop3A_82[%parallel_loop3A_210] in [0] : vector<16xi32>, vector<16xi32> -> vector<16xi32>
      %parallel_loop3A_212 = arith.constant 16 : i32
      %parallel_loop3A_213 = arith.muli %parallel_loop3A_76, %parallel_loop3A_212 : i32
      %parallel_loop3A_214 = arith.constant 6 : i32
      %parallel_loop3A_215 = arith.addi %parallel_loop3A_213, %parallel_loop3A_214 : i32
      %parallel_loop3A_216 = arith.constant 0 : i32
      %parallel_loop3A_217 = arith.index_cast %parallel_loop3A_216 : i32 to index
      %parallel_loop3A_218 = arith.index_cast %parallel_loop3A_215 : i32 to index
      %parallel_loop3A_219 = arith.constant 0 : index
      %parallel_loop3A_220 = tpu.vector_load %arg7[%parallel_loop3A_217, %parallel_loop3A_218, %parallel_loop3A_219] {strides = array<i32>} : memref<2x128x16xf32, #tpu.memory_space<vmem>>, vector<16xf32>,
      %parallel_loop3A_221 = arith.addi %parallel_loop3A_211, %iota3A : vector<16xi32>
      %parallel_loop3A_222 = arith.mulf %parallel_loop3A_220, %parallel_loop3A_207 : vector<16xf32>
      tpu.vector_store_idx %arg5[%parallel_loop3A_221], %parallel_loop3A_222 {add = true} : memref<65536xf32, #tpu.memory_space<vmem>>[vector<16xi32>], vector<16xf32>,
      %parallel_loop3A_223 = arith.constant 7 : i32
      %parallel_loop3A_224 = vector.broadcast %parallel_loop3A_223 : i32 to vector<16x1xi32>
      %parallel_loop3A_225 = vector.shape_cast %parallel_loop3A_224 : vector<16x1xi32> to vector<16xi32>
      %parallel_loop3A_226 = tpu.dynamic_gather %parallel_loop3A_89[%parallel_loop3A_225] in [0] : vector<16xf32>, vector<16xi32> -> vector<16xf32>
      %parallel_loop3A_227 = arith.constant 7 : i32
      %parallel_loop3A_228 = vector.broadcast %parallel_loop3A_227 : i32 to vector<16x1xi32>
      %parallel_loop3A_229 = vector.shape_cast %parallel_loop3A_228 : vector<16x1xi32> to vector<16xi32>
      %parallel_loop3A_230 = tpu.dynamic_gather %parallel_loop3A_82[%parallel_loop3A_229] in [0] : vector<16xi32>, vector<16xi32> -> vector<16xi32>
      %parallel_loop3A_231 = arith.constant 16 : i32
      %parallel_loop3A_232 = arith.muli %parallel_loop3A_76, %parallel_loop3A_231 : i32
      %parallel_loop3A_233 = arith.constant 7 : i32
      %parallel_loop3A_234 = arith.addi %parallel_loop3A_232, %parallel_loop3A_233 : i32
      %parallel_loop3A_235 = arith.constant 0 : i32
      %parallel_loop3A_236 = arith.index_cast %parallel_loop3A_235 : i32 to index
      %parallel_loop3A_237 = arith.index_cast %parallel_loop3A_234 : i32 to index
      %parallel_loop3A_238 = arith.constant 0 : index
      %parallel_loop3A_239 = tpu.vector_load %arg7[%parallel_loop3A_236, %parallel_loop3A_237, %parallel_loop3A_238] {strides = array<i32>} : memref<2x128x16xf32, #tpu.memory_space<vmem>>, vector<16xf32>,
      %parallel_loop3A_240 = arith.addi %parallel_loop3A_230, %iota3A : vector<16xi32>
      %parallel_loop3A_241 = arith.mulf %parallel_loop3A_239, %parallel_loop3A_226 : vector<16xf32>
      tpu.vector_store_idx %arg5[%parallel_loop3A_240], %parallel_loop3A_241 {add = true} : memref<65536xf32, #tpu.memory_space<vmem>>[vector<16xi32>], vector<16xf32>,
      %parallel_loop3A_242 = arith.constant 8 : i32
      %parallel_loop3A_243 = vector.broadcast %parallel_loop3A_242 : i32 to vector<16x1xi32>
      %parallel_loop3A_244 = vector.shape_cast %parallel_loop3A_243 : vector<16x1xi32> to vector<16xi32>
      %parallel_loop3A_245 = tpu.dynamic_gather %parallel_loop3A_89[%parallel_loop3A_244] in [0] : vector<16xf32>, vector<16xi32> -> vector<16xf32>
      %parallel_loop3A_246 = arith.constant 8 : i32
      %parallel_loop3A_247 = vector.broadcast %parallel_loop3A_246 : i32 to vector<16x1xi32>
      %parallel_loop3A_248 = vector.shape_cast %parallel_loop3A_247 : vector<16x1xi32> to vector<16xi32>
      %parallel_loop3A_249 = tpu.dynamic_gather %parallel_loop3A_82[%parallel_loop3A_248] in [0] : vector<16xi32>, vector<16xi32> -> vector<16xi32>
      %parallel_loop3A_250 = arith.constant 16 : i32
      %parallel_loop3A_251 = arith.muli %parallel_loop3A_76, %parallel_loop3A_250 : i32
      %parallel_loop3A_252 = arith.constant 8 : i32
      %parallel_loop3A_253 = arith.addi %parallel_loop3A_251, %parallel_loop3A_252 : i32
      %parallel_loop3A_254 = arith.constant 0 : i32
      %parallel_loop3A_255 = arith.index_cast %parallel_loop3A_254 : i32 to index
      %parallel_loop3A_256 = arith.index_cast %parallel_loop3A_253 : i32 to index
      %parallel_loop3A_257 = arith.constant 0 : index
      %parallel_loop3A_258 = tpu.vector_load %arg7[%parallel_loop3A_255, %parallel_loop3A_256, %parallel_loop3A_257] {strides = array<i32>} : memref<2x128x16xf32, #tpu.memory_space<vmem>>, vector<16xf32>,
      %parallel_loop3A_259 = arith.addi %parallel_loop3A_249, %iota3A : vector<16xi32>
      %parallel_loop3A_260 = arith.mulf %parallel_loop3A_258, %parallel_loop3A_245 : vector<16xf32>
      tpu.vector_store_idx %arg5[%parallel_loop3A_259], %parallel_loop3A_260 {add = true} : memref<65536xf32, #tpu.memory_space<vmem>>[vector<16xi32>], vector<16xf32>,
      %parallel_loop3A_261 = arith.constant 9 : i32
      %parallel_loop3A_262 = vector.broadcast %parallel_loop3A_261 : i32 to vector<16x1xi32>
      %parallel_loop3A_263 = vector.shape_cast %parallel_loop3A_262 : vector<16x1xi32> to vector<16xi32>
      %parallel_loop3A_264 = tpu.dynamic_gather %parallel_loop3A_89[%parallel_loop3A_263] in [0] : vector<16xf32>, vector<16xi32> -> vector<16xf32>
      %parallel_loop3A_265 = arith.constant 9 : i32
      %parallel_loop3A_266 = vector.broadcast %parallel_loop3A_265 : i32 to vector<16x1xi32>
      %parallel_loop3A_267 = vector.shape_cast %parallel_loop3A_266 : vector<16x1xi32> to vector<16xi32>
      %parallel_loop3A_268 = tpu.dynamic_gather %parallel_loop3A_82[%parallel_loop3A_267] in [0] : vector<16xi32>, vector<16xi32> -> vector<16xi32>
      %parallel_loop3A_269 = arith.constant 16 : i32
      %parallel_loop3A_270 = arith.muli %parallel_loop3A_76, %parallel_loop3A_269 : i32
      %parallel_loop3A_271 = arith.constant 9 : i32
      %parallel_loop3A_272 = arith.addi %parallel_loop3A_270, %parallel_loop3A_271 : i32
      %parallel_loop3A_273 = arith.constant 0 : i32
      %parallel_loop3A_274 = arith.index_cast %parallel_loop3A_273 : i32 to index
      %parallel_loop3A_275 = arith.index_cast %parallel_loop3A_272 : i32 to index
      %parallel_loop3A_276 = arith.constant 0 : index
      %parallel_loop3A_277 = tpu.vector_load %arg7[%parallel_loop3A_274, %parallel_loop3A_275, %parallel_loop3A_276] {strides = array<i32>} : memref<2x128x16xf32, #tpu.memory_space<vmem>>, vector<16xf32>,
      %parallel_loop3A_278 = arith.addi %parallel_loop3A_268, %iota3A : vector<16xi32>
      %parallel_loop3A_279 = arith.mulf %parallel_loop3A_277, %parallel_loop3A_264 : vector<16xf32>
      tpu.vector_store_idx %arg5[%parallel_loop3A_278], %parallel_loop3A_279 {add = true} : memref<65536xf32, #tpu.memory_space<vmem>>[vector<16xi32>], vector<16xf32>,
      %parallel_loop3A_280 = arith.constant 10 : i32
      %parallel_loop3A_281 = vector.broadcast %parallel_loop3A_280 : i32 to vector<16x1xi32>
      %parallel_loop3A_282 = vector.shape_cast %parallel_loop3A_281 : vector<16x1xi32> to vector<16xi32>
      %parallel_loop3A_283 = tpu.dynamic_gather %parallel_loop3A_89[%parallel_loop3A_282] in [0] : vector<16xf32>, vector<16xi32> -> vector<16xf32>
      %parallel_loop3A_284 = arith.constant 10 : i32
      %parallel_loop3A_285 = vector.broadcast %parallel_loop3A_284 : i32 to vector<16x1xi32>
      %parallel_loop3A_286 = vector.shape_cast %parallel_loop3A_285 : vector<16x1xi32> to vector<16xi32>
      %parallel_loop3A_287 = tpu.dynamic_gather %parallel_loop3A_82[%parallel_loop3A_286] in [0] : vector<16xi32>, vector<16xi32> -> vector<16xi32>
      %parallel_loop3A_288 = arith.constant 16 : i32
      %parallel_loop3A_289 = arith.muli %parallel_loop3A_76, %parallel_loop3A_288 : i32
      %parallel_loop3A_290 = arith.constant 10 : i32
      %parallel_loop3A_291 = arith.addi %parallel_loop3A_289, %parallel_loop3A_290 : i32
      %parallel_loop3A_292 = arith.constant 0 : i32
      %parallel_loop3A_293 = arith.index_cast %parallel_loop3A_292 : i32 to index
      %parallel_loop3A_294 = arith.index_cast %parallel_loop3A_291 : i32 to index
      %parallel_loop3A_295 = arith.constant 0 : index
      %parallel_loop3A_296 = tpu.vector_load %arg7[%parallel_loop3A_293, %parallel_loop3A_294, %parallel_loop3A_295] {strides = array<i32>} : memref<2x128x16xf32, #tpu.memory_space<vmem>>, vector<16xf32>,
      %parallel_loop3A_297 = arith.addi %parallel_loop3A_287, %iota3A : vector<16xi32>
      %parallel_loop3A_298 = arith.mulf %parallel_loop3A_296, %parallel_loop3A_283 : vector<16xf32>
      tpu.vector_store_idx %arg5[%parallel_loop3A_297], %parallel_loop3A_298 {add = true} : memref<65536xf32, #tpu.memory_space<vmem>>[vector<16xi32>], vector<16xf32>,
      %parallel_loop3A_299 = arith.constant 11 : i32
      %parallel_loop3A_300 = vector.broadcast %parallel_loop3A_299 : i32 to vector<16x1xi32>
      %parallel_loop3A_301 = vector.shape_cast %parallel_loop3A_300 : vector<16x1xi32> to vector<16xi32>
      %parallel_loop3A_302 = tpu.dynamic_gather %parallel_loop3A_89[%parallel_loop3A_301] in [0] : vector<16xf32>, vector<16xi32> -> vector<16xf32>
      %parallel_loop3A_303 = arith.constant 11 : i32
      %parallel_loop3A_304 = vector.broadcast %parallel_loop3A_303 : i32 to vector<16x1xi32>
      %parallel_loop3A_305 = vector.shape_cast %parallel_loop3A_304 : vector<16x1xi32> to vector<16xi32>
      %parallel_loop3A_306 = tpu.dynamic_gather %parallel_loop3A_82[%parallel_loop3A_305] in [0] : vector<16xi32>, vector<16xi32> -> vector<16xi32>
      %parallel_loop3A_307 = arith.constant 16 : i32
      %parallel_loop3A_308 = arith.muli %parallel_loop3A_76, %parallel_loop3A_307 : i32
      %parallel_loop3A_309 = arith.constant 11 : i32
      %parallel_loop3A_310 = arith.addi %parallel_loop3A_308, %parallel_loop3A_309 : i32
      %parallel_loop3A_311 = arith.constant 0 : i32
      %parallel_loop3A_312 = arith.index_cast %parallel_loop3A_311 : i32 to index
      %parallel_loop3A_313 = arith.index_cast %parallel_loop3A_310 : i32 to index
      %parallel_loop3A_314 = arith.constant 0 : index
      %parallel_loop3A_315 = tpu.vector_load %arg7[%parallel_loop3A_312, %parallel_loop3A_313, %parallel_loop3A_314] {strides = array<i32>} : memref<2x128x16xf32, #tpu.memory_space<vmem>>, vector<16xf32>,
      %parallel_loop3A_316 = arith.addi %parallel_loop3A_306, %iota3A : vector<16xi32>
      %parallel_loop3A_317 = arith.mulf %parallel_loop3A_315, %parallel_loop3A_302 : vector<16xf32>
      tpu.vector_store_idx %arg5[%parallel_loop3A_316], %parallel_loop3A_317 {add = true} : memref<65536xf32, #tpu.memory_space<vmem>>[vector<16xi32>], vector<16xf32>,
      %parallel_loop3A_318 = arith.constant 12 : i32
      %parallel_loop3A_319 = vector.broadcast %parallel_loop3A_318 : i32 to vector<16x1xi32>
      %parallel_loop3A_320 = vector.shape_cast %parallel_loop3A_319 : vector<16x1xi32> to vector<16xi32>
      %parallel_loop3A_321 = tpu.dynamic_gather %parallel_loop3A_89[%parallel_loop3A_320] in [0] : vector<16xf32>, vector<16xi32> -> vector<16xf32>
      %parallel_loop3A_322 = arith.constant 12 : i32
      %parallel_loop3A_323 = vector.broadcast %parallel_loop3A_322 : i32 to vector<16x1xi32>
      %parallel_loop3A_324 = vector.shape_cast %parallel_loop3A_323 : vector<16x1xi32> to vector<16xi32>
      %parallel_loop3A_325 = tpu.dynamic_gather %parallel_loop3A_82[%parallel_loop3A_324] in [0] : vector<16xi32>, vector<16xi32> -> vector<16xi32>
      %parallel_loop3A_326 = arith.constant 16 : i32
      %parallel_loop3A_327 = arith.muli %parallel_loop3A_76, %parallel_loop3A_326 : i32
      %parallel_loop3A_328 = arith.constant 12 : i32
      %parallel_loop3A_329 = arith.addi %parallel_loop3A_327, %parallel_loop3A_328 : i32
      %parallel_loop3A_330 = arith.constant 0 : i32
      %parallel_loop3A_331 = arith.index_cast %parallel_loop3A_330 : i32 to index
      %parallel_loop3A_332 = arith.index_cast %parallel_loop3A_329 : i32 to index
      %parallel_loop3A_333 = arith.constant 0 : index
      %parallel_loop3A_334 = tpu.vector_load %arg7[%parallel_loop3A_331, %parallel_loop3A_332, %parallel_loop3A_333] {strides = array<i32>} : memref<2x128x16xf32, #tpu.memory_space<vmem>>, vector<16xf32>,
      %parallel_loop3A_335 = arith.addi %parallel_loop3A_325, %iota3A : vector<16xi32>
      %parallel_loop3A_336 = arith.mulf %parallel_loop3A_334, %parallel_loop3A_321 : vector<16xf32>
      tpu.vector_store_idx %arg5[%parallel_loop3A_335], %parallel_loop3A_336 {add = true} : memref<65536xf32, #tpu.memory_space<vmem>>[vector<16xi32>], vector<16xf32>,
      %parallel_loop3A_337 = arith.constant 13 : i32
      %parallel_loop3A_338 = vector.broadcast %parallel_loop3A_337 : i32 to vector<16x1xi32>
      %parallel_loop3A_339 = vector.shape_cast %parallel_loop3A_338 : vector<16x1xi32> to vector<16xi32>
      %parallel_loop3A_340 = tpu.dynamic_gather %parallel_loop3A_89[%parallel_loop3A_339] in [0] : vector<16xf32>, vector<16xi32> -> vector<16xf32>
      %parallel_loop3A_341 = arith.constant 13 : i32
      %parallel_loop3A_342 = vector.broadcast %parallel_loop3A_341 : i32 to vector<16x1xi32>
      %parallel_loop3A_343 = vector.shape_cast %parallel_loop3A_342 : vector<16x1xi32> to vector<16xi32>
      %parallel_loop3A_344 = tpu.dynamic_gather %parallel_loop3A_82[%parallel_loop3A_343] in [0] : vector<16xi32>, vector<16xi32> -> vector<16xi32>
      %parallel_loop3A_345 = arith.constant 16 : i32
      %parallel_loop3A_346 = arith.muli %parallel_loop3A_76, %parallel_loop3A_345 : i32
      %parallel_loop3A_347 = arith.constant 13 : i32
      %parallel_loop3A_348 = arith.addi %parallel_loop3A_346, %parallel_loop3A_347 : i32
      %parallel_loop3A_349 = arith.constant 0 : i32
      %parallel_loop3A_350 = arith.index_cast %parallel_loop3A_349 : i32 to index
      %parallel_loop3A_351 = arith.index_cast %parallel_loop3A_348 : i32 to index
      %parallel_loop3A_352 = arith.constant 0 : index
      %parallel_loop3A_353 = tpu.vector_load %arg7[%parallel_loop3A_350, %parallel_loop3A_351, %parallel_loop3A_352] {strides = array<i32>} : memref<2x128x16xf32, #tpu.memory_space<vmem>>, vector<16xf32>,
      %parallel_loop3A_354 = arith.addi %parallel_loop3A_344, %iota3A : vector<16xi32>
      %parallel_loop3A_355 = arith.mulf %parallel_loop3A_353, %parallel_loop3A_340 : vector<16xf32>
      tpu.vector_store_idx %arg5[%parallel_loop3A_354], %parallel_loop3A_355 {add = true} : memref<65536xf32, #tpu.memory_space<vmem>>[vector<16xi32>], vector<16xf32>,
      %parallel_loop3A_356 = arith.constant 14 : i32
      %parallel_loop3A_357 = vector.broadcast %parallel_loop3A_356 : i32 to vector<16x1xi32>
      %parallel_loop3A_358 = vector.shape_cast %parallel_loop3A_357 : vector<16x1xi32> to vector<16xi32>
      %parallel_loop3A_359 = tpu.dynamic_gather %parallel_loop3A_89[%parallel_loop3A_358] in [0] : vector<16xf32>, vector<16xi32> -> vector<16xf32>
      %parallel_loop3A_360 = arith.constant 14 : i32
      %parallel_loop3A_361 = vector.broadcast %parallel_loop3A_360 : i32 to vector<16x1xi32>
      %parallel_loop3A_362 = vector.shape_cast %parallel_loop3A_361 : vector<16x1xi32> to vector<16xi32>
      %parallel_loop3A_363 = tpu.dynamic_gather %parallel_loop3A_82[%parallel_loop3A_362] in [0] : vector<16xi32>, vector<16xi32> -> vector<16xi32>
      %parallel_loop3A_364 = arith.constant 16 : i32
      %parallel_loop3A_365 = arith.muli %parallel_loop3A_76, %parallel_loop3A_364 : i32
      %parallel_loop3A_366 = arith.constant 14 : i32
      %parallel_loop3A_367 = arith.addi %parallel_loop3A_365, %parallel_loop3A_366 : i32
      %parallel_loop3A_368 = arith.constant 0 : i32
      %parallel_loop3A_369 = arith.index_cast %parallel_loop3A_368 : i32 to index
      %parallel_loop3A_370 = arith.index_cast %parallel_loop3A_367 : i32 to index
      %parallel_loop3A_371 = arith.constant 0 : index
      %parallel_loop3A_372 = tpu.vector_load %arg7[%parallel_loop3A_369, %parallel_loop3A_370, %parallel_loop3A_371] {strides = array<i32>} : memref<2x128x16xf32, #tpu.memory_space<vmem>>, vector<16xf32>,
      %parallel_loop3A_373 = arith.addi %parallel_loop3A_363, %iota3A : vector<16xi32>
      %parallel_loop3A_374 = arith.mulf %parallel_loop3A_372, %parallel_loop3A_359 : vector<16xf32>
      tpu.vector_store_idx %arg5[%parallel_loop3A_373], %parallel_loop3A_374 {add = true} : memref<65536xf32, #tpu.memory_space<vmem>>[vector<16xi32>], vector<16xf32>,
      %parallel_loop3A_375 = arith.constant 15 : i32
      %parallel_loop3A_376 = vector.broadcast %parallel_loop3A_375 : i32 to vector<16x1xi32>
      %parallel_loop3A_377 = vector.shape_cast %parallel_loop3A_376 : vector<16x1xi32> to vector<16xi32>
      %parallel_loop3A_378 = tpu.dynamic_gather %parallel_loop3A_89[%parallel_loop3A_377] in [0] : vector<16xf32>, vector<16xi32> -> vector<16xf32>
      %parallel_loop3A_379 = arith.constant 15 : i32
      %parallel_loop3A_380 = vector.broadcast %parallel_loop3A_379 : i32 to vector<16x1xi32>
      %parallel_loop3A_381 = vector.shape_cast %parallel_loop3A_380 : vector<16x1xi32> to vector<16xi32>
      %parallel_loop3A_382 = tpu.dynamic_gather %parallel_loop3A_82[%parallel_loop3A_381] in [0] : vector<16xi32>, vector<16xi32> -> vector<16xi32>
      %parallel_loop3A_383 = arith.constant 16 : i32
      %parallel_loop3A_384 = arith.muli %parallel_loop3A_76, %parallel_loop3A_383 : i32
      %parallel_loop3A_385 = arith.constant 15 : i32
      %parallel_loop3A_386 = arith.addi %parallel_loop3A_384, %parallel_loop3A_385 : i32
      %parallel_loop3A_387 = arith.constant 0 : i32
      %parallel_loop3A_388 = arith.index_cast %parallel_loop3A_387 : i32 to index
      %parallel_loop3A_389 = arith.index_cast %parallel_loop3A_386 : i32 to index
      %parallel_loop3A_390 = arith.constant 0 : index
      %parallel_loop3A_391 = tpu.vector_load %arg7[%parallel_loop3A_388, %parallel_loop3A_389, %parallel_loop3A_390] {strides = array<i32>} : memref<2x128x16xf32, #tpu.memory_space<vmem>>, vector<16xf32>,
      %parallel_loop3A_392 = arith.addi %parallel_loop3A_382, %iota3A : vector<16xi32>
      %parallel_loop3A_393 = arith.mulf %parallel_loop3A_391, %parallel_loop3A_378 : vector<16xf32>
      tpu.vector_store_idx %arg5[%parallel_loop3A_392], %parallel_loop3A_393 {add = true} : memref<65536xf32, #tpu.memory_space<vmem>>[vector<16xi32>], vector<16xf32>,
    } {sc.loop_unroll_factor = 4 : i64, sc.parallel_access}
    %dma_wait3A_58 = arith.constant 1 : i32
    %dma_wait3A_59 = arith.constant 0 : i32
    %dma_wait3A_60 = arith.constant 0 : i32
    %dma_wait3A_61 = tpu.memref_slice %arg7[%dma_wait3A_58, %dma_wait3A_59, %dma_wait3A_60] : memref<2x128x16xf32, #tpu.memory_space<vmem>> -> memref<1x128x16xf32, #tpu.memory_space<vmem>>
    %dma_wait3A_62 = tpu.memref_squeeze %dma_wait3A_61 : memref<1x128x16xf32, #tpu.memory_space<vmem>> -> memref<128x16xf32, #tpu.memory_space<vmem>>
    %dma_wait3A_63 = arith.constant 0 : i32
    %dma_wait3A_64 = arith.constant 0 : i32
    %dma_wait3A_65 = tpu.memref_slice %arg2[%dma_wait3A_63, %dma_wait3A_64] : memref<4096x16xf32, #tpu.memory_space<hbm>> -> memref<128x16xf32, #tpu.memory_space<hbm>>
    %dma_wait3A_66 = arith.constant 0 : i32
    %dma_wait3A_67 = arith.constant 0 : i32
    %dma_wait3A_68 = tpu.memref_slice %arg7[%dma_wait3A_58, %dma_wait3A_66, %dma_wait3A_67] : memref<2x128x16xf32, #tpu.memory_space<vmem>> -> memref<1x128x16xf32, #tpu.memory_space<vmem>>
    %dma_wait3A_69 = tpu.memref_squeeze %dma_wait3A_68 : memref<1x128x16xf32, #tpu.memory_space<vmem>> -> memref<128x16xf32, #tpu.memory_space<vmem>>
    %dma_wait3A_70 = arith.constant 0 : i32
    %dma_wait3A_71 = arith.constant 0 : i32
    %dma_wait3A_72 = tpu.memref_slice %arg2[%dma_wait3A_70, %dma_wait3A_71] : memref<4096x16xf32, #tpu.memory_space<hbm>> -> memref<128x16xf32, #tpu.memory_space<hbm>>
    tpu.wait_dma2 semaphore(%arg10 : memref<!tpu.dma_semaphore, #tpu.memory_space<semaphore_mem>>) src(%dma_wait3A_72 : memref<128x16xf32, #tpu.memory_space<hbm>>) dst(%dma_wait3A_69 : memref<128x16xf32, #tpu.memory_space<vmem>>)
    %parallel_loop3A_73 = arith.constant 0 : i32
    %parallel_loop3A_74 = arith.constant 8 : i32
    %parallel_loop3A_75 = arith.constant 1 : i32
    scf.for %parallel_loop3A_76 = %parallel_loop3A_73 to %parallel_loop3A_74 step %parallel_loop3A_75  : i32 {
      %parallel_loop3A_77 = arith.constant 16 : i32
      %parallel_loop3A_78 = arith.muli %parallel_loop3A_76, %parallel_loop3A_77 : i32
      %parallel_loop3A_79 = arith.constant 15872 : i32
      %parallel_loop3A_80 = arith.addi %parallel_loop3A_79, %parallel_loop3A_78 : i32
      %parallel_loop3A_81 = arith.index_cast %parallel_loop3A_80 : i32 to index
      %parallel_loop3A_82 = tpu.vector_load %arg6[%parallel_loop3A_81] {strides = array<i32>} : memref<16128xi32, #tpu.memory_space<vmem>>, vector<16xi32>,
      %parallel_loop3A_83 = arith.constant 16 : i32
      %parallel_loop3A_84 = arith.muli %parallel_loop3A_76, %parallel_loop3A_83 : i32
      %parallel_loop3A_85 = arith.constant 16000 : i32
      %parallel_loop3A_86 = arith.addi %parallel_loop3A_85, %parallel_loop3A_84 : i32
      %parallel_loop3A_87 = arith.index_cast %parallel_loop3A_86 : i32 to index
      %parallel_loop3A_88 = tpu.vector_load %arg6[%parallel_loop3A_87] {strides = array<i32>} : memref<16128xi32, #tpu.memory_space<vmem>>, vector<16xi32>,
      %parallel_loop3A_89 = vector.bitcast %parallel_loop3A_88 : vector<16xi32> to vector<16xf32>
      %parallel_loop3A_90 = arith.constant 0 : i32
      %parallel_loop3A_91 = vector.broadcast %parallel_loop3A_90 : i32 to vector<16x1xi32>
      %parallel_loop3A_92 = vector.shape_cast %parallel_loop3A_91 : vector<16x1xi32> to vector<16xi32>
      %parallel_loop3A_93 = tpu.dynamic_gather %parallel_loop3A_89[%parallel_loop3A_92] in [0] : vector<16xf32>, vector<16xi32> -> vector<16xf32>
      %parallel_loop3A_94 = arith.constant 0 : i32
      %parallel_loop3A_95 = vector.broadcast %parallel_loop3A_94 : i32 to vector<16x1xi32>
      %parallel_loop3A_96 = vector.shape_cast %parallel_loop3A_95 : vector<16x1xi32> to vector<16xi32>
      %parallel_loop3A_97 = tpu.dynamic_gather %parallel_loop3A_82[%parallel_loop3A_96] in [0] : vector<16xi32>, vector<16xi32> -> vector<16xi32>
      %parallel_loop3A_98 = arith.constant 16 : i32
      %parallel_loop3A_99 = arith.muli %parallel_loop3A_76, %parallel_loop3A_98 : i32
      %parallel_loop3A_100 = arith.constant 0 : i32
      %parallel_loop3A_101 = arith.addi %parallel_loop3A_99, %parallel_loop3A_100 : i32
      %parallel_loop3A_102 = arith.constant 1 : i32
      %parallel_loop3A_103 = arith.index_cast %parallel_loop3A_102 : i32 to index
      %parallel_loop3A_104 = arith.index_cast %parallel_loop3A_101 : i32 to index
      %parallel_loop3A_105 = arith.constant 0 : index
      %parallel_loop3A_106 = tpu.vector_load %arg7[%parallel_loop3A_103, %parallel_loop3A_104, %parallel_loop3A_105] {strides = array<i32>} : memref<2x128x16xf32, #tpu.memory_space<vmem>>, vector<16xf32>,
      %parallel_loop3A_107 = arith.addi %parallel_loop3A_97, %iota3A : vector<16xi32>
      %parallel_loop3A_108 = arith.mulf %parallel_loop3A_106, %parallel_loop3A_93 : vector<16xf32>
      tpu.vector_store_idx %arg5[%parallel_loop3A_107], %parallel_loop3A_108 {add = true} : memref<65536xf32, #tpu.memory_space<vmem>>[vector<16xi32>], vector<16xf32>,
      %parallel_loop3A_109 = arith.constant 1 : i32
      %parallel_loop3A_110 = vector.broadcast %parallel_loop3A_109 : i32 to vector<16x1xi32>
      %parallel_loop3A_111 = vector.shape_cast %parallel_loop3A_110 : vector<16x1xi32> to vector<16xi32>
      %parallel_loop3A_112 = tpu.dynamic_gather %parallel_loop3A_89[%parallel_loop3A_111] in [0] : vector<16xf32>, vector<16xi32> -> vector<16xf32>
      %parallel_loop3A_113 = arith.constant 1 : i32
      %parallel_loop3A_114 = vector.broadcast %parallel_loop3A_113 : i32 to vector<16x1xi32>
      %parallel_loop3A_115 = vector.shape_cast %parallel_loop3A_114 : vector<16x1xi32> to vector<16xi32>
      %parallel_loop3A_116 = tpu.dynamic_gather %parallel_loop3A_82[%parallel_loop3A_115] in [0] : vector<16xi32>, vector<16xi32> -> vector<16xi32>
      %parallel_loop3A_117 = arith.constant 16 : i32
      %parallel_loop3A_118 = arith.muli %parallel_loop3A_76, %parallel_loop3A_117 : i32
      %parallel_loop3A_119 = arith.constant 1 : i32
      %parallel_loop3A_120 = arith.addi %parallel_loop3A_118, %parallel_loop3A_119 : i32
      %parallel_loop3A_121 = arith.constant 1 : i32
      %parallel_loop3A_122 = arith.index_cast %parallel_loop3A_121 : i32 to index
      %parallel_loop3A_123 = arith.index_cast %parallel_loop3A_120 : i32 to index
      %parallel_loop3A_124 = arith.constant 0 : index
      %parallel_loop3A_125 = tpu.vector_load %arg7[%parallel_loop3A_122, %parallel_loop3A_123, %parallel_loop3A_124] {strides = array<i32>} : memref<2x128x16xf32, #tpu.memory_space<vmem>>, vector<16xf32>,
      %parallel_loop3A_126 = arith.addi %parallel_loop3A_116, %iota3A : vector<16xi32>
      %parallel_loop3A_127 = arith.mulf %parallel_loop3A_125, %parallel_loop3A_112 : vector<16xf32>
      tpu.vector_store_idx %arg5[%parallel_loop3A_126], %parallel_loop3A_127 {add = true} : memref<65536xf32, #tpu.memory_space<vmem>>[vector<16xi32>], vector<16xf32>,
      %parallel_loop3A_128 = arith.constant 2 : i32
      %parallel_loop3A_129 = vector.broadcast %parallel_loop3A_128 : i32 to vector<16x1xi32>
      %parallel_loop3A_130 = vector.shape_cast %parallel_loop3A_129 : vector<16x1xi32> to vector<16xi32>
      %parallel_loop3A_131 = tpu.dynamic_gather %parallel_loop3A_89[%parallel_loop3A_130] in [0] : vector<16xf32>, vector<16xi32> -> vector<16xf32>
      %parallel_loop3A_132 = arith.constant 2 : i32
      %parallel_loop3A_133 = vector.broadcast %parallel_loop3A_132 : i32 to vector<16x1xi32>
      %parallel_loop3A_134 = vector.shape_cast %parallel_loop3A_133 : vector<16x1xi32> to vector<16xi32>
      %parallel_loop3A_135 = tpu.dynamic_gather %parallel_loop3A_82[%parallel_loop3A_134] in [0] : vector<16xi32>, vector<16xi32> -> vector<16xi32>
      %parallel_loop3A_136 = arith.constant 16 : i32
      %parallel_loop3A_137 = arith.muli %parallel_loop3A_76, %parallel_loop3A_136 : i32
      %parallel_loop3A_138 = arith.constant 2 : i32
      %parallel_loop3A_139 = arith.addi %parallel_loop3A_137, %parallel_loop3A_138 : i32
      %parallel_loop3A_140 = arith.constant 1 : i32
      %parallel_loop3A_141 = arith.index_cast %parallel_loop3A_140 : i32 to index
      %parallel_loop3A_142 = arith.index_cast %parallel_loop3A_139 : i32 to index
      %parallel_loop3A_143 = arith.constant 0 : index
      %parallel_loop3A_144 = tpu.vector_load %arg7[%parallel_loop3A_141, %parallel_loop3A_142, %parallel_loop3A_143] {strides = array<i32>} : memref<2x128x16xf32, #tpu.memory_space<vmem>>, vector<16xf32>,
      %parallel_loop3A_145 = arith.addi %parallel_loop3A_135, %iota3A : vector<16xi32>
      %parallel_loop3A_146 = arith.mulf %parallel_loop3A_144, %parallel_loop3A_131 : vector<16xf32>
      tpu.vector_store_idx %arg5[%parallel_loop3A_145], %parallel_loop3A_146 {add = true} : memref<65536xf32, #tpu.memory_space<vmem>>[vector<16xi32>], vector<16xf32>,
      %parallel_loop3A_147 = arith.constant 3 : i32
      %parallel_loop3A_148 = vector.broadcast %parallel_loop3A_147 : i32 to vector<16x1xi32>
      %parallel_loop3A_149 = vector.shape_cast %parallel_loop3A_148 : vector<16x1xi32> to vector<16xi32>
      %parallel_loop3A_150 = tpu.dynamic_gather %parallel_loop3A_89[%parallel_loop3A_149] in [0] : vector<16xf32>, vector<16xi32> -> vector<16xf32>
      %parallel_loop3A_151 = arith.constant 3 : i32
      %parallel_loop3A_152 = vector.broadcast %parallel_loop3A_151 : i32 to vector<16x1xi32>
      %parallel_loop3A_153 = vector.shape_cast %parallel_loop3A_152 : vector<16x1xi32> to vector<16xi32>
      %parallel_loop3A_154 = tpu.dynamic_gather %parallel_loop3A_82[%parallel_loop3A_153] in [0] : vector<16xi32>, vector<16xi32> -> vector<16xi32>
      %parallel_loop3A_155 = arith.constant 16 : i32
      %parallel_loop3A_156 = arith.muli %parallel_loop3A_76, %parallel_loop3A_155 : i32
      %parallel_loop3A_157 = arith.constant 3 : i32
      %parallel_loop3A_158 = arith.addi %parallel_loop3A_156, %parallel_loop3A_157 : i32
      %parallel_loop3A_159 = arith.constant 1 : i32
      %parallel_loop3A_160 = arith.index_cast %parallel_loop3A_159 : i32 to index
      %parallel_loop3A_161 = arith.index_cast %parallel_loop3A_158 : i32 to index
      %parallel_loop3A_162 = arith.constant 0 : index
      %parallel_loop3A_163 = tpu.vector_load %arg7[%parallel_loop3A_160, %parallel_loop3A_161, %parallel_loop3A_162] {strides = array<i32>} : memref<2x128x16xf32, #tpu.memory_space<vmem>>, vector<16xf32>,
      %parallel_loop3A_164 = arith.addi %parallel_loop3A_154, %iota3A : vector<16xi32>
      %parallel_loop3A_165 = arith.mulf %parallel_loop3A_163, %parallel_loop3A_150 : vector<16xf32>
      tpu.vector_store_idx %arg5[%parallel_loop3A_164], %parallel_loop3A_165 {add = true} : memref<65536xf32, #tpu.memory_space<vmem>>[vector<16xi32>], vector<16xf32>,
      %parallel_loop3A_166 = arith.constant 4 : i32
      %parallel_loop3A_167 = vector.broadcast %parallel_loop3A_166 : i32 to vector<16x1xi32>
      %parallel_loop3A_168 = vector.shape_cast %parallel_loop3A_167 : vector<16x1xi32> to vector<16xi32>
      %parallel_loop3A_169 = tpu.dynamic_gather %parallel_loop3A_89[%parallel_loop3A_168] in [0] : vector<16xf32>, vector<16xi32> -> vector<16xf32>
      %parallel_loop3A_170 = arith.constant 4 : i32
      %parallel_loop3A_171 = vector.broadcast %parallel_loop3A_170 : i32 to vector<16x1xi32>
      %parallel_loop3A_172 = vector.shape_cast %parallel_loop3A_171 : vector<16x1xi32> to vector<16xi32>
      %parallel_loop3A_173 = tpu.dynamic_gather %parallel_loop3A_82[%parallel_loop3A_172] in [0] : vector<16xi32>, vector<16xi32> -> vector<16xi32>
      %parallel_loop3A_174 = arith.constant 16 : i32
      %parallel_loop3A_175 = arith.muli %parallel_loop3A_76, %parallel_loop3A_174 : i32
      %parallel_loop3A_176 = arith.constant 4 : i32
      %parallel_loop3A_177 = arith.addi %parallel_loop3A_175, %parallel_loop3A_176 : i32
      %parallel_loop3A_178 = arith.constant 1 : i32
      %parallel_loop3A_179 = arith.index_cast %parallel_loop3A_178 : i32 to index
      %parallel_loop3A_180 = arith.index_cast %parallel_loop3A_177 : i32 to index
      %parallel_loop3A_181 = arith.constant 0 : index
      %parallel_loop3A_182 = tpu.vector_load %arg7[%parallel_loop3A_179, %parallel_loop3A_180, %parallel_loop3A_181] {strides = array<i32>} : memref<2x128x16xf32, #tpu.memory_space<vmem>>, vector<16xf32>,
      %parallel_loop3A_183 = arith.addi %parallel_loop3A_173, %iota3A : vector<16xi32>
      %parallel_loop3A_184 = arith.mulf %parallel_loop3A_182, %parallel_loop3A_169 : vector<16xf32>
      tpu.vector_store_idx %arg5[%parallel_loop3A_183], %parallel_loop3A_184 {add = true} : memref<65536xf32, #tpu.memory_space<vmem>>[vector<16xi32>], vector<16xf32>,
      %parallel_loop3A_185 = arith.constant 5 : i32
      %parallel_loop3A_186 = vector.broadcast %parallel_loop3A_185 : i32 to vector<16x1xi32>
      %parallel_loop3A_187 = vector.shape_cast %parallel_loop3A_186 : vector<16x1xi32> to vector<16xi32>
      %parallel_loop3A_188 = tpu.dynamic_gather %parallel_loop3A_89[%parallel_loop3A_187] in [0] : vector<16xf32>, vector<16xi32> -> vector<16xf32>
      %parallel_loop3A_189 = arith.constant 5 : i32
      %parallel_loop3A_190 = vector.broadcast %parallel_loop3A_189 : i32 to vector<16x1xi32>
      %parallel_loop3A_191 = vector.shape_cast %parallel_loop3A_190 : vector<16x1xi32> to vector<16xi32>
      %parallel_loop3A_192 = tpu.dynamic_gather %parallel_loop3A_82[%parallel_loop3A_191] in [0] : vector<16xi32>, vector<16xi32> -> vector<16xi32>
      %parallel_loop3A_193 = arith.constant 16 : i32
      %parallel_loop3A_194 = arith.muli %parallel_loop3A_76, %parallel_loop3A_193 : i32
      %parallel_loop3A_195 = arith.constant 5 : i32
      %parallel_loop3A_196 = arith.addi %parallel_loop3A_194, %parallel_loop3A_195 : i32
      %parallel_loop3A_197 = arith.constant 1 : i32
      %parallel_loop3A_198 = arith.index_cast %parallel_loop3A_197 : i32 to index
      %parallel_loop3A_199 = arith.index_cast %parallel_loop3A_196 : i32 to index
      %parallel_loop3A_200 = arith.constant 0 : index
      %parallel_loop3A_201 = tpu.vector_load %arg7[%parallel_loop3A_198, %parallel_loop3A_199, %parallel_loop3A_200] {strides = array<i32>} : memref<2x128x16xf32, #tpu.memory_space<vmem>>, vector<16xf32>,
      %parallel_loop3A_202 = arith.addi %parallel_loop3A_192, %iota3A : vector<16xi32>
      %parallel_loop3A_203 = arith.mulf %parallel_loop3A_201, %parallel_loop3A_188 : vector<16xf32>
      tpu.vector_store_idx %arg5[%parallel_loop3A_202], %parallel_loop3A_203 {add = true} : memref<65536xf32, #tpu.memory_space<vmem>>[vector<16xi32>], vector<16xf32>,
      %parallel_loop3A_204 = arith.constant 6 : i32
      %parallel_loop3A_205 = vector.broadcast %parallel_loop3A_204 : i32 to vector<16x1xi32>
      %parallel_loop3A_206 = vector.shape_cast %parallel_loop3A_205 : vector<16x1xi32> to vector<16xi32>
      %parallel_loop3A_207 = tpu.dynamic_gather %parallel_loop3A_89[%parallel_loop3A_206] in [0] : vector<16xf32>, vector<16xi32> -> vector<16xf32>
      %parallel_loop3A_208 = arith.constant 6 : i32
      %parallel_loop3A_209 = vector.broadcast %parallel_loop3A_208 : i32 to vector<16x1xi32>
      %parallel_loop3A_210 = vector.shape_cast %parallel_loop3A_209 : vector<16x1xi32> to vector<16xi32>
      %parallel_loop3A_211 = tpu.dynamic_gather %parallel_loop3A_82[%parallel_loop3A_210] in [0] : vector<16xi32>, vector<16xi32> -> vector<16xi32>
      %parallel_loop3A_212 = arith.constant 16 : i32
      %parallel_loop3A_213 = arith.muli %parallel_loop3A_76, %parallel_loop3A_212 : i32
      %parallel_loop3A_214 = arith.constant 6 : i32
      %parallel_loop3A_215 = arith.addi %parallel_loop3A_213, %parallel_loop3A_214 : i32
      %parallel_loop3A_216 = arith.constant 1 : i32
      %parallel_loop3A_217 = arith.index_cast %parallel_loop3A_216 : i32 to index
      %parallel_loop3A_218 = arith.index_cast %parallel_loop3A_215 : i32 to index
      %parallel_loop3A_219 = arith.constant 0 : index
      %parallel_loop3A_220 = tpu.vector_load %arg7[%parallel_loop3A_217, %parallel_loop3A_218, %parallel_loop3A_219] {strides = array<i32>} : memref<2x128x16xf32, #tpu.memory_space<vmem>>, vector<16xf32>,
      %parallel_loop3A_221 = arith.addi %parallel_loop3A_211, %iota3A : vector<16xi32>
      %parallel_loop3A_222 = arith.mulf %parallel_loop3A_220, %parallel_loop3A_207 : vector<16xf32>
      tpu.vector_store_idx %arg5[%parallel_loop3A_221], %parallel_loop3A_222 {add = true} : memref<65536xf32, #tpu.memory_space<vmem>>[vector<16xi32>], vector<16xf32>,
      %parallel_loop3A_223 = arith.constant 7 : i32
      %parallel_loop3A_224 = vector.broadcast %parallel_loop3A_223 : i32 to vector<16x1xi32>
      %parallel_loop3A_225 = vector.shape_cast %parallel_loop3A_224 : vector<16x1xi32> to vector<16xi32>
      %parallel_loop3A_226 = tpu.dynamic_gather %parallel_loop3A_89[%parallel_loop3A_225] in [0] : vector<16xf32>, vector<16xi32> -> vector<16xf32>
      %parallel_loop3A_227 = arith.constant 7 : i32
      %parallel_loop3A_228 = vector.broadcast %parallel_loop3A_227 : i32 to vector<16x1xi32>
      %parallel_loop3A_229 = vector.shape_cast %parallel_loop3A_228 : vector<16x1xi32> to vector<16xi32>
      %parallel_loop3A_230 = tpu.dynamic_gather %parallel_loop3A_82[%parallel_loop3A_229] in [0] : vector<16xi32>, vector<16xi32> -> vector<16xi32>
      %parallel_loop3A_231 = arith.constant 16 : i32
      %parallel_loop3A_232 = arith.muli %parallel_loop3A_76, %parallel_loop3A_231 : i32
      %parallel_loop3A_233 = arith.constant 7 : i32
      %parallel_loop3A_234 = arith.addi %parallel_loop3A_232, %parallel_loop3A_233 : i32
      %parallel_loop3A_235 = arith.constant 1 : i32
      %parallel_loop3A_236 = arith.index_cast %parallel_loop3A_235 : i32 to index
      %parallel_loop3A_237 = arith.index_cast %parallel_loop3A_234 : i32 to index
      %parallel_loop3A_238 = arith.constant 0 : index
      %parallel_loop3A_239 = tpu.vector_load %arg7[%parallel_loop3A_236, %parallel_loop3A_237, %parallel_loop3A_238] {strides = array<i32>} : memref<2x128x16xf32, #tpu.memory_space<vmem>>, vector<16xf32>,
      %parallel_loop3A_240 = arith.addi %parallel_loop3A_230, %iota3A : vector<16xi32>
      %parallel_loop3A_241 = arith.mulf %parallel_loop3A_239, %parallel_loop3A_226 : vector<16xf32>
      tpu.vector_store_idx %arg5[%parallel_loop3A_240], %parallel_loop3A_241 {add = true} : memref<65536xf32, #tpu.memory_space<vmem>>[vector<16xi32>], vector<16xf32>,
      %parallel_loop3A_242 = arith.constant 8 : i32
      %parallel_loop3A_243 = vector.broadcast %parallel_loop3A_242 : i32 to vector<16x1xi32>
      %parallel_loop3A_244 = vector.shape_cast %parallel_loop3A_243 : vector<16x1xi32> to vector<16xi32>
      %parallel_loop3A_245 = tpu.dynamic_gather %parallel_loop3A_89[%parallel_loop3A_244] in [0] : vector<16xf32>, vector<16xi32> -> vector<16xf32>
      %parallel_loop3A_246 = arith.constant 8 : i32
      %parallel_loop3A_247 = vector.broadcast %parallel_loop3A_246 : i32 to vector<16x1xi32>
      %parallel_loop3A_248 = vector.shape_cast %parallel_loop3A_247 : vector<16x1xi32> to vector<16xi32>
      %parallel_loop3A_249 = tpu.dynamic_gather %parallel_loop3A_82[%parallel_loop3A_248] in [0] : vector<16xi32>, vector<16xi32> -> vector<16xi32>
      %parallel_loop3A_250 = arith.constant 16 : i32
      %parallel_loop3A_251 = arith.muli %parallel_loop3A_76, %parallel_loop3A_250 : i32
      %parallel_loop3A_252 = arith.constant 8 : i32
      %parallel_loop3A_253 = arith.addi %parallel_loop3A_251, %parallel_loop3A_252 : i32
      %parallel_loop3A_254 = arith.constant 1 : i32
      %parallel_loop3A_255 = arith.index_cast %parallel_loop3A_254 : i32 to index
      %parallel_loop3A_256 = arith.index_cast %parallel_loop3A_253 : i32 to index
      %parallel_loop3A_257 = arith.constant 0 : index
      %parallel_loop3A_258 = tpu.vector_load %arg7[%parallel_loop3A_255, %parallel_loop3A_256, %parallel_loop3A_257] {strides = array<i32>} : memref<2x128x16xf32, #tpu.memory_space<vmem>>, vector<16xf32>,
      %parallel_loop3A_259 = arith.addi %parallel_loop3A_249, %iota3A : vector<16xi32>
      %parallel_loop3A_260 = arith.mulf %parallel_loop3A_258, %parallel_loop3A_245 : vector<16xf32>
      tpu.vector_store_idx %arg5[%parallel_loop3A_259], %parallel_loop3A_260 {add = true} : memref<65536xf32, #tpu.memory_space<vmem>>[vector<16xi32>], vector<16xf32>,
      %parallel_loop3A_261 = arith.constant 9 : i32
      %parallel_loop3A_262 = vector.broadcast %parallel_loop3A_261 : i32 to vector<16x1xi32>
      %parallel_loop3A_263 = vector.shape_cast %parallel_loop3A_262 : vector<16x1xi32> to vector<16xi32>
      %parallel_loop3A_264 = tpu.dynamic_gather %parallel_loop3A_89[%parallel_loop3A_263] in [0] : vector<16xf32>, vector<16xi32> -> vector<16xf32>
      %parallel_loop3A_265 = arith.constant 9 : i32
      %parallel_loop3A_266 = vector.broadcast %parallel_loop3A_265 : i32 to vector<16x1xi32>
      %parallel_loop3A_267 = vector.shape_cast %parallel_loop3A_266 : vector<16x1xi32> to vector<16xi32>
      %parallel_loop3A_268 = tpu.dynamic_gather %parallel_loop3A_82[%parallel_loop3A_267] in [0] : vector<16xi32>, vector<16xi32> -> vector<16xi32>
      %parallel_loop3A_269 = arith.constant 16 : i32
      %parallel_loop3A_270 = arith.muli %parallel_loop3A_76, %parallel_loop3A_269 : i32
      %parallel_loop3A_271 = arith.constant 9 : i32
      %parallel_loop3A_272 = arith.addi %parallel_loop3A_270, %parallel_loop3A_271 : i32
      %parallel_loop3A_273 = arith.constant 1 : i32
      %parallel_loop3A_274 = arith.index_cast %parallel_loop3A_273 : i32 to index
      %parallel_loop3A_275 = arith.index_cast %parallel_loop3A_272 : i32 to index
      %parallel_loop3A_276 = arith.constant 0 : index
      %parallel_loop3A_277 = tpu.vector_load %arg7[%parallel_loop3A_274, %parallel_loop3A_275, %parallel_loop3A_276] {strides = array<i32>} : memref<2x128x16xf32, #tpu.memory_space<vmem>>, vector<16xf32>,
      %parallel_loop3A_278 = arith.addi %parallel_loop3A_268, %iota3A : vector<16xi32>
      %parallel_loop3A_279 = arith.mulf %parallel_loop3A_277, %parallel_loop3A_264 : vector<16xf32>
      tpu.vector_store_idx %arg5[%parallel_loop3A_278], %parallel_loop3A_279 {add = true} : memref<65536xf32, #tpu.memory_space<vmem>>[vector<16xi32>], vector<16xf32>,
      %parallel_loop3A_280 = arith.constant 10 : i32
      %parallel_loop3A_281 = vector.broadcast %parallel_loop3A_280 : i32 to vector<16x1xi32>
      %parallel_loop3A_282 = vector.shape_cast %parallel_loop3A_281 : vector<16x1xi32> to vector<16xi32>
      %parallel_loop3A_283 = tpu.dynamic_gather %parallel_loop3A_89[%parallel_loop3A_282] in [0] : vector<16xf32>, vector<16xi32> -> vector<16xf32>
      %parallel_loop3A_284 = arith.constant 10 : i32
      %parallel_loop3A_285 = vector.broadcast %parallel_loop3A_284 : i32 to vector<16x1xi32>
      %parallel_loop3A_286 = vector.shape_cast %parallel_loop3A_285 : vector<16x1xi32> to vector<16xi32>
      %parallel_loop3A_287 = tpu.dynamic_gather %parallel_loop3A_82[%parallel_loop3A_286] in [0] : vector<16xi32>, vector<16xi32> -> vector<16xi32>
      %parallel_loop3A_288 = arith.constant 16 : i32
      %parallel_loop3A_289 = arith.muli %parallel_loop3A_76, %parallel_loop3A_288 : i32
      %parallel_loop3A_290 = arith.constant 10 : i32
      %parallel_loop3A_291 = arith.addi %parallel_loop3A_289, %parallel_loop3A_290 : i32
      %parallel_loop3A_292 = arith.constant 1 : i32
      %parallel_loop3A_293 = arith.index_cast %parallel_loop3A_292 : i32 to index
      %parallel_loop3A_294 = arith.index_cast %parallel_loop3A_291 : i32 to index
      %parallel_loop3A_295 = arith.constant 0 : index
      %parallel_loop3A_296 = tpu.vector_load %arg7[%parallel_loop3A_293, %parallel_loop3A_294, %parallel_loop3A_295] {strides = array<i32>} : memref<2x128x16xf32, #tpu.memory_space<vmem>>, vector<16xf32>,
      %parallel_loop3A_297 = arith.addi %parallel_loop3A_287, %iota3A : vector<16xi32>
      %parallel_loop3A_298 = arith.mulf %parallel_loop3A_296, %parallel_loop3A_283 : vector<16xf32>
      tpu.vector_store_idx %arg5[%parallel_loop3A_297], %parallel_loop3A_298 {add = true} : memref<65536xf32, #tpu.memory_space<vmem>>[vector<16xi32>], vector<16xf32>,
      %parallel_loop3A_299 = arith.constant 11 : i32
      %parallel_loop3A_300 = vector.broadcast %parallel_loop3A_299 : i32 to vector<16x1xi32>
      %parallel_loop3A_301 = vector.shape_cast %parallel_loop3A_300 : vector<16x1xi32> to vector<16xi32>
      %parallel_loop3A_302 = tpu.dynamic_gather %parallel_loop3A_89[%parallel_loop3A_301] in [0] : vector<16xf32>, vector<16xi32> -> vector<16xf32>
      %parallel_loop3A_303 = arith.constant 11 : i32
      %parallel_loop3A_304 = vector.broadcast %parallel_loop3A_303 : i32 to vector<16x1xi32>
      %parallel_loop3A_305 = vector.shape_cast %parallel_loop3A_304 : vector<16x1xi32> to vector<16xi32>
      %parallel_loop3A_306 = tpu.dynamic_gather %parallel_loop3A_82[%parallel_loop3A_305] in [0] : vector<16xi32>, vector<16xi32> -> vector<16xi32>
      %parallel_loop3A_307 = arith.constant 16 : i32
      %parallel_loop3A_308 = arith.muli %parallel_loop3A_76, %parallel_loop3A_307 : i32
      %parallel_loop3A_309 = arith.constant 11 : i32
      %parallel_loop3A_310 = arith.addi %parallel_loop3A_308, %parallel_loop3A_309 : i32
      %parallel_loop3A_311 = arith.constant 1 : i32
      %parallel_loop3A_312 = arith.index_cast %parallel_loop3A_311 : i32 to index
      %parallel_loop3A_313 = arith.index_cast %parallel_loop3A_310 : i32 to index
      %parallel_loop3A_314 = arith.constant 0 : index
      %parallel_loop3A_315 = tpu.vector_load %arg7[%parallel_loop3A_312, %parallel_loop3A_313, %parallel_loop3A_314] {strides = array<i32>} : memref<2x128x16xf32, #tpu.memory_space<vmem>>, vector<16xf32>,
      %parallel_loop3A_316 = arith.addi %parallel_loop3A_306, %iota3A : vector<16xi32>
      %parallel_loop3A_317 = arith.mulf %parallel_loop3A_315, %parallel_loop3A_302 : vector<16xf32>
      tpu.vector_store_idx %arg5[%parallel_loop3A_316], %parallel_loop3A_317 {add = true} : memref<65536xf32, #tpu.memory_space<vmem>>[vector<16xi32>], vector<16xf32>,
      %parallel_loop3A_318 = arith.constant 12 : i32
      %parallel_loop3A_319 = vector.broadcast %parallel_loop3A_318 : i32 to vector<16x1xi32>
      %parallel_loop3A_320 = vector.shape_cast %parallel_loop3A_319 : vector<16x1xi32> to vector<16xi32>
      %parallel_loop3A_321 = tpu.dynamic_gather %parallel_loop3A_89[%parallel_loop3A_320] in [0] : vector<16xf32>, vector<16xi32> -> vector<16xf32>
      %parallel_loop3A_322 = arith.constant 12 : i32
      %parallel_loop3A_323 = vector.broadcast %parallel_loop3A_322 : i32 to vector<16x1xi32>
      %parallel_loop3A_324 = vector.shape_cast %parallel_loop3A_323 : vector<16x1xi32> to vector<16xi32>
      %parallel_loop3A_325 = tpu.dynamic_gather %parallel_loop3A_82[%parallel_loop3A_324] in [0] : vector<16xi32>, vector<16xi32> -> vector<16xi32>
      %parallel_loop3A_326 = arith.constant 16 : i32
      %parallel_loop3A_327 = arith.muli %parallel_loop3A_76, %parallel_loop3A_326 : i32
      %parallel_loop3A_328 = arith.constant 12 : i32
      %parallel_loop3A_329 = arith.addi %parallel_loop3A_327, %parallel_loop3A_328 : i32
      %parallel_loop3A_330 = arith.constant 1 : i32
      %parallel_loop3A_331 = arith.index_cast %parallel_loop3A_330 : i32 to index
      %parallel_loop3A_332 = arith.index_cast %parallel_loop3A_329 : i32 to index
      %parallel_loop3A_333 = arith.constant 0 : index
      %parallel_loop3A_334 = tpu.vector_load %arg7[%parallel_loop3A_331, %parallel_loop3A_332, %parallel_loop3A_333] {strides = array<i32>} : memref<2x128x16xf32, #tpu.memory_space<vmem>>, vector<16xf32>,
      %parallel_loop3A_335 = arith.addi %parallel_loop3A_325, %iota3A : vector<16xi32>
      %parallel_loop3A_336 = arith.mulf %parallel_loop3A_334, %parallel_loop3A_321 : vector<16xf32>
      tpu.vector_store_idx %arg5[%parallel_loop3A_335], %parallel_loop3A_336 {add = true} : memref<65536xf32, #tpu.memory_space<vmem>>[vector<16xi32>], vector<16xf32>,
      %parallel_loop3A_337 = arith.constant 13 : i32
      %parallel_loop3A_338 = vector.broadcast %parallel_loop3A_337 : i32 to vector<16x1xi32>
      %parallel_loop3A_339 = vector.shape_cast %parallel_loop3A_338 : vector<16x1xi32> to vector<16xi32>
      %parallel_loop3A_340 = tpu.dynamic_gather %parallel_loop3A_89[%parallel_loop3A_339] in [0] : vector<16xf32>, vector<16xi32> -> vector<16xf32>
      %parallel_loop3A_341 = arith.constant 13 : i32
      %parallel_loop3A_342 = vector.broadcast %parallel_loop3A_341 : i32 to vector<16x1xi32>
      %parallel_loop3A_343 = vector.shape_cast %parallel_loop3A_342 : vector<16x1xi32> to vector<16xi32>
      %parallel_loop3A_344 = tpu.dynamic_gather %parallel_loop3A_82[%parallel_loop3A_343] in [0] : vector<16xi32>, vector<16xi32> -> vector<16xi32>
      %parallel_loop3A_345 = arith.constant 16 : i32
      %parallel_loop3A_346 = arith.muli %parallel_loop3A_76, %parallel_loop3A_345 : i32
      %parallel_loop3A_347 = arith.constant 13 : i32
      %parallel_loop3A_348 = arith.addi %parallel_loop3A_346, %parallel_loop3A_347 : i32
      %parallel_loop3A_349 = arith.constant 1 : i32
      %parallel_loop3A_350 = arith.index_cast %parallel_loop3A_349 : i32 to index
      %parallel_loop3A_351 = arith.index_cast %parallel_loop3A_348 : i32 to index
      %parallel_loop3A_352 = arith.constant 0 : index
      %parallel_loop3A_353 = tpu.vector_load %arg7[%parallel_loop3A_350, %parallel_loop3A_351, %parallel_loop3A_352] {strides = array<i32>} : memref<2x128x16xf32, #tpu.memory_space<vmem>>, vector<16xf32>,
      %parallel_loop3A_354 = arith.addi %parallel_loop3A_344, %iota3A : vector<16xi32>
      %parallel_loop3A_355 = arith.mulf %parallel_loop3A_353, %parallel_loop3A_340 : vector<16xf32>
      tpu.vector_store_idx %arg5[%parallel_loop3A_354], %parallel_loop3A_355 {add = true} : memref<65536xf32, #tpu.memory_space<vmem>>[vector<16xi32>], vector<16xf32>,
      %parallel_loop3A_356 = arith.constant 14 : i32
      %parallel_loop3A_357 = vector.broadcast %parallel_loop3A_356 : i32 to vector<16x1xi32>
      %parallel_loop3A_358 = vector.shape_cast %parallel_loop3A_357 : vector<16x1xi32> to vector<16xi32>
      %parallel_loop3A_359 = tpu.dynamic_gather %parallel_loop3A_89[%parallel_loop3A_358] in [0] : vector<16xf32>, vector<16xi32> -> vector<16xf32>
      %parallel_loop3A_360 = arith.constant 14 : i32
      %parallel_loop3A_361 = vector.broadcast %parallel_loop3A_360 : i32 to vector<16x1xi32>
      %parallel_loop3A_362 = vector.shape_cast %parallel_loop3A_361 : vector<16x1xi32> to vector<16xi32>
      %parallel_loop3A_363 = tpu.dynamic_gather %parallel_loop3A_82[%parallel_loop3A_362] in [0] : vector<16xi32>, vector<16xi32> -> vector<16xi32>
      %parallel_loop3A_364 = arith.constant 16 : i32
      %parallel_loop3A_365 = arith.muli %parallel_loop3A_76, %parallel_loop3A_364 : i32
      %parallel_loop3A_366 = arith.constant 14 : i32
      %parallel_loop3A_367 = arith.addi %parallel_loop3A_365, %parallel_loop3A_366 : i32
      %parallel_loop3A_368 = arith.constant 1 : i32
      %parallel_loop3A_369 = arith.index_cast %parallel_loop3A_368 : i32 to index
      %parallel_loop3A_370 = arith.index_cast %parallel_loop3A_367 : i32 to index
      %parallel_loop3A_371 = arith.constant 0 : index
      %parallel_loop3A_372 = tpu.vector_load %arg7[%parallel_loop3A_369, %parallel_loop3A_370, %parallel_loop3A_371] {strides = array<i32>} : memref<2x128x16xf32, #tpu.memory_space<vmem>>, vector<16xf32>,
      %parallel_loop3A_373 = arith.addi %parallel_loop3A_363, %iota3A : vector<16xi32>
      %parallel_loop3A_374 = arith.mulf %parallel_loop3A_372, %parallel_loop3A_359 : vector<16xf32>
      tpu.vector_store_idx %arg5[%parallel_loop3A_373], %parallel_loop3A_374 {add = true} : memref<65536xf32, #tpu.memory_space<vmem>>[vector<16xi32>], vector<16xf32>,
      %parallel_loop3A_375 = arith.constant 15 : i32
      %parallel_loop3A_376 = vector.broadcast %parallel_loop3A_375 : i32 to vector<16x1xi32>
      %parallel_loop3A_377 = vector.shape_cast %parallel_loop3A_376 : vector<16x1xi32> to vector<16xi32>
      %parallel_loop3A_378 = tpu.dynamic_gather %parallel_loop3A_89[%parallel_loop3A_377] in [0] : vector<16xf32>, vector<16xi32> -> vector<16xf32>
      %parallel_loop3A_379 = arith.constant 15 : i32
      %parallel_loop3A_380 = vector.broadcast %parallel_loop3A_379 : i32 to vector<16x1xi32>
      %parallel_loop3A_381 = vector.shape_cast %parallel_loop3A_380 : vector<16x1xi32> to vector<16xi32>
      %parallel_loop3A_382 = tpu.dynamic_gather %parallel_loop3A_82[%parallel_loop3A_381] in [0] : vector<16xi32>, vector<16xi32> -> vector<16xi32>
      %parallel_loop3A_383 = arith.constant 16 : i32
      %parallel_loop3A_384 = arith.muli %parallel_loop3A_76, %parallel_loop3A_383 : i32
      %parallel_loop3A_385 = arith.constant 15 : i32
      %parallel_loop3A_386 = arith.addi %parallel_loop3A_384, %parallel_loop3A_385 : i32
      %parallel_loop3A_387 = arith.constant 1 : i32
      %parallel_loop3A_388 = arith.index_cast %parallel_loop3A_387 : i32 to index
      %parallel_loop3A_389 = arith.index_cast %parallel_loop3A_386 : i32 to index
      %parallel_loop3A_390 = arith.constant 0 : index
      %parallel_loop3A_391 = tpu.vector_load %arg7[%parallel_loop3A_388, %parallel_loop3A_389, %parallel_loop3A_390] {strides = array<i32>} : memref<2x128x16xf32, #tpu.memory_space<vmem>>, vector<16xf32>,
      %parallel_loop3A_392 = arith.addi %parallel_loop3A_382, %iota3A : vector<16xi32>
      %parallel_loop3A_393 = arith.mulf %parallel_loop3A_391, %parallel_loop3A_378 : vector<16xf32>
      tpu.vector_store_idx %arg5[%parallel_loop3A_392], %parallel_loop3A_393 {add = true} : memref<65536xf32, #tpu.memory_space<vmem>>[vector<16xi32>], vector<16xf32>,
    } {sc.loop_unroll_factor = 4 : i64, sc.parallel_access}
    "tpu.region"() ({
      %run_scoped3A = tpu.sem_alloc : memref<!tpu.dma_semaphore, #tpu.memory_space<semaphore_mem>>
      %dma_start3A_76 = arith.constant 0 : i32
      %dma_start3A_77 = tpu.memref_slice %arg4[%add3A, %dma_start3A_76] : memref<32x65536xf32, #tpu.memory_space<hbm>> -> memref<1x65536xf32, #tpu.memory_space<hbm>>
      %dma_start3A_78 = tpu.memref_squeeze %dma_start3A_77 : memref<1x65536xf32, #tpu.memory_space<hbm>> -> memref<65536xf32, #tpu.memory_space<hbm>>
      %dma_start3A_79 = arith.constant 0 : i32
      %dma_start3A_80 = tpu.memref_slice %arg4[%add3A, %dma_start3A_79] : memref<32x65536xf32, #tpu.memory_space<hbm>> -> memref<1x65536xf32, #tpu.memory_space<hbm>>
      %dma_start3A_81 = tpu.memref_squeeze %dma_start3A_80 : memref<1x65536xf32, #tpu.memory_space<hbm>> -> memref<65536xf32, #tpu.memory_space<hbm>>
      tpu.enqueue_dma source(%arg5 : memref<65536xf32, #tpu.memory_space<vmem>>) target(%dma_start3A_81 : memref<65536xf32, #tpu.memory_space<hbm>>) target_semaphore(%run_scoped3A : memref<!tpu.dma_semaphore, #tpu.memory_space<semaphore_mem>>)
      %dma_wait3A_82 = arith.constant 0 : i32
      %dma_wait3A_83 = tpu.memref_slice %arg4[%add3A, %dma_wait3A_82] : memref<32x65536xf32, #tpu.memory_space<hbm>> -> memref<1x65536xf32, #tpu.memory_space<hbm>>
      %dma_wait3A_84 = tpu.memref_squeeze %dma_wait3A_83 : memref<1x65536xf32, #tpu.memory_space<hbm>> -> memref<65536xf32, #tpu.memory_space<hbm>>
      %dma_wait3A_85 = arith.constant 0 : i32
      %dma_wait3A_86 = tpu.memref_slice %arg4[%add3A, %dma_wait3A_85] : memref<32x65536xf32, #tpu.memory_space<hbm>> -> memref<1x65536xf32, #tpu.memory_space<hbm>>
      %dma_wait3A_87 = tpu.memref_squeeze %dma_wait3A_86 : memref<1x65536xf32, #tpu.memory_space<hbm>> -> memref<65536xf32, #tpu.memory_space<hbm>>
      tpu.wait_dma2 semaphore(%run_scoped3A : memref<!tpu.dma_semaphore, #tpu.memory_space<semaphore_mem>>) src(%arg5 : memref<65536xf32, #tpu.memory_space<vmem>>) dst(%dma_wait3A_87 : memref<65536xf32, #tpu.memory_space<hbm>>)
      tpu.yield
    }) : () -> ()
    return
  }
}

module attributes {stable_mosaic.version = 14 : i64} {
  func.func @body(%arg0: i32, %arg1: memref<32x8192xf32, #tpu.memory_space<vmem>>, %arg2: memref<8192xf32, #tpu.memory_space<vmem>>, %arg3: memref<8192xf32, #tpu.memory_space<vmem>>, %arg4: memref<8192xf32, #tpu.memory_space<vmem>>) attributes {dimension_semantics = [#tpu.dimension_semantics<arbitrary>], iteration_bounds = array<i64: 8>, scalar_prefetch = 0 : i64, scratch_operands = 0 : i64, tpu.core_type = #tpu.core_type<tc>, window_params = [{transform_indices = @transform_0, window_bounds = array<i64: 32, 8192>}, {transform_indices = @transform_1, window_bounds = array<i64: 8192>}, {transform_indices = @transform_2, window_bounds = array<i64: 8192>}, {transform_indices = @transform_3, window_bounds = array<i64: 8192>}]} {
    %get3A = arith.constant 0 : index
    %get3A_0 = arith.constant 0 : index
    %get3A_1 = vector.load %arg1[%get3A, %get3A_0] : memref<32x8192xf32, #tpu.memory_space<vmem>>, vector<32x8192xf32>
    %reduce_sum3A = arith.constant dense<0.000000e+00> : vector<8192xf32>
    %reduce_sum3A_2 = vector.multi_reduction <add>, %get3A_1, %reduce_sum3A [0] : vector<32x8192xf32> to vector<8192xf32>
    %get3A_3 = arith.constant 0 : index
    %get3A_4 = vector.load %arg2[%get3A_3] : memref<8192xf32, #tpu.memory_space<vmem>>, vector<8192xf32>
    %get3A_5 = arith.constant 0 : index
    %get3A_6 = vector.load %arg3[%get3A_5] : memref<8192xf32, #tpu.memory_space<vmem>>, vector<8192xf32>
    %mul3A = arith.mulf %reduce_sum3A_2, %get3A_6 : vector<8192xf32>
    %add3A = arith.addf %get3A_4, %mul3A : vector<8192xf32>
    %swap3A = arith.constant 0 : index
    %swap3A_7 = vector.load %arg4[%swap3A] : memref<8192xf32, #tpu.memory_space<vmem>>, vector<8192xf32>
    tpu.vector_store %arg4[%swap3A], %add3A {strides = array<i32>} : memref<8192xf32, #tpu.memory_space<vmem>>, vector<8192xf32>,
    return
  }
  func.func @transform_0(%arg0: i32) -> (i32, i32) {
    %c0_i32 = arith.constant 0 : i32
    %c0_i32_0 = arith.constant 0 : i32
    return %c0_i32, %arg0 : i32, i32
  }
  func.func @transform_1(%arg0: i32) -> i32 {
    %c0_i32 = arith.constant 0 : i32
    return %arg0 : i32
  }
  func.func @transform_2(%arg0: i32) -> i32 {
    %c0_i32 = arith.constant 0 : i32
    return %arg0 : i32
  }
  func.func @transform_3(%arg0: i32) -> i32 {
    %c0_i32 = arith.constant 0 : i32
    return %arg0 : i32
  }
}

module attributes {stable_mosaic.version = 14 : i64} {
  func.func @tc_body(%arg0: i32, %arg1: memref<4096x16xf32, #tpu.memory_space<vmem>>, %arg2: memref<256x1xf32, #tpu.memory_space<vmem>>, %arg3: memref<256x1xf32, #tpu.memory_space<vmem>>, %arg4: memref<3x256x4096xf32, #tpu.memory_space<vmem>>, %arg5: memref<3x256x1xf32, #tpu.memory_space<vmem>>, %arg6: memref<256x16xf32, #tpu.memory_space<vmem>>) attributes {dimension_semantics = [#tpu.dimension_semantics<arbitrary>], iteration_bounds = array<i64: 16>, scalar_prefetch = 0 : i64, scratch_operands = 0 : i64, tpu.core_type = #tpu.core_type<tc>, window_params = [{pipeline_mode = #tpu.pipeline_mode<synchronous>, transform_indices = @transform_0, window_bounds = array<i64: 4096, 16>}, {transform_indices = @transform_1, window_bounds = array<i64: 256, 1>}, {transform_indices = @transform_2, window_bounds = array<i64: 256, 1>}, {transform_indices = @transform_3, window_bounds = array<i64: 3, 256, 4096>}, {transform_indices = @transform_4, window_bounds = array<i64: 3, 256, 1>}, {transform_indices = @transform_5, window_bounds = array<i64: 256, 16>}]} {
    %get3A = arith.constant 0 : index
    %get3A_0 = arith.constant 0 : index
    %get3A_1 = vector.load %arg1[%get3A, %get3A_0] : memref<4096x16xf32, #tpu.memory_space<vmem>>, vector<4096x16xf32>
    %broadcast_in_dim3A = arith.constant 0.000000e+00 : f32
    %broadcast_in_dim3A_2 = vector.broadcast %broadcast_in_dim3A : f32 to vector<256x16xf32>
    %get3A_3 = arith.constant 0 : index
    %get3A_4 = arith.constant 0 : index
    %get3A_5 = arith.constant 0 : index
    %get3A_6 = vector.load %arg4[%get3A_3, %get3A_4, %get3A_5] : memref<3x256x4096xf32, #tpu.memory_space<vmem>>, vector<1x256x4096xf32>
    %get3A_7 = vector.shape_cast %get3A_6 : vector<1x256x4096xf32> to vector<256x4096xf32>
    %dot_general3A = arith.constant dense<0.000000e+00> : vector<256x16xf32>
    %dot_general3A_8 = tpu.matmul %get3A_7, %get3A_1, %dot_general3A {dimension_numbers = #tpu.dot_dimension_numbers<[1], [0], [0], [1], [0, 0, 1, 1], [], []>, transpose_lhs_hint = false} : vector<256x4096xf32>, vector<4096x16xf32>, vector<256x16xf32> -> vector<256x16xf32>
    %gt3A = arith.constant 0.000000e+00 : f32
    %gt3A_9 = vector.broadcast %gt3A : f32 to vector<256x16xf32>
    %gt3A_10 = arith.cmpf ogt, %dot_general3A_8, %gt3A_9 : vector<256x16xf32>
    %exp3A = math.exp %dot_general3A_8 : vector<256x16xf32>
    %sub3A = arith.constant 1.000000e+00 : f32
    %sub3A_11 = vector.broadcast %sub3A : f32 to vector<256x16xf32>
    %sub3A_12 = arith.subf %exp3A, %sub3A_11 : vector<256x16xf32>
    %mul3A = arith.constant 1.67326319 : f32
    %mul3A_13 = vector.broadcast %mul3A : f32 to vector<256x16xf32>
    %mul3A_14 = arith.mulf %mul3A_13, %sub3A_12 : vector<256x16xf32>
    %select_n3A = arith.select %gt3A_10, %dot_general3A_8, %mul3A_14 : vector<256x16xi1>, vector<256x16xf32>
    %mul3A_15 = arith.constant 1.05070102 : f32
    %mul3A_16 = vector.broadcast %mul3A_15 : f32 to vector<256x16xf32>
    %mul3A_17 = arith.mulf %mul3A_16, %select_n3A : vector<256x16xf32>
    %get3A_18 = arith.constant 0 : index
    %get3A_19 = arith.constant 0 : index
    %get3A_20 = arith.constant 0 : index
    %get3A_21 = vector.load %arg5[%get3A_18, %get3A_19, %get3A_20] : memref<3x256x1xf32, #tpu.memory_space<vmem>>, vector<1x256x1xf32>
    %get3A_22 = vector.shape_cast %get3A_21 : vector<1x256x1xf32> to vector<256x1xf32>
    %mul3A_23 = vector.broadcast %get3A_22 : vector<256x1xf32> to vector<256x16xf32>
    %mul3A_24 = arith.mulf %mul3A_17, %mul3A_23 : vector<256x16xf32>
    %add3A = arith.addf %broadcast_in_dim3A_2, %mul3A_24 : vector<256x16xf32>
    %get3A_25 = arith.constant 1 : index
    %get3A_26 = arith.constant 0 : index
    %get3A_27 = arith.constant 0 : index
    %get3A_28 = vector.load %arg4[%get3A_25, %get3A_26, %get3A_27] : memref<3x256x4096xf32, #tpu.memory_space<vmem>>, vector<1x256x4096xf32>
    %get3A_29 = vector.shape_cast %get3A_28 : vector<1x256x4096xf32> to vector<256x4096xf32>
    %dot_general3A_30 = arith.constant dense<0.000000e+00> : vector<256x16xf32>
    %dot_general3A_31 = tpu.matmul %get3A_29, %get3A_1, %dot_general3A_30 {dimension_numbers = #tpu.dot_dimension_numbers<[1], [0], [0], [1], [0, 0, 1, 1], [], []>, transpose_lhs_hint = false} : vector<256x4096xf32>, vector<4096x16xf32>, vector<256x16xf32> -> vector<256x16xf32>
    %gt3A_32 = arith.constant 0.000000e+00 : f32
    %gt3A_33 = vector.broadcast %gt3A_32 : f32 to vector<256x16xf32>
    %gt3A_34 = arith.cmpf ogt, %dot_general3A_31, %gt3A_33 : vector<256x16xf32>
    %exp3A_35 = math.exp %dot_general3A_31 : vector<256x16xf32>
    %sub3A_36 = arith.constant 1.000000e+00 : f32
    %sub3A_37 = vector.broadcast %sub3A_36 : f32 to vector<256x16xf32>
    %sub3A_38 = arith.subf %exp3A_35, %sub3A_37 : vector<256x16xf32>
    %mul3A_39 = arith.constant 1.67326319 : f32
    %mul3A_40 = vector.broadcast %mul3A_39 : f32 to vector<256x16xf32>
    %mul3A_41 = arith.mulf %mul3A_40, %sub3A_38 : vector<256x16xf32>
    %select_n3A_42 = arith.select %gt3A_34, %dot_general3A_31, %mul3A_41 : vector<256x16xi1>, vector<256x16xf32>
    %mul3A_43 = arith.constant 1.05070102 : f32
    %mul3A_44 = vector.broadcast %mul3A_43 : f32 to vector<256x16xf32>
    %mul3A_45 = arith.mulf %mul3A_44, %select_n3A_42 : vector<256x16xf32>
    %get3A_46 = arith.constant 1 : index
    %get3A_47 = arith.constant 0 : index
    %get3A_48 = arith.constant 0 : index
    %get3A_49 = vector.load %arg5[%get3A_46, %get3A_47, %get3A_48] : memref<3x256x1xf32, #tpu.memory_space<vmem>>, vector<1x256x1xf32>
    %get3A_50 = vector.shape_cast %get3A_49 : vector<1x256x1xf32> to vector<256x1xf32>
    %mul3A_51 = vector.broadcast %get3A_50 : vector<256x1xf32> to vector<256x16xf32>
    %mul3A_52 = arith.mulf %mul3A_45, %mul3A_51 : vector<256x16xf32>
    %add3A_53 = arith.addf %add3A, %mul3A_52 : vector<256x16xf32>
    %get3A_54 = arith.constant 2 : index
    %get3A_55 = arith.constant 0 : index
    %get3A_56 = arith.constant 0 : index
    %get3A_57 = vector.load %arg4[%get3A_54, %get3A_55, %get3A_56] : memref<3x256x4096xf32, #tpu.memory_space<vmem>>, vector<1x256x4096xf32>
    %get3A_58 = vector.shape_cast %get3A_57 : vector<1x256x4096xf32> to vector<256x4096xf32>
    %dot_general3A_59 = arith.constant dense<0.000000e+00> : vector<256x16xf32>
    %dot_general3A_60 = tpu.matmul %get3A_58, %get3A_1, %dot_general3A_59 {dimension_numbers = #tpu.dot_dimension_numbers<[1], [0], [0], [1], [0, 0, 1, 1], [], []>, transpose_lhs_hint = false} : vector<256x4096xf32>, vector<4096x16xf32>, vector<256x16xf32> -> vector<256x16xf32>
    %gt3A_61 = arith.constant 0.000000e+00 : f32
    %gt3A_62 = vector.broadcast %gt3A_61 : f32 to vector<256x16xf32>
    %gt3A_63 = arith.cmpf ogt, %dot_general3A_60, %gt3A_62 : vector<256x16xf32>
    %exp3A_64 = math.exp %dot_general3A_60 : vector<256x16xf32>
    %sub3A_65 = arith.constant 1.000000e+00 : f32
    %sub3A_66 = vector.broadcast %sub3A_65 : f32 to vector<256x16xf32>
    %sub3A_67 = arith.subf %exp3A_64, %sub3A_66 : vector<256x16xf32>
    %mul3A_68 = arith.constant 1.67326319 : f32
    %mul3A_69 = vector.broadcast %mul3A_68 : f32 to vector<256x16xf32>
    %mul3A_70 = arith.mulf %mul3A_69, %sub3A_67 : vector<256x16xf32>
    %select_n3A_71 = arith.select %gt3A_63, %dot_general3A_60, %mul3A_70 : vector<256x16xi1>, vector<256x16xf32>
    %mul3A_72 = arith.constant 1.05070102 : f32
    %mul3A_73 = vector.broadcast %mul3A_72 : f32 to vector<256x16xf32>
    %mul3A_74 = arith.mulf %mul3A_73, %select_n3A_71 : vector<256x16xf32>
    %get3A_75 = arith.constant 2 : index
    %get3A_76 = arith.constant 0 : index
    %get3A_77 = arith.constant 0 : index
    %get3A_78 = vector.load %arg5[%get3A_75, %get3A_76, %get3A_77] : memref<3x256x1xf32, #tpu.memory_space<vmem>>, vector<1x256x1xf32>
    %get3A_79 = vector.shape_cast %get3A_78 : vector<1x256x1xf32> to vector<256x1xf32>
    %mul3A_80 = vector.broadcast %get3A_79 : vector<256x1xf32> to vector<256x16xf32>
    %mul3A_81 = arith.mulf %mul3A_74, %mul3A_80 : vector<256x16xf32>
    %add3A_82 = arith.addf %add3A_53, %mul3A_81 : vector<256x16xf32>
    %get3A_83 = arith.constant 0 : index
    %get3A_84 = arith.constant 0 : index
    %get3A_85 = vector.load %arg2[%get3A_83, %get3A_84] : memref<256x1xf32, #tpu.memory_space<vmem>>, vector<256x1xf32>
    %get3A_86 = arith.constant 0 : index
    %get3A_87 = arith.constant 0 : index
    %get3A_88 = vector.load %arg3[%get3A_86, %get3A_87] : memref<256x1xf32, #tpu.memory_space<vmem>>, vector<256x1xf32>
    %mul3A_89 = vector.broadcast %get3A_88 : vector<256x1xf32> to vector<256x16xf32>
    %mul3A_90 = arith.mulf %add3A_82, %mul3A_89 : vector<256x16xf32>
    %add3A_91 = vector.broadcast %get3A_85 : vector<256x1xf32> to vector<256x16xf32>
    %add3A_92 = arith.addf %add3A_91, %mul3A_90 : vector<256x16xf32>
    %swap3A = arith.constant 0 : index
    %swap3A_93 = arith.constant 0 : index
    %swap3A_94 = vector.load %arg6[%swap3A, %swap3A_93] : memref<256x16xf32, #tpu.memory_space<vmem>>, vector<256x16xf32>
    tpu.vector_store %arg6[%swap3A, %swap3A_93], %add3A_92 {strides = array<i32>} : memref<256x16xf32, #tpu.memory_space<vmem>>, vector<256x16xf32>,
    return
  }
  func.func @transform_0(%arg0: i32) -> (i32, i32) {
    %c0_i32 = arith.constant 0 : i32
    %c0_i32_0 = arith.constant 0 : i32
    %c0_i32_1 = arith.constant 0 : i32
    return %c0_i32, %c0_i32_0 : i32, i32
  }
  func.func @transform_1(%arg0: i32) -> (i32, i32) {
    %c0_i32 = arith.constant 0 : i32
    %c0_i32_0 = arith.constant 0 : i32
    return %arg0, %c0_i32 : i32, i32
  }
  func.func @transform_2(%arg0: i32) -> (i32, i32) {
    %c0_i32 = arith.constant 0 : i32
    %c0_i32_0 = arith.constant 0 : i32
    return %arg0, %c0_i32 : i32, i32
  }
  func.func @transform_3(%arg0: i32) -> (i32, i32, i32) {
    %c0_i32 = arith.constant 0 : i32
    %c0_i32_0 = arith.constant 0 : i32
    %c0_i32_1 = arith.constant 0 : i32
    return %c0_i32, %arg0, %c0_i32_0 : i32, i32, i32
  }
  func.func @transform_4(%arg0: i32) -> (i32, i32, i32) {
    %c0_i32 = arith.constant 0 : i32
    %c0_i32_0 = arith.constant 0 : i32
    %c0_i32_1 = arith.constant 0 : i32
    return %c0_i32, %arg0, %c0_i32_0 : i32, i32, i32
  }
  func.func @transform_5(%arg0: i32) -> (i32, i32) {
    %c0_i32 = arith.constant 0 : i32
    %c0_i32_0 = arith.constant 0 : i32
    return %arg0, %c0_i32 : i32, i32
  }
}

</mosaic_0001>

<sc_bundles>
// kernel: kernel.5.cloned.1.call-start
scs
__scs_entry_jumppad:
0x0: {  	(pc) =	sbr.rel $0x88, $3  }
0x1: {  	(tag) =	ssettag $0x0;
	lr =	simm.s32 $0x1  }
0x2: {  	[smem:$0x3F99] =	sst lr;
	_ =	strace $0xD0000000  }
0x3: {  	_ = 	snop  }
0x4: {  	_ = 	snop  }
0x5: {  	_ = 	snop  }
0x6: {  	_ = 	snop  }
0x7: {  	_ = 	snop  }
__scs_overlays_trampoline_lowered:
0x8: {  	[smem:$0x3FA8] =	sst s0  }
0x9: {  	[smem:$0x3FA9] =	sst s1  }
0xa: {  	[smem:$0x3FAA] =	sst s2  }
0xb: {  	[smem:$0x3FAB] =	sst s3  }
0xc: {  	[smem:$0x3FAC] =	sst s4  }
0xd: {  	[smem:$0x3FAD] =	sst s5  }
0xe: {  	[smem:$0x3FAE] =	sst s6  }
0xf: {  	[smem:$0x3FAF] =	sst s7  }
0x10: {  	[smem:$0x3FB0] =	sst s8  }
0x11: {  	[smem:$0x3FB1] =	sst s9;
	s0 =	simm.s32 @!p0 $0x0  }
0x12: {  	s1 =	sld [smem:$0x3F97];
	s0 =	simm.s32 @p0 $0x1  }
0x13: {  	[smem:$0x3FB2] =	sst s0;
	s0 =	simm.s32 @!p1 $0x0  }
0x14: {  	s2 =	sld [smem:$0x3F96];
	s0 =	simm.s32 @p1 $0x1  }
0x15: {  	[smem:$0x3FB3] =	sst s0;
	s0 =	simm.s32 @!p2 $0x0  }
0x16: {  	s3 =	sld [smem:$0x3FDB];
	s0 =	simm.s32 @p2 $0x1  }
0x17: {  	s4 =	simm.s32 $0x1BF5;
	[smem:$0x3FB5] =	sst s0  }
0x18: {  	s0 =	sld [smem:$0x3F98];
	_ =	swait.ge [sflag:s4], $0x0  }
0x19: {  	s7 =	sld [smem:$0x3F99]  }
0x1a: {  	s8 =	sadd.s32 $0xFFFFE003, lr  }
0x1b: {  	s9 =	sadd.s32 $0xFFFFFEF7, lr;
	s5 =	simm.s32 $0xFFFFFFFF;
	p2 =	slt.u32 s8, $0xFFFFF086  }
0x1c: {  	p1 =	slt.u32 s9, $0xF7A;
	s5 =	simm.s32 @!p2 $0x0  }
0x1d: {  	s5 =	simm.s32 @p1 $0x1;
	p0 =	seq.s32 s7, s2  }
0x1e: {  	s7 =	smul.u32 @!p0 $0xF7A, s2;
	p2 =	seq.s32 @!p0 s5, $0x0  }
0x1f: {  	s9 =	smul.u32 $0xF7A, s1;
	s8 =	simm.s32 @!p0 $0x1BF5;
	p2 =	por !p2, p0  }
0x20: {  	[sflag:s8] =	ssyncset.s32 @!p0 $0xFFFFF086;
	s6 =	sadd.s32 @!p0 s3, s7;
	s7 =	simm.s32 @!p0 $0x108  }
0x21: {  	s3 =	sadd.s32 s3, s9;
	s6 =	sadd.s32 @!p0 $0x88, s6;
	s7 =	simm.s32 @p2 $0x1082  }
0x22: {  	[simem:s7], [sflag:s8] =	dma.local @!p0 [hbm:s6], $0xF7A  }
0x23: {  	s9 =	sor.u32 $0xD0000000, s2;
	s6 =	simm.s32 $0x108;
	_ =	swait.ge @!p0 [sflag:s8], $0x0  }
0x24: {  	s3 =	sadd.s32 $0x88, s3;
	s6 =	simm.s32 @!p1 $0x1082;
	[sflag:s4] =	ssyncset.s32 $0xFFFFF086  }
0x25: {  	[simem:s6], [sflag:s4] =	dma.local [hbm:s3], $0xF7A  }
0x26: {  	[smem:$0x3F99] =	sst s1;
	(tag) =	ssettag s2;
	_ =	strace s9  }
0x27: {  	s1 =	sld [smem:$0x3FA9]  }
0x28: {  	s2 =	sld [smem:$0x3FAA]  }
0x29: {  	s4 =	sld [smem:$0x3FAC]  }
0x2a: {  	p0 =	seq.s32 s5, $0x0;
	s5 =	sld [smem:$0x3FAD]  }
0x2b: {  	s6 =	sld [smem:$0x3FAE]  }
0x2c: {  	s7 =	sld [smem:$0x3FAF]  }
0x2d: {  	s3 =	simm.s32 $0x108;
	s8 =	sld [smem:$0x3FB0]  }
0x2e: {  	s3 =	simm.s32 @!p0 $0x1082;
	s9 =	sld [smem:$0x3FB1]  }
0x2f: {  	lr =	sadd.s32 s0, s3;
	s0 =	sld [smem:$0x3FA8]  }
0x30: {  	s3 =	sld [smem:$0x3FAB]  }
0x31: {  	[smem:$0x3FB4] =	sst s10  }
0x32: {  	s10 =	sld [smem:$0x3FB2];
	_ =	sdelay $0x3  }
0x33: {  	p0 =	seq.s32 s10, $0x1;
	s10 =	sld [smem:$0x3FB4];
	_ =	sdelay $0x3  }
0x34: {  	[smem:$0x3FB4] =	sst s10  }
0x35: {  	s10 =	sld [smem:$0x3FB3];
	_ =	sdelay $0x3  }
0x36: {  	p1 =	seq.s32 s10, $0x1;
	s10 =	sld [smem:$0x3FB4];
	_ =	sdelay $0x3  }
0x37: {  	[smem:$0x3FB4] =	sst s10  }
0x38: {  	s10 =	sld [smem:$0x3FB5]  }
0x39: {  	_ = 	snop;
	(pc) =	sbr.ind lr, $3  }
0x3a: {  	_ = 	snop  }
0x3b: {  	_ = 	snop  }
0x3c: {  	p2 =	seq.s32 s10, $0x1;
	s10 =	sld [smem:$0x3FB4]  }
0x3d: {  	_ =	shalt  }
0x3e: {  	_ =	shalt  }
0x3f: {  	_ =	shalt  }
0x40: {  	_ =	shalt  }
0x41: {  	_ =	shalt  }
0x42: {  	_ =	shalt  }
0x43: {  	_ =	shalt  }
0x44: {  	_ =	shalt  }
0x45: {  	_ =	shalt  }
0x46: {  	_ =	shalt  }
0x47: {  	_ =	shalt  }
0x48: {  	_ =	shalt  }
0x49: {  	_ =	shalt  }
0x4a: {  	_ =	shalt  }
0x4b: {  	_ =	shalt  }
0x4c: {  	_ =	shalt  }
0x4d: {  	_ =	shalt  }
0x4e: {  	_ =	shalt  }
0x4f: {  	_ =	shalt  }
0x50: {  	_ =	shalt  }
0x51: {  	_ =	shalt  }
0x52: {  	_ =	shalt  }
0x53: {  	_ =	shalt  }
0x54: {  	_ =	shalt  }
0x55: {  	_ =	shalt  }
0x56: {  	_ =	shalt  }
0x57: {  	_ =	shalt  }
0x58: {  	_ =	shalt  }
0x59: {  	_ =	shalt  }
0x5a: {  	_ =	shalt  }
0x5b: {  	_ =	shalt  }
0x5c: {  	_ =	shalt  }
0x5d: {  	_ =	shalt  }
0x5e: {  	_ =	shalt  }
0x5f: {  	_ =	shalt  }
0x60: {  	_ =	shalt  }
0x61: {  	_ =	shalt  }
0x62: {  	_ =	shalt  }
0x63: {  	_ =	shalt  }
0x64: {  	_ =	shalt  }
0x65: {  	_ =	shalt  }
0x66: {  	_ =	shalt  }
0x67: {  	_ =	shalt  }
0x68: {  	_ =	shalt  }
0x69: {  	_ =	shalt  }
0x6a: {  	_ =	shalt  }
0x6b: {  	_ =	shalt  }
0x6c: {  	_ =	shalt  }
0x6d: {  	_ =	shalt  }
0x6e: {  	_ =	shalt  }
0x6f: {  	_ =	shalt  }
0x70: {  	_ =	shalt  }
0x71: {  	_ =	shalt  }
0x72: {  	_ =	shalt  }
0x73: {  	_ =	shalt  }
0x74: {  	_ =	shalt  }
0x75: {  	_ =	shalt  }
0x76: {  	_ =	shalt  }
0x77: {  	_ =	shalt  }
0x78: {  	_ =	shalt  }
0x79: {  	_ =	shalt  }
0x7a: {  	_ =	shalt  }
0x7b: {  	_ =	shalt  }
0x7c: {  	_ =	shalt  }
0x7d: {  	_ =	shalt  }
0x7e: {  	_ =	shalt  }
0x7f: {  	_ =	shalt  }
0x80: {  	_ =	shalt  }
0x81: {  	_ =	shalt  }
0x82: {  	_ =	shalt  }
0x83: {  	_ =	shalt  }
0x84: {  	_ =	shalt  }
0x85: {  	_ =	shalt  }
0x86: {  	_ =	shalt  }
0x87: {  	_ =	shalt  }
.Lfunc_end0:
.L_simem_size_0:
called_computation_lowered:
.L_overlay_start_0:
0x88: {  	s2 =	sld [smem:$0x3FD9]  }
0x89: {  	s3 =	sld [smem:$0x3FFE];
	_ =	sdelay $0x1  }
0x8a: {  	s1 =	srdreg.scid  }
0x8b: {  	s0 =	sand.u32 $0x1, s1  }
0x8c: {  	s17 =	sshll.u32 s0, $0xA;
	s2 =	sadd.s32 s3, s2  }
0x8d: {  	s2 =	sadd.s32 s2, s17  }
0x8e: {  	[smem:$0x3FC0] =	sst s2  }
0x8f: {  	_ = 	snop  }
0x90: {  	s2 =	sld [smem:$0x3FD0];
	(tm) =	ssettm $0x1  }
0x91: {  	s18 =	sld [smem:$0x3FFB];
	_ =	sdelay $0x3  }
0x92: {  	_ =	strace s18  }
0x93: {  	s3 =	sld [smem:$0x3FFC];
	_ =	sdelay $0x3  }
0x94: {  	_ =	strace s3  }
0x95: {  	s3 =	sld [smem:$0x3FFD];
	_ =	sdelay $0x3  }
0x96: {  	_ =	strace s3  }
0x97: {  	_ =	strace $0x8FFFFFFF  }
0x98: {  	s19 =	sld [smem:$0x3FDB];
	_ =	sdelay $0x1  }
0x99: {  	s4 =	simm.s32 $_scs_section_size  }
0x9a: {  	s5 =	simm.s32 $_size__tile_overlayer_lowered;
	s6 =	simm.s32 $_tile_overlayer_lowered  }
0x9b: {  	s22 =	simm.s32 $0x1BFF;
	s21 =	sshll.u32 s6, $0x1;
	s3 =	sadd.s32 s4, s19  }
0x9c: {  	s7 =	simm.s32 $0x0;
	s20 =	sshll.u32 s5, $0x1;
	s5 =	sadd.s32 s21, s3  }
0x9d: {  	[timem:s7], [sflag:s22] =	dma.local [hbm:s5], s20  }
0x9e: {  	_ =	swait.ge [sflag:s22], s20  }
0x9f: {  	s4 =	ssub.s32 $0x0, s20;
	[sflag:s22] =	ssyncset.done $0x0  }
0xa0: {  	[sflag:s22] =	ssyncadd.s32 s4;
	_ =	sdelay $0x1  }
0xa1: {  	s23 =	simm.s32 $0x1B8B  }
0xa2: {  	_ =	swait.ge [sflag:s23], $0x1  }
0xa3: {  	[sflag:s23] =	ssyncset.done $0x0  }
0xa4: {  	s25 =	simm.s32 $0x1B8E;
	s24 =	sld [smem:$0x3FFE];
	[sflag:s23] =	ssyncadd.s32 $0xFFFFFFFF  }
0xa5: {  	s26 =	simm.s32 $execute0_lowered;
	[smem:$0x3FD2] =	sst s25  }
0xa6: {  	s5 =	sshll.u32 s26, $0x1;
	_ =	strace $0x80000046;
	[dreg:$0x1] =	wrdreg $0xFFFFFFFF  }
0xa7: {  	s28 =	simm.s32 $_size_execute0_lowered;
	s3 =	sadd.s32 s3, s5;
	[dreg:$0x0] =	wrdreg $0x0  }
0xa8: {  	s5 =	sshll.u32 s28, $0x1;
	[dreg:$0x2] =	wrdreg s3  }
0xa9: {  	[dreg:$0x3] =	wrdreg s5  }
0xaa: {  	[dreg:$0x4] =	wrdreg $0xC0  }
0xab: {  	_ =	task [dreg:s7], $0x5FFFF  }
0xac: {  	[dreg:$0x1] =	wrdreg $0xFFFFFFFF  }
0xad: {  	[dreg:$0x0] =	wrdreg $0x60  }
0xae: {  	[dreg:$0x2] =	wrdreg s2  }
0xaf: {  	[dreg:$0x3] =	wrdreg s24  }
0xb0: {  	[dreg:$0x4] =	wrdreg $0x9  }
0xb1: {  	_ =	task.clear_ibuf [dreg:s7], $0x5FFFF;
	_ =	strace $0x90000046  }
0xb2: {  	s29 =	simm.s32 $0x9;
	_ =	strace $0x80000048  }
0xb3: {  	_ =	swait.ge [sflag:s29], $0x1  }
0xb4: {  	[sflag:s29] =	ssyncadd.s32 $0xFFFFFFFF  }
0xb5: {  	_ =	strace $0x90000048  }
0xb6: {  	_ =	sfence  }
0xb7: {  	s30 =	sld [smem:$0x0];
	_ =	sdelay $0x2  }
0xb8: {  	s31 =	sshll.u32 s1, $0xD;
	s1 =	sshrl.u32 s1, $0x2  }
0xb9: {  	s3 =	sand.u32 $0x4000, s31;
	s1 =	sadd.s32 s1, s30  }
0xba: {  	s0 =	sor.u32 s3, s0;
	s1 =	sshll.u32 s1, $0x11  }
0xbb: {  	s0 =	sor.u32 s1, s0  }
0xbc: {  	s0 =	sadd.s32 $0x8F2B, s0  }
0xbd: {  	[sflag:s0] =	ssyncadd.remote.s32 $0x1  }
0xbe: {  	_ =	sfence.sel $0xFFFF  }
0xbf: {  	[dreg:$0x0] =	wrdreg $0xFFFFFFFF;
	(pc) =	sbr.abs _section_cstart, $3  }
0xc0: {  	[dreg:$0x1] =	wrdreg $0xFFFFFFFF  }
0xc1: {  	_ =	task.clear_ibuf [dreg:s7], $0x2FFFF;
	_ =	strace $0x9FFFFFFF  }
0xc2: {  	(tm) =	ssettm $0x7FFFFFFF  }
0xc3: {  	_ =	shalt  }
tec
execute0_lowered:
.L_overlay_start_1:
0x0: {  	(tag) =	ssettag $0x1  }
0x1: {  	s2 =	rddreg [dreg:$0x0];
	s1 =	srdreg.scid  }
0x2: {  	s0 =	stileid.u32;
	s4 =	rddreg [dreg:$0x1]  }
0x3: {  	s3 =	simm.s32 $0x0;
	s9 =	simm.s32 $0x80;
	s10 =	simm.s32 $0x13F00  }
0x4: {  	s11 =	simm.s32 $0x14700;
	s12 =	simm.s32 $0x2;
	s13 =	simm.s32 $0x3  }
0x5: {  	s14 =	simm.s32 $0x13D80;
	s15 =	simm.s32 $0x4;
	s16 =	simm.s32 $0x0  }
0x6: {  	v0 =	vimm.f32 $0.0e+00;
	v1 =	vimm.s32 $0x0;
	v2 =	vlaneseq.u32;
	s5 =	sand.u32 $0x1, s1;
	s6 =	sshll.u32 s0, $0x1;
	s1 =	rddreg [dreg:$0x2]  }
0x7: {  	v3 =	vimm.s32 $0x1;
	v4 =	vimm.s32 $0x2;
	v5 =	vimm.s32 $0x3;
	[smem:$0x7FF] =	sst s3;
	s6 =	sor.u32 s5, s6;
	s5 =	ssub.s32 $0x2, s5  }
0x8: {  	v6 =	vimm.s32 $0x4;
	v7 =	vimm.s32 $0x5;
	v8 =	vimm.s32 $0x6;
	s7 =	smul.u32 $0x7E0, s6;
	s6 =	sshll.u32 s6, $0xD;
	s8 =	sshrl.u32 s5, $0x1  }
0x9: {  	v9 =	vimm.s32 $0x7;
	v10 =	vimm.s32 $0x8;
	v11 =	vimm.s32 $0x9;
	_ =	strace $0x80000047;
	s6 =	sadd.s32 s6, s4;
	s8 =	ssub.s32 s5, s8  }
0xa: {  	v12 =	vimm.s32 $0xA;
	v13 =	vimm.s32 $0xB;
	v14 =	vimm.s32 $0xC;
	s7 =	sadd.s32 s7, s4;
	s5 =	sadd.s32 $0x10A00, s6;
	s6 =	smax.u32 s8, $0x1  }
0xb: {  	v15 =	vimm.s32 $0xD;
	v16 =	vimm.s32 $0xE;
	v17 =	vimm.s32 $0xF;
	s8 =	simm.s32 $0x1;
	s4 =	sadd.s32 $0xE00, s7;
	s7 =	simm.s32 $0x10000  }
.LBB2_1:
0xc: {  	[tilespmem:s7], [sflag:$0x1] =	stream.linear.gather [hbm4b:s4+s3], $0x3F00, $0x38;
	[tilespmem:$0x14F00] =	vst v63  }
0xd: {  	s17 =	simm.s32 $0x100  }
0xe: {  	[tilespmem:s17+$0xFFFFFF00] =	vst v0  }
0xf: {  	[tilespmem:s17+$0xF0] =	vst v0  }
0x10: {  	[tilespmem:s17+$0xE0] =	vst v0  }
0x11: {  	[tilespmem:s17+$0xD0] =	vst v0  }
0x12: {  	[tilespmem:s17+$0xC0] =	vst v0  }
0x13: {  	[tilespmem:s17+$0xB0] =	vst v0  }
0x14: {  	[tilespmem:s17+$0xA0] =	vst v0  }
0x15: {  	[tilespmem:s17+$0x90] =	vst v0  }
0x16: {  	[tilespmem:s17+$0x80] =	vst v0  }
0x17: {  	[tilespmem:s17+$0x70] =	vst v0  }
0x18: {  	[tilespmem:s17+$0x60] =	vst v0  }
0x19: {  	[tilespmem:s17+$0x50] =	vst v0  }
0x1a: {  	[tilespmem:s17+$0x40] =	vst v0  }
0x1b: {  	[tilespmem:s17+$0x30] =	vst v0  }
0x1c: {  	[tilespmem:s17+$0x20] =	vst v0  }
0x1d: {  	[tilespmem:s17+$0x10] =	vst v0  }
0x1e: {  	[tilespmem:s17+$0x0] =	vst v0  }
0x1f: {  	[tilespmem:s17+$0xFFFFFFF0] =	vst v0  }
0x20: {  	[tilespmem:s17+$0xFFFFFFE0] =	vst v0  }
0x21: {  	[tilespmem:s17+$0xFFFFFFD0] =	vst v0  }
0x22: {  	[tilespmem:s17+$0xFFFFFFC0] =	vst v0  }
0x23: {  	[tilespmem:s17+$0xFFFFFFB0] =	vst v0  }
0x24: {  	[tilespmem:s17+$0xFFFFFFA0] =	vst v0  }
0x25: {  	[tilespmem:s17+$0xFFFFFF90] =	vst v0  }
0x26: {  	[tilespmem:s17+$0xFFFFFF80] =	vst v0  }
0x27: {  	[tilespmem:s17+$0xFFFFFF70] =	vst v0  }
0x28: {  	[tilespmem:s17+$0xFFFFFF60] =	vst v0  }
0x29: {  	[tilespmem:s17+$0xFFFFFF50] =	vst v0  }
0x2a: {  	[tilespmem:s17+$0xFFFFFF40] =	vst v0  }
0x2b: {  	[tilespmem:s17+$0xFFFFFF30] =	vst v0  }
0x2c: {  	s18 =	simm.s32 $0x0;
	[tilespmem:s17+$0xFFFFFF20] =	vst v0  }
.LBB2_2:
0x2d: {  	s18 =	sadd.s32 $0x2, s18;
	[tilespmem:s17+$0xFFFFFF10] =	vst v0;
	s17 =	sadd.s32 $0x200, s17  }
0x2e: {  	[tilespmem:s17+$0xFFFFFF00] =	vst v0;
	p0 =	slt.u32 s18, $0xFE  }
0x2f: {  	[tilespmem:s17+$0xF0] =	vst v0  }
0x30: {  	[tilespmem:s17+$0xE0] =	vst v0  }
0x31: {  	[tilespmem:s17+$0xD0] =	vst v0  }
0x32: {  	[tilespmem:s17+$0xC0] =	vst v0  }
0x33: {  	[tilespmem:s17+$0xB0] =	vst v0  }
0x34: {  	[tilespmem:s17+$0xA0] =	vst v0  }
0x35: {  	[tilespmem:s17+$0x90] =	vst v0  }
0x36: {  	[tilespmem:s17+$0x80] =	vst v0  }
0x37: {  	[tilespmem:s17+$0x70] =	vst v0  }
0x38: {  	[tilespmem:s17+$0x60] =	vst v0  }
0x39: {  	[tilespmem:s17+$0x50] =	vst v0  }
0x3a: {  	[tilespmem:s17+$0x40] =	vst v0  }
0x3b: {  	[tilespmem:s17+$0x30] =	vst v0  }
0x3c: {  	[tilespmem:s17+$0x20] =	vst v0  }
0x3d: {  	[tilespmem:s17+$0x10] =	vst v0  }
0x3e: {  	[tilespmem:s17+$0x0] =	vst v0  }
0x3f: {  	[tilespmem:s17+$0xFFFFFFF0] =	vst v0  }
0x40: {  	[tilespmem:s17+$0xFFFFFFE0] =	vst v0  }
0x41: {  	[tilespmem:s17+$0xFFFFFFD0] =	vst v0  }
0x42: {  	[tilespmem:s17+$0xFFFFFFC0] =	vst v0  }
0x43: {  	[tilespmem:s17+$0xFFFFFFB0] =	vst v0  }
0x44: {  	[tilespmem:s17+$0xFFFFFFA0] =	vst v0  }
0x45: {  	[tilespmem:s17+$0xFFFFFF90] =	vst v0  }
0x46: {  	[tilespmem:s17+$0xFFFFFF80] =	vst v0  }
0x47: {  	[tilespmem:s17+$0xFFFFFF70] =	vst v0  }
.Ltmp0:
0x48: {  	[tilespmem:s17+$0xFFFFFF60] =	vst v0;
	(pc) =	sbr.rel @p0 .LBB2_2-.Ltmp0, $4  }
0x49: {  	[tilespmem:s17+$0xFFFFFF50] =	vst v0  }
0x4a: {  	[tilespmem:s17+$0xFFFFFF40] =	vst v0  }
0x4b: {  	[tilespmem:s17+$0xFFFFFF30] =	vst v0  }
0x4c: {  	[tilespmem:s17+$0xFFFFFF20] =	vst v0  }
0x4d: {  	[tilespmem:s17+$0xFFFFFF10] =	vst v0  }
0x4e: {  	_ =	swait.ge [sflag:s8], $0x3F00  }
0x4f: {  	[sflag:s8] =	ssyncset.done $0x0  }
0x50: {  	s17 =	simm.s32 $0x0;
	[sflag:s8] =	ssyncadd.s32 $0xFFFFC100  }
0x51: {  	[tilespmem:s10], [sflag:$0x2] =	stream.indirect.gather [hbm4b:s2+s9], $0x10, s7, s9, $0xb8;
	[tilespmem:$0x14F00] =	vst v63  }
.LBB2_4:
0x52: {  	s18 =	smul.u32 $0xC00, s17;
	_ =	sdelay $0x1  }
0x53: {  	s18 =	sshra.s32 s18, $0x2  }
0x54: {  	s19 =	sadd.s32 $0x10180, s18;
	s31 =	sadd.s32 $0x10080, s18  }
0x55: {  	[tilespmem:s11], [sflag:$0x3] =	stream.indirect.gather [hbm4b:s2+s9], $0x10, s19, s9, $0xb8;
	v18 =	vmov s31;
	[tilespmem:$0x14F00] =	vst v63  }
0x56: {  	_ =	swait.ge [sflag:s12], $0x800  }
0x57: {  	s20 =	sadd.s32 $0x10100, s18;
	[sflag:s12] =	ssyncset.done $0x0  }
0x58: {  	p0 =	por $0x1, $0x1;
	v19 =	vmov s20;
	s19 =	simm.s32 $0x0;
	[sflag:s12] =	ssyncadd.s32 $0xFFFFF800  }
.LBB2_5:
0x59: {  	s20 =	sshll.u32 s19, $0x4  }
0x5a: {  	v21 =	vld.idx.msk [tilespmem:v18+s20+$0x0 ss:$0x1], $0xffff;
	_ =	sdelay $0x2  }
0x5b: {  	s29 =	sshll.u32 s19, $0x8;
	v20 =	vld.idx.msk [tilespmem:v19+s20+$0x0 ss:$0x1], $0xffff  }
0x5c: {  	s19 =	sand.u32 $0x3FFFFF00, s29  }
0x5d: {  	v23 =	vld [tilespmem:s19+$0x13F00];
	v22 =	vperm.xlane v21, v1;
	_ =	sdelay $0x1  }
0x5e: {  	v22 =	vadd.s32 v2, v22  }
0x5f: {  	v24 =	vperm.xlane v20, v1;
	_ =	sdelay $0x1  }
0x60: {  	v23 =	vmul.f32 v23, v24;
	_ =	sdelay $0x1  }
0x61: {  	[tilespmem:v22+s3+$0x0] =	vst.idx.add.f32.msk $0xffff, v23  }
0x62: {  	v47 =	vperm.xlane v21, v3;
	v23 =	vld [tilespmem:s19+$0x13F10];
	_ =	sdelay $0x1  }
0x63: {  	v22 =	vadd.s32 v2, v47  }
0x64: {  	v48 =	vperm.xlane v20, v3;
	_ =	sdelay $0x1  }
0x65: {  	v23 =	vmul.f32 v23, v48;
	_ =	sdelay $0x1  }
0x66: {  	[tilespmem:v22+s3+$0x0] =	vst.idx.add.f32.msk $0xffff, v23  }
0x67: {  	v49 =	vperm.xlane v21, v4;
	v23 =	vld [tilespmem:s19+$0x13F20];
	_ =	sdelay $0x1  }
0x68: {  	v22 =	vadd.s32 v2, v49  }
0x69: {  	v50 =	vperm.xlane v20, v4;
	_ =	sdelay $0x1  }
0x6a: {  	v23 =	vmul.f32 v23, v50;
	_ =	sdelay $0x1  }
0x6b: {  	[tilespmem:v22+s3+$0x0] =	vst.idx.add.f32.msk $0xffff, v23  }
0x6c: {  	v51 =	vperm.xlane v21, v5;
	v23 =	vld [tilespmem:s19+$0x13F30];
	_ =	sdelay $0x1  }
0x6d: {  	v22 =	vadd.s32 v2, v51  }
0x6e: {  	v52 =	vperm.xlane v20, v5;
	_ =	sdelay $0x1  }
0x6f: {  	v23 =	vmul.f32 v23, v52;
	_ =	sdelay $0x1  }
0x70: {  	[tilespmem:v22+s3+$0x0] =	vst.idx.add.f32.msk $0xffff, v23  }
0x71: {  	v53 =	vperm.xlane v21, v6;
	v23 =	vld [tilespmem:s19+$0x13F40]  }
0x72: {  	s21 =	sor.u32 $0x10, s20;
	s31 =	sor.u32 $0x20, s20;
	s20 =	sor.u32 $0x30, s20  }
0x73: {  	s22 =	sshll.u32 s21, $0x4;
	v27 =	vld.idx.msk [tilespmem:v18+s20+$0x0 ss:$0x1], $0xffff;
	v26 =	vadd.s32 v2, v53  }
0x74: {  	s30 =	sand.u32 $0x3FFFFF00, s22;
	v25 =	vperm.xlane v20, v6;
	v24 =	vld.idx.msk [tilespmem:v18+s21+$0x0 ss:$0x1], $0xffff  }
0x75: {  	v28 =	vld [tilespmem:s30+$0x13F00]  }
0x76: {  	v22 =	vld.idx.msk [tilespmem:v19+s21+$0x0 ss:$0x1], $0xffff;
	v23 =	vmul.f32 v23, v25  }
0x77: {  	v25 =	vld.idx.msk [tilespmem:v18+s31+$0x0 ss:$0x1], $0xffff  }
0x78: {  	[tilespmem:v26+s3+$0x0] =	vst.idx.add.f32.msk $0xffff, v23  }
0x79: {  	v54 =	vperm.xlane v24, v1;
	v26 =	vld.idx.msk [tilespmem:v19+s20+$0x0 ss:$0x1], $0xffff;
	s20 =	sshll.u32 s20, $0x4  }
0x7a: {  	s21 =	sshll.u32 s31, $0x4;
	v23 =	vld.idx.msk [tilespmem:v19+s31+$0x0 ss:$0x1], $0xffff;
	s20 =	sand.u32 $0x3FFFFF00, s20  }
0x7b: {  	v35 =	vperm.xlane v27, v1;
	v30 =	vadd.s32 v2, v54;
	s21 =	sand.u32 $0x3FFFFF00, s21;
	v36 =	vld [tilespmem:s20+$0x13F00]  }
0x7c: {  	v33 =	vld [tilespmem:s21+$0x13F00];
	v31 =	vperm.xlane v22, v1;
	v32 =	vperm.xlane v25, v1  }
0x7d: {  	v58 =	vadd.s32 v2, v35  }
0x7e: {  	v28 =	vmul.f32 v28, v31;
	v55 =	vadd.s32 v2, v32;
	v59 =	vperm.xlane v26, v1  }
0x7f: {  	v29 =	vld [tilespmem:s19+$0x13F50];
	v56 =	vperm.xlane v23, v1  }
0x80: {  	v34 =	vperm.xlane v21, v7;
	[tilespmem:v30+s3+$0x0] =	vst.idx.add.f32.msk $0xffff, v28;
	v35 =	vmul.f32 v36, v59  }
0x81: {  	v57 =	vperm.xlane v24, v3;
	v30 =	vld [tilespmem:s19+$0x14010];
	v32 =	vmul.f32 v33, v56  }
0x82: {  	v34 =	vadd.s32 v2, v34;
	[tilespmem:v58+s3+$0x0] =	vst.idx.add.f32.msk $0xffff, v35  }
0x83: {  	v37 =	vperm.xlane v20, v7;
	v28 =	vadd.s32 v2, v57;
	[tilespmem:v55+s3+$0x0] =	vst.idx.add.f32.msk $0xffff, v32  }
0x84: {  	v41 =	vperm.xlane v27, v3;
	v60 =	vperm.xlane v22, v3;
	v42 =	vld [tilespmem:s19+$0x14210]  }
0x85: {  	v61 =	vperm.xlane v25, v3;
	v29 =	vmul.f32 v29, v37;
	v32 =	vld [tilespmem:s19+$0x14110]  }
0x86: {  	v44 =	vadd.s32 v2, v41;
	v62 =	vmul.f32 v30, v60  }
0x87: {  	v63 =	vadd.s32 v2, v61;
	v47 =	vperm.xlane v26, v3;
	[tilespmem:v34+s3+$0x0] =	vst.idx.add.f32.msk $0xffff, v29  }
0x88: {  	v40 =	vperm.xlane v23, v3;
	[tilespmem:v28+s3+$0x0] =	vst.idx.add.f32.msk $0xffff, v62  }
0x89: {  	v46 =	vld [tilespmem:s19+$0x13F60];
	v34 =	vmul.f32 v42, v47  }
0x8a: {  	v45 =	vperm.xlane v21, v8;
	v29 =	vld [tilespmem:s19+$0x14020];
	v31 =	vmul.f32 v32, v40  }
0x8b: {  	v43 =	vperm.xlane v24, v4;
	[tilespmem:v44+s3+$0x0] =	vst.idx.add.f32.msk $0xffff, v34  }
0x8c: {  	v33 =	vadd.s32 v2, v45;
	[tilespmem:v63+s3+$0x0] =	vst.idx.add.f32.msk $0xffff, v31  }
0x8d: {  	v50 =	vperm.xlane v20, v8;
	v52 =	vperm.xlane v27, v4;
	v28 =	vadd.s32 v2, v43;
	v53 =	vld [tilespmem:s19+$0x14220]  }
0x8e: {  	v48 =	vperm.xlane v22, v4;
	v49 =	vperm.xlane v25, v4;
	v31 =	vld [tilespmem:s19+$0x14120]  }
0x8f: {  	v55 =	vadd.s32 v2, v52;
	v35 =	vmul.f32 v46, v50  }
0x90: {  	v30 =	vadd.s32 v2, v49;
	v56 =	vperm.xlane v26, v4;
	v29 =	vmul.f32 v29, v48  }
0x91: {  	v51 =	vperm.xlane v23, v4;
	[tilespmem:v33+s3+$0x0] =	vst.idx.add.f32.msk $0xffff, v35  }
0x92: {  	[tilespmem:v28+s3+$0x0] =	vst.idx.add.f32.msk $0xffff, v29;
	v33 =	vmul.f32 v53, v56  }
0x93: {  	v29 =	vld [tilespmem:s19+$0x14030];
	v31 =	vmul.f32 v31, v51  }
0x94: {  	v54 =	vperm.xlane v24, v5;
	[tilespmem:v55+s3+$0x0] =	vst.idx.add.f32.msk $0xffff, v33  }
0x95: {  	[tilespmem:v30+s3+$0x0] =	vst.idx.add.f32.msk $0xffff, v31  }
0x96: {  	v62 =	vperm.xlane v27, v5;
	v28 =	vadd.s32 v2, v54;
	v63 =	vld [tilespmem:s19+$0x14230]  }
0x97: {  	v57 =	vperm.xlane v22, v5;
	v58 =	vperm.xlane v25, v5;
	v31 =	vld [tilespmem:s19+$0x14130]  }
0x98: {  	v42 =	vadd.s32 v2, v62  }
0x99: {  	v44 =	vperm.xlane v26, v5;
	v29 =	vmul.f32 v29, v57;
	v30 =	vadd.s32 v2, v58  }
0x9a: {  	v61 =	vperm.xlane v23, v5;
	v60 =	vld [tilespmem:s19+$0x13F70]  }
0x9b: {  	v59 =	vperm.xlane v21, v9;
	[tilespmem:v28+s3+$0x0] =	vst.idx.add.f32.msk $0xffff, v29;
	v34 =	vmul.f32 v63, v44  }
0x9c: {  	v29 =	vld [tilespmem:s19+$0x14040];
	v31 =	vmul.f32 v31, v61  }
0x9d: {  	v41 =	vperm.xlane v24, v6;
	v35 =	vadd.s32 v2, v59;
	[tilespmem:v42+s3+$0x0] =	vst.idx.add.f32.msk $0xffff, v34  }
0x9e: {  	v40 =	vperm.xlane v20, v9;
	[tilespmem:v30+s3+$0x0] =	vst.idx.add.f32.msk $0xffff, v31  }
0x9f: {  	v45 =	vperm.xlane v22, v6;
	v48 =	vperm.xlane v27, v6;
	v28 =	vadd.s32 v2, v41;
	v34 =	vld [tilespmem:s19+$0x14240]  }
0xa0: {  	v46 =	vperm.xlane v25, v6;
	v43 =	vmul.f32 v60, v40;
	v31 =	vld [tilespmem:s19+$0x14140]  }
0xa1: {  	v52 =	vperm.xlane v26, v6;
	v50 =	vadd.s32 v2, v48  }
0xa2: {  	[tilespmem:v35+s3+$0x0] =	vst.idx.add.f32.msk $0xffff, v43;
	v29 =	vmul.f32 v29, v45;
	v30 =	vadd.s32 v2, v46  }
0xa3: {  	v47 =	vperm.xlane v23, v6;
	v35 =	vld [tilespmem:s19+$0x13F80]  }
0xa4: {  	[tilespmem:v28+s3+$0x0] =	vst.idx.add.f32.msk $0xffff, v29;
	v34 =	vmul.f32 v34, v52  }
0xa5: {  	v51 =	vperm.xlane v21, v10;
	v29 =	vld [tilespmem:s19+$0x14050];
	v31 =	vmul.f32 v31, v47  }
0xa6: {  	v49 =	vperm.xlane v24, v7;
	[tilespmem:v50+s3+$0x0] =	vst.idx.add.f32.msk $0xffff, v34  }
0xa7: {  	v33 =	vadd.s32 v2, v51;
	[tilespmem:v30+s3+$0x0] =	vst.idx.add.f32.msk $0xffff, v31  }
0xa8: {  	v57 =	vperm.xlane v27, v7;
	v55 =	vperm.xlane v20, v10;
	v28 =	vadd.s32 v2, v49;
	v58 =	vld [tilespmem:s19+$0x14250]  }
0xa9: {  	v54 =	vperm.xlane v25, v7;
	v53 =	vperm.xlane v22, v7;
	v31 =	vld [tilespmem:s19+$0x14150]  }
0xaa: {  	v60 =	vadd.s32 v2, v57;
	v35 =	vmul.f32 v35, v55  }
0xab: {  	v61 =	vperm.xlane v26, v7;
	v29 =	vmul.f32 v29, v53;
	v30 =	vadd.s32 v2, v54  }
0xac: {  	v56 =	vperm.xlane v23, v7;
	[tilespmem:v33+s3+$0x0] =	vst.idx.add.f32.msk $0xffff, v35  }
0xad: {  	[tilespmem:v28+s3+$0x0] =	vst.idx.add.f32.msk $0xffff, v29;
	v33 =	vmul.f32 v58, v61  }
0xae: {  	v29 =	vld [tilespmem:s19+$0x14060];
	v31 =	vmul.f32 v31, v56  }
0xaf: {  	v59 =	vperm.xlane v24, v8;
	[tilespmem:v60+s3+$0x0] =	vst.idx.add.f32.msk $0xffff, v33  }
0xb0: {  	[tilespmem:v30+s3+$0x0] =	vst.idx.add.f32.msk $0xffff, v31  }
0xb1: {  	v43 =	vperm.xlane v27, v8;
	v28 =	vadd.s32 v2, v59;
	v44 =	vld [tilespmem:s19+$0x14260]  }
0xb2: {  	v62 =	vperm.xlane v22, v8;
	v63 =	vperm.xlane v25, v8;
	v31 =	vld [tilespmem:s19+$0x14160]  }
0xb3: {  	v47 =	vadd.s32 v2, v43  }
0xb4: {  	v49 =	vperm.xlane v26, v8;
	v29 =	vmul.f32 v29, v62;
	v30 =	vadd.s32 v2, v63  }
0xb5: {  	v41 =	vld [tilespmem:s19+$0x13F90];
	v42 =	vperm.xlane v23, v8  }
0xb6: {  	v40 =	vperm.xlane v21, v11;
	[tilespmem:v28+s3+$0x0] =	vst.idx.add.f32.msk $0xffff, v29;
	v34 =	vmul.f32 v44, v49  }
0xb7: {  	v29 =	vld [tilespmem:s19+$0x14070];
	v31 =	vmul.f32 v31, v42  }
0xb8: {  	v35 =	vadd.s32 v2, v40;
	v46 =	vperm.xlane v24, v9;
	[tilespmem:v47+s3+$0x0] =	vst.idx.add.f32.msk $0xffff, v34  }
0xb9: {  	v45 =	vperm.xlane v20, v11;
	[tilespmem:v30+s3+$0x0] =	vst.idx.add.f32.msk $0xffff, v31  }
0xba: {  	v51 =	vperm.xlane v25, v9;
	v53 =	vperm.xlane v27, v9;
	v28 =	vadd.s32 v2, v46;
	v34 =	vld [tilespmem:s19+$0x14270]  }
0xbb: {  	v48 =	vmul.f32 v41, v45;
	v50 =	vperm.xlane v22, v9;
	v31 =	vld [tilespmem:s19+$0x14170]  }
0xbc: {  	v57 =	vperm.xlane v26, v9;
	v55 =	vadd.s32 v2, v53  }
0xbd: {  	[tilespmem:v35+s3+$0x0] =	vst.idx.add.f32.msk $0xffff, v48;
	v29 =	vmul.f32 v29, v50;
	v30 =	vadd.s32 v2, v51  }
0xbe: {  	v52 =	vperm.xlane v23, v9;
	v35 =	vld [tilespmem:s19+$0x13FA0]  }
0xbf: {  	[tilespmem:v28+s3+$0x0] =	vst.idx.add.f32.msk $0xffff, v29;
	v34 =	vmul.f32 v34, v57  }
0xc0: {  	v56 =	vperm.xlane v21, v12;
	v29 =	vld [tilespmem:s19+$0x14080];
	v31 =	vmul.f32 v31, v52  }
0xc1: {  	v54 =	vperm.xlane v24, v10;
	[tilespmem:v55+s3+$0x0] =	vst.idx.add.f32.msk $0xffff, v34  }
0xc2: {  	v33 =	vadd.s32 v2, v56;
	[tilespmem:v30+s3+$0x0] =	vst.idx.add.f32.msk $0xffff, v31  }
0xc3: {  	v62 =	vperm.xlane v27, v10;
	v60 =	vperm.xlane v20, v12;
	v28 =	vadd.s32 v2, v54;
	v63 =	vld [tilespmem:s19+$0x14280]  }
0xc4: {  	v59 =	vperm.xlane v25, v10;
	v58 =	vperm.xlane v22, v10;
	v31 =	vld [tilespmem:s19+$0x14180]  }
0xc5: {  	v40 =	vadd.s32 v2, v62;
	v35 =	vmul.f32 v35, v60  }
0xc6: {  	v41 =	vperm.xlane v26, v10;
	v29 =	vmul.f32 v29, v58;
	v30 =	vadd.s32 v2, v59  }
0xc7: {  	v61 =	vperm.xlane v23, v10;
	[tilespmem:v33+s3+$0x0] =	vst.idx.add.f32.msk $0xffff, v35  }
0xc8: {  	[tilespmem:v28+s3+$0x0] =	vst.idx.add.f32.msk $0xffff, v29;
	v33 =	vmul.f32 v63, v41  }
0xc9: {  	v29 =	vld [tilespmem:s19+$0x14090];
	v31 =	vmul.f32 v31, v61  }
0xca: {  	v39 =	vperm.xlane v24, v11;
	[tilespmem:v40+s3+$0x0] =	vst.idx.add.f32.msk $0xffff, v33  }
0xcb: {  	[tilespmem:v30+s3+$0x0] =	vst.idx.add.f32.msk $0xffff, v31  }
0xcc: {  	v47 =	vperm.xlane v27, v11;
	v28 =	vadd.s32 v2, v39;
	v48 =	vld [tilespmem:s19+$0x14290]  }
0xcd: {  	v43 =	vperm.xlane v25, v11;
	v42 =	vperm.xlane v22, v11;
	v31 =	vld [tilespmem:s19+$0x14190]  }
0xce: {  	v51 =	vadd.s32 v2, v47  }
0xcf: {  	v53 =	vperm.xlane v26, v11;
	v29 =	vmul.f32 v29, v42;
	v30 =	vadd.s32 v2, v43  }
0xd0: {  	v46 =	vperm.xlane v23, v11;
	v44 =	vperm.xlane v21, v13;
	v45 =	vld [tilespmem:s19+$0x13FB0]  }
0xd1: {  	[tilespmem:v28+s3+$0x0] =	vst.idx.add.f32.msk $0xffff, v29;
	v34 =	vmul.f32 v48, v53  }
0xd2: {  	v35 =	vadd.s32 v2, v44;
	v29 =	vld [tilespmem:s19+$0x140A0];
	v31 =	vmul.f32 v31, v46  }
0xd3: {  	v49 =	vperm.xlane v20, v13;
	v50 =	vperm.xlane v24, v12;
	[tilespmem:v51+s3+$0x0] =	vst.idx.add.f32.msk $0xffff, v34  }
0xd4: {  	[tilespmem:v30+s3+$0x0] =	vst.idx.add.f32.msk $0xffff, v31  }
0xd5: {  	v57 =	vperm.xlane v27, v12;
	v52 =	vmul.f32 v45, v49;
	v28 =	vadd.s32 v2, v50;
	v34 =	vld [tilespmem:s19+$0x142A0]  }
0xd6: {  	v54 =	vperm.xlane v22, v12;
	v55 =	vperm.xlane v25, v12;
	v31 =	vld [tilespmem:s19+$0x141A0]  }
0xd7: {  	[tilespmem:v35+s3+$0x0] =	vst.idx.add.f32.msk $0xffff, v52;
	v59 =	vadd.s32 v2, v57  }
0xd8: {  	v61 =	vperm.xlane v26, v12;
	v29 =	vmul.f32 v29, v54;
	v30 =	vadd.s32 v2, v55  }
0xd9: {  	v56 =	vperm.xlane v23, v12;
	v35 =	vld [tilespmem:s19+$0x13FC0]  }
0xda: {  	[tilespmem:v28+s3+$0x0] =	vst.idx.add.f32.msk $0xffff, v29;
	v34 =	vmul.f32 v34, v61  }
0xdb: {  	v60 =	vperm.xlane v21, v14;
	v29 =	vld [tilespmem:s19+$0x140B0];
	v31 =	vmul.f32 v31, v56  }
0xdc: {  	v58 =	vperm.xlane v24, v13;
	[tilespmem:v59+s3+$0x0] =	vst.idx.add.f32.msk $0xffff, v34  }
0xdd: {  	v33 =	vadd.s32 v2, v60;
	[tilespmem:v30+s3+$0x0] =	vst.idx.add.f32.msk $0xffff, v31  }
0xde: {  	v42 =	vperm.xlane v27, v13;
	v40 =	vperm.xlane v20, v14;
	v28 =	vadd.s32 v2, v58;
	v43 =	vld [tilespmem:s19+$0x142B0]  }
0xdf: {  	v62 =	vperm.xlane v22, v13;
	v63 =	vperm.xlane v25, v13;
	v31 =	vld [tilespmem:s19+$0x141B0]  }
0xe0: {  	v45 =	vadd.s32 v2, v42;
	v35 =	vmul.f32 v35, v40  }
0xe1: {  	v46 =	vperm.xlane v26, v13;
	v29 =	vmul.f32 v29, v62;
	v30 =	vadd.s32 v2, v63  }
0xe2: {  	v41 =	vperm.xlane v23, v13;
	[tilespmem:v33+s3+$0x0] =	vst.idx.add.f32.msk $0xffff, v35  }
0xe3: {  	[tilespmem:v28+s3+$0x0] =	vst.idx.add.f32.msk $0xffff, v29;
	v33 =	vmul.f32 v43, v46  }
0xe4: {  	v29 =	vld [tilespmem:s19+$0x140C0];
	v31 =	vmul.f32 v31, v41  }
0xe5: {  	v44 =	vperm.xlane v24, v14;
	[tilespmem:v45+s3+$0x0] =	vst.idx.add.f32.msk $0xffff, v33  }
0xe6: {  	[tilespmem:v30+s3+$0x0] =	vst.idx.add.f32.msk $0xffff, v31  }
0xe7: {  	v52 =	vperm.xlane v27, v14;
	v28 =	vadd.s32 v2, v44;
	v53 =	vld [tilespmem:s19+$0x142C0]  }
0xe8: {  	v47 =	vperm.xlane v22, v14;
	v48 =	vperm.xlane v25, v14;
	v31 =	vld [tilespmem:s19+$0x141C0]  }
0xe9: {  	v55 =	vadd.s32 v2, v52  }
0xea: {  	v57 =	vperm.xlane v26, v14;
	v29 =	vmul.f32 v29, v47;
	v30 =	vadd.s32 v2, v48  }
0xeb: {  	v50 =	vld [tilespmem:s19+$0x13FD0];
	v51 =	vperm.xlane v23, v14  }
0xec: {  	v49 =	vperm.xlane v21, v15;
	[tilespmem:v28+s3+$0x0] =	vst.idx.add.f32.msk $0xffff, v29;
	v34 =	vmul.f32 v53, v57  }
0xed: {  	v29 =	vld [tilespmem:s19+$0x140D0];
	v31 =	vmul.f32 v31, v51  }
0xee: {  	v35 =	vadd.s32 v2, v49;
	v56 =	vperm.xlane v24, v15;
	[tilespmem:v55+s3+$0x0] =	vst.idx.add.f32.msk $0xffff, v34  }
0xef: {  	v54 =	vperm.xlane v20, v15;
	[tilespmem:v30+s3+$0x0] =	vst.idx.add.f32.msk $0xffff, v31  }
0xf0: {  	v39 =	vperm.xlane v27, v15;
	v60 =	vperm.xlane v25, v15;
	v59 =	vadd.s32 v2, v56;
	v34 =	vld [tilespmem:s19+$0x142D0]  }
0xf1: {  	v58 =	vperm.xlane v22, v15;
	v28 =	vmul.f32 v50, v54;
	v61 =	vld [tilespmem:s19+$0x141D0]  }
0xf2: {  	v44 =	vperm.xlane v26, v15;
	v41 =	vadd.s32 v2, v39  }
0xf3: {  	v63 =	vadd.s32 v2, v60;
	[tilespmem:v35+s3+$0x0] =	vst.idx.add.f32.msk $0xffff, v28;
	v62 =	vmul.f32 v29, v58  }
0xf4: {  	v38 =	vperm.xlane v23, v15;
	v35 =	vld [tilespmem:s19+$0x13FE0]  }
0xf5: {  	v42 =	vperm.xlane v21, v16;
	[tilespmem:v59+s3+$0x0] =	vst.idx.add.f32.msk $0xffff, v62;
	v33 =	vmul.f32 v34, v44  }
0xf6: {  	v43 =	vld [tilespmem:s19+$0x140E0];
	v40 =	vmul.f32 v61, v38  }
0xf7: {  	v46 =	vperm.xlane v24, v16;
	v47 =	vadd.s32 v2, v42;
	[tilespmem:v41+s3+$0x0] =	vst.idx.add.f32.msk $0xffff, v33  }
0xf8: {  	v45 =	vperm.xlane v20, v16;
	[tilespmem:v63+s3+$0x0] =	vst.idx.add.f32.msk $0xffff, v40  }
0xf9: {  	v54 =	vperm.xlane v27, v16;
	v48 =	vperm.xlane v25, v16;
	v51 =	vadd.s32 v2, v46;
	v55 =	vld [tilespmem:s19+$0x142E0]  }
0xfa: {  	v52 =	vperm.xlane v22, v16;
	v50 =	vmul.f32 v35, v45;
	v49 =	vld [tilespmem:s19+$0x141E0]  }
0xfb: {  	v29 =	vadd.s32 v2, v48;
	v57 =	vadd.s32 v2, v54  }
0xfc: {  	v58 =	vperm.xlane v26, v16;
	[tilespmem:v47+s3+$0x0] =	vst.idx.add.f32.msk $0xffff, v50;
	v32 =	vmul.f32 v43, v52  }
0xfd: {  	v53 =	vperm.xlane v23, v16;
	v59 =	vld [tilespmem:s19+$0x13FF0]  }
0xfe: {  	[tilespmem:v51+s3+$0x0] =	vst.idx.add.f32.msk $0xffff, v32;
	v60 =	vmul.f32 v55, v58  }
0xff: {  	v61 =	vld [tilespmem:s19+$0x140F0];
	v56 =	vmul.f32 v49, v53  }
0x100: {  	v21 =	vperm.xlane v21, v17;
	[tilespmem:v57+s3+$0x0] =	vst.idx.add.f32.msk $0xffff, v60  }
0x101: {  	v24 =	vperm.xlane v24, v17;
	[tilespmem:v29+s3+$0x0] =	vst.idx.add.f32.msk $0xffff, v56  }
0x102: {  	v21 =	vadd.s32 v2, v21;
	v27 =	vperm.xlane v27, v17;
	v30 =	vld [tilespmem:s19+$0x142F0]  }
0x103: {  	v20 =	vperm.xlane v20, v17;
	v24 =	vadd.s32 v2, v24;
	v25 =	vperm.xlane v25, v17;
	v62 =	vld [tilespmem:s19+$0x141F0]  }
0x104: {  	v22 =	vperm.xlane v22, v17;
	v27 =	vadd.s32 v2, v27  }
0x105: {  	p1 =	por p0, p0;
	v25 =	vadd.s32 v2, v25;
	v26 =	vperm.xlane v26, v17;
	v20 =	vmul.f32 v59, v20  }
.Ltmp1:
0x106: {  	v23 =	vperm.xlane v23, v17;
	v22 =	vmul.f32 v61, v22;
	(pc) =	sbr.rel @p1 .LBB2_5-.Ltmp1, $4  }
0x107: {  	[tilespmem:v21+s3+$0x0] =	vst.idx.add.f32.msk $0xffff, v20;
	v63 =	vmul.f32 v30, v26  }
0x108: {  	[tilespmem:v24+s3+$0x0] =	vst.idx.add.f32.msk $0xffff, v22;
	v20 =	vmul.f32 v62, v23  }
0x109: {  	[tilespmem:v27+s3+$0x0] =	vst.idx.add.f32.msk $0xffff, v63  }
0x10a: {  	p0 =	por $0x0, $0x0;
	s19 =	simm.s32 $0x4;
	[tilespmem:v25+s3+$0x0] =	vst.idx.add.f32.msk $0xffff, v20  }
0x10b: {  	s19 =	sadd.s32 $0x10300, s18;
	s31 =	sadd.s32 $0x10200, s18  }
0x10c: {  	[tilespmem:s10], [sflag:$0x2] =	stream.indirect.gather [hbm4b:s2+s9], $0x10, s19, s9, $0xb8;
	v18 =	vmov s31;
	[tilespmem:$0x14F00] =	vst v63  }
0x10d: {  	_ =	swait.ge [sflag:s13], $0x800  }
0x10e: {  	s20 =	sadd.s32 $0x10280, s18;
	[sflag:s13] =	ssyncset.done $0x0  }
0x10f: {  	s18 =	simm.s32 $0x0;
	p0 =	por $0x1, $0x1;
	v19 =	vmov s20;
	[sflag:s13] =	ssyncadd.s32 $0xFFFFF800  }
.LBB2_7:
0x110: {  	s19 =	sshll.u32 s18, $0x4  }
0x111: {  	v21 =	vld.idx.msk [tilespmem:v18+s19+$0x0 ss:$0x1], $0xffff;
	_ =	sdelay $0x2  }
0x112: {  	s29 =	sshll.u32 s18, $0x8;
	v20 =	vld.idx.msk [tilespmem:v19+s19+$0x0 ss:$0x1], $0xffff  }
0x113: {  	s18 =	sand.u32 $0x3FFFFF00, s29  }
0x114: {  	v23 =	vld [tilespmem:s18+$0x14700];
	v22 =	vperm.xlane v21, v1;
	_ =	sdelay $0x1  }
0x115: {  	v22 =	vadd.s32 v2, v22  }
0x116: {  	v24 =	vperm.xlane v20, v1;
	_ =	sdelay $0x1  }
0x117: {  	v23 =	vmul.f32 v23, v24;
	_ =	sdelay $0x1  }
0x118: {  	[tilespmem:v22+s3+$0x0] =	vst.idx.add.f32.msk $0xffff, v23  }
0x119: {  	v47 =	vperm.xlane v21, v3;
	v23 =	vld [tilespmem:s18+$0x14710];
	_ =	sdelay $0x1  }
0x11a: {  	v22 =	vadd.s32 v2, v47  }
0x11b: {  	v48 =	vperm.xlane v20, v3;
	_ =	sdelay $0x1  }
0x11c: {  	v23 =	vmul.f32 v23, v48;
	_ =	sdelay $0x1  }
0x11d: {  	[tilespmem:v22+s3+$0x0] =	vst.idx.add.f32.msk $0xffff, v23  }
0x11e: {  	v49 =	vperm.xlane v21, v4;
	v23 =	vld [tilespmem:s18+$0x14720];
	_ =	sdelay $0x1  }
0x11f: {  	v22 =	vadd.s32 v2, v49  }
0x120: {  	v50 =	vperm.xlane v20, v4;
	_ =	sdelay $0x1  }
0x121: {  	v23 =	vmul.f32 v23, v50;
	_ =	sdelay $0x1  }
0x122: {  	[tilespmem:v22+s3+$0x0] =	vst.idx.add.f32.msk $0xffff, v23  }
0x123: {  	v51 =	vperm.xlane v21, v5;
	v23 =	vld [tilespmem:s18+$0x14730];
	_ =	sdelay $0x1  }
0x124: {  	v22 =	vadd.s32 v2, v51  }
0x125: {  	v52 =	vperm.xlane v20, v5;
	_ =	sdelay $0x1  }
0x126: {  	v23 =	vmul.f32 v23, v52;
	_ =	sdelay $0x1  }
0x127: {  	[tilespmem:v22+s3+$0x0] =	vst.idx.add.f32.msk $0xffff, v23  }
0x128: {  	v53 =	vperm.xlane v21, v6;
	v23 =	vld [tilespmem:s18+$0x14740]  }
0x129: {  	s20 =	sor.u32 $0x10, s19;
	s31 =	sor.u32 $0x20, s19;
	s19 =	sor.u32 $0x30, s19  }
0x12a: {  	s21 =	sshll.u32 s20, $0x4;
	v27 =	vld.idx.msk [tilespmem:v18+s19+$0x0 ss:$0x1], $0xffff;
	v26 =	vadd.s32 v2, v53  }
0x12b: {  	s30 =	sand.u32 $0x3FFFFF00, s21;
	v25 =	vperm.xlane v20, v6;
	v24 =	vld.idx.msk [tilespmem:v18+s20+$0x0 ss:$0x1], $0xffff  }
0x12c: {  	v28 =	vld [tilespmem:s30+$0x14700]  }
0x12d: {  	v22 =	vld.idx.msk [tilespmem:v19+s20+$0x0 ss:$0x1], $0xffff;
	v23 =	vmul.f32 v23, v25  }
0x12e: {  	v25 =	vld.idx.msk [tilespmem:v18+s31+$0x0 ss:$0x1], $0xffff  }
0x12f: {  	[tilespmem:v26+s3+$0x0] =	vst.idx.add.f32.msk $0xffff, v23  }
0x130: {  	v54 =	vperm.xlane v24, v1;
	v26 =	vld.idx.msk [tilespmem:v19+s19+$0x0 ss:$0x1], $0xffff;
	s19 =	sshll.u32 s19, $0x4  }
0x131: {  	s20 =	sshll.u32 s31, $0x4;
	v23 =	vld.idx.msk [tilespmem:v19+s31+$0x0 ss:$0x1], $0xffff;
	s19 =	sand.u32 $0x3FFFFF00, s19  }
0x132: {  	v35 =	vperm.xlane v27, v1;
	v30 =	vadd.s32 v2, v54;
	s20 =	sand.u32 $0x3FFFFF00, s20;
	v36 =	vld [tilespmem:s19+$0x14700]  }
0x133: {  	v33 =	vld [tilespmem:s20+$0x14700];
	v31 =	vperm.xlane v22, v1;
	v32 =	vperm.xlane v25, v1  }
0x134: {  	v58 =	vadd.s32 v2, v35  }
0x135: {  	v28 =	vmul.f32 v28, v31;
	v55 =	vadd.s32 v2, v32;
	v59 =	vperm.xlane v26, v1  }
0x136: {  	v29 =	vld [tilespmem:s18+$0x14750];
	v56 =	vperm.xlane v23, v1  }
0x137: {  	v34 =	vperm.xlane v21, v7;
	[tilespmem:v30+s3+$0x0] =	vst.idx.add.f32.msk $0xffff, v28;
	v35 =	vmul.f32 v36, v59  }
0x138: {  	v57 =	vperm.xlane v24, v3;
	v30 =	vld [tilespmem:s18+$0x14810];
	v32 =	vmul.f32 v33, v56  }
0x139: {  	v34 =	vadd.s32 v2, v34;
	[tilespmem:v58+s3+$0x0] =	vst.idx.add.f32.msk $0xffff, v35  }
0x13a: {  	v37 =	vperm.xlane v20, v7;
	v28 =	vadd.s32 v2, v57;
	[tilespmem:v55+s3+$0x0] =	vst.idx.add.f32.msk $0xffff, v32  }
0x13b: {  	v41 =	vperm.xlane v27, v3;
	v60 =	vperm.xlane v22, v3;
	v42 =	vld [tilespmem:s18+$0x14A10]  }
0x13c: {  	v61 =	vperm.xlane v25, v3;
	v29 =	vmul.f32 v29, v37;
	v32 =	vld [tilespmem:s18+$0x14910]  }
0x13d: {  	v44 =	vadd.s32 v2, v41;
	v62 =	vmul.f32 v30, v60  }
0x13e: {  	v63 =	vadd.s32 v2, v61;
	v47 =	vperm.xlane v26, v3;
	[tilespmem:v34+s3+$0x0] =	vst.idx.add.f32.msk $0xffff, v29  }
0x13f: {  	v40 =	vperm.xlane v23, v3;
	[tilespmem:v28+s3+$0x0] =	vst.idx.add.f32.msk $0xffff, v62  }
0x140: {  	v46 =	vld [tilespmem:s18+$0x14760];
	v34 =	vmul.f32 v42, v47  }
0x141: {  	v45 =	vperm.xlane v21, v8;
	v29 =	vld [tilespmem:s18+$0x14820];
	v31 =	vmul.f32 v32, v40  }
0x142: {  	v43 =	vperm.xlane v24, v4;
	[tilespmem:v44+s3+$0x0] =	vst.idx.add.f32.msk $0xffff, v34  }
0x143: {  	v33 =	vadd.s32 v2, v45;
	[tilespmem:v63+s3+$0x0] =	vst.idx.add.f32.msk $0xffff, v31  }
0x144: {  	v50 =	vperm.xlane v20, v8;
	v52 =	vperm.xlane v27, v4;
	v28 =	vadd.s32 v2, v43;
	v53 =	vld [tilespmem:s18+$0x14A20]  }
0x145: {  	v48 =	vperm.xlane v22, v4;
	v49 =	vperm.xlane v25, v4;
	v31 =	vld [tilespmem:s18+$0x14920]  }
0x146: {  	v55 =	vadd.s32 v2, v52;
	v35 =	vmul.f32 v46, v50  }
0x147: {  	v30 =	vadd.s32 v2, v49;
	v56 =	vperm.xlane v26, v4;
	v29 =	vmul.f32 v29, v48  }
0x148: {  	v51 =	vperm.xlane v23, v4;
	[tilespmem:v33+s3+$0x0] =	vst.idx.add.f32.msk $0xffff, v35  }
0x149: {  	[tilespmem:v28+s3+$0x0] =	vst.idx.add.f32.msk $0xffff, v29;
	v33 =	vmul.f32 v53, v56  }
0x14a: {  	v29 =	vld [tilespmem:s18+$0x14830];
	v31 =	vmul.f32 v31, v51  }
0x14b: {  	v54 =	vperm.xlane v24, v5;
	[tilespmem:v55+s3+$0x0] =	vst.idx.add.f32.msk $0xffff, v33  }
0x14c: {  	[tilespmem:v30+s3+$0x0] =	vst.idx.add.f32.msk $0xffff, v31  }
0x14d: {  	v62 =	vperm.xlane v27, v5;
	v28 =	vadd.s32 v2, v54;
	v63 =	vld [tilespmem:s18+$0x14A30]  }
0x14e: {  	v57 =	vperm.xlane v22, v5;
	v58 =	vperm.xlane v25, v5;
	v31 =	vld [tilespmem:s18+$0x14930]  }
0x14f: {  	v42 =	vadd.s32 v2, v62  }
0x150: {  	v44 =	vperm.xlane v26, v5;
	v29 =	vmul.f32 v29, v57;
	v30 =	vadd.s32 v2, v58  }
0x151: {  	v61 =	vperm.xlane v23, v5;
	v60 =	vld [tilespmem:s18+$0x14770]  }
0x152: {  	v59 =	vperm.xlane v21, v9;
	[tilespmem:v28+s3+$0x0] =	vst.idx.add.f32.msk $0xffff, v29;
	v34 =	vmul.f32 v63, v44  }
0x153: {  	v29 =	vld [tilespmem:s18+$0x14840];
	v31 =	vmul.f32 v31, v61  }
0x154: {  	v41 =	vperm.xlane v24, v6;
	v35 =	vadd.s32 v2, v59;
	[tilespmem:v42+s3+$0x0] =	vst.idx.add.f32.msk $0xffff, v34  }
0x155: {  	v40 =	vperm.xlane v20, v9;
	[tilespmem:v30+s3+$0x0] =	vst.idx.add.f32.msk $0xffff, v31  }
0x156: {  	v45 =	vperm.xlane v22, v6;
	v48 =	vperm.xlane v27, v6;
	v28 =	vadd.s32 v2, v41;
	v34 =	vld [tilespmem:s18+$0x14A40]  }
0x157: {  	v46 =	vperm.xlane v25, v6;
	v43 =	vmul.f32 v60, v40;
	v31 =	vld [tilespmem:s18+$0x14940]  }
0x158: {  	v52 =	vperm.xlane v26, v6;
	v50 =	vadd.s32 v2, v48  }
0x159: {  	[tilespmem:v35+s3+$0x0] =	vst.idx.add.f32.msk $0xffff, v43;
	v29 =	vmul.f32 v29, v45;
	v30 =	vadd.s32 v2, v46  }
0x15a: {  	v47 =	vperm.xlane v23, v6;
	v35 =	vld [tilespmem:s18+$0x14780]  }
0x15b: {  	[tilespmem:v28+s3+$0x0] =	vst.idx.add.f32.msk $0xffff, v29;
	v34 =	vmul.f32 v34, v52  }
0x15c: {  	v51 =	vperm.xlane v21, v10;
	v29 =	vld [tilespmem:s18+$0x14850];
	v31 =	vmul.f32 v31, v47  }
0x15d: {  	v49 =	vperm.xlane v24, v7;
	[tilespmem:v50+s3+$0x0] =	vst.idx.add.f32.msk $0xffff, v34  }
0x15e: {  	v33 =	vadd.s32 v2, v51;
	[tilespmem:v30+s3+$0x0] =	vst.idx.add.f32.msk $0xffff, v31  }
0x15f: {  	v57 =	vperm.xlane v27, v7;
	v55 =	vperm.xlane v20, v10;
	v28 =	vadd.s32 v2, v49;
	v58 =	vld [tilespmem:s18+$0x14A50]  }
0x160: {  	v54 =	vperm.xlane v25, v7;
	v53 =	vperm.xlane v22, v7;
	v31 =	vld [tilespmem:s18+$0x14950]  }
0x161: {  	v60 =	vadd.s32 v2, v57;
	v35 =	vmul.f32 v35, v55  }
0x162: {  	v61 =	vperm.xlane v26, v7;
	v29 =	vmul.f32 v29, v53;
	v30 =	vadd.s32 v2, v54  }
0x163: {  	v56 =	vperm.xlane v23, v7;
	[tilespmem:v33+s3+$0x0] =	vst.idx.add.f32.msk $0xffff, v35  }
0x164: {  	[tilespmem:v28+s3+$0x0] =	vst.idx.add.f32.msk $0xffff, v29;
	v33 =	vmul.f32 v58, v61  }
0x165: {  	v29 =	vld [tilespmem:s18+$0x14860];
	v31 =	vmul.f32 v31, v56  }
0x166: {  	v59 =	vperm.xlane v24, v8;
	[tilespmem:v60+s3+$0x0] =	vst.idx.add.f32.msk $0xffff, v33  }
0x167: {  	[tilespmem:v30+s3+$0x0] =	vst.idx.add.f32.msk $0xffff, v31  }
0x168: {  	v43 =	vperm.xlane v27, v8;
	v28 =	vadd.s32 v2, v59;
	v44 =	vld [tilespmem:s18+$0x14A60]  }
0x169: {  	v62 =	vperm.xlane v22, v8;
	v63 =	vperm.xlane v25, v8;
	v31 =	vld [tilespmem:s18+$0x14960]  }
0x16a: {  	v47 =	vadd.s32 v2, v43  }
0x16b: {  	v49 =	vperm.xlane v26, v8;
	v29 =	vmul.f32 v29, v62;
	v30 =	vadd.s32 v2, v63  }
0x16c: {  	v41 =	vld [tilespmem:s18+$0x14790];
	v42 =	vperm.xlane v23, v8  }
0x16d: {  	v40 =	vperm.xlane v21, v11;
	[tilespmem:v28+s3+$0x0] =	vst.idx.add.f32.msk $0xffff, v29;
	v34 =	vmul.f32 v44, v49  }
0x16e: {  	v29 =	vld [tilespmem:s18+$0x14870];
	v31 =	vmul.f32 v31, v42  }
0x16f: {  	v35 =	vadd.s32 v2, v40;
	v46 =	vperm.xlane v24, v9;
	[tilespmem:v47+s3+$0x0] =	vst.idx.add.f32.msk $0xffff, v34  }
0x170: {  	v45 =	vperm.xlane v20, v11;
	[tilespmem:v30+s3+$0x0] =	vst.idx.add.f32.msk $0xffff, v31  }
0x171: {  	v51 =	vperm.xlane v25, v9;
	v53 =	vperm.xlane v27, v9;
	v28 =	vadd.s32 v2, v46;
	v34 =	vld [tilespmem:s18+$0x14A70]  }
0x172: {  	v48 =	vmul.f32 v41, v45;
	v50 =	vperm.xlane v22, v9;
	v31 =	vld [tilespmem:s18+$0x14970]  }
0x173: {  	v57 =	vperm.xlane v26, v9;
	v55 =	vadd.s32 v2, v53  }
0x174: {  	[tilespmem:v35+s3+$0x0] =	vst.idx.add.f32.msk $0xffff, v48;
	v29 =	vmul.f32 v29, v50;
	v30 =	vadd.s32 v2, v51  }
0x175: {  	v52 =	vperm.xlane v23, v9;
	v35 =	vld [tilespmem:s18+$0x147A0]  }
0x176: {  	[tilespmem:v28+s3+$0x0] =	vst.idx.add.f32.msk $0xffff, v29;
	v34 =	vmul.f32 v34, v57  }
0x177: {  	v56 =	vperm.xlane v21, v12;
	v29 =	vld [tilespmem:s18+$0x14880];
	v31 =	vmul.f32 v31, v52  }
0x178: {  	v54 =	vperm.xlane v24, v10;
	[tilespmem:v55+s3+$0x0] =	vst.idx.add.f32.msk $0xffff, v34  }
0x179: {  	v33 =	vadd.s32 v2, v56;
	[tilespmem:v30+s3+$0x0] =	vst.idx.add.f32.msk $0xffff, v31  }
0x17a: {  	v62 =	vperm.xlane v27, v10;
	v60 =	vperm.xlane v20, v12;
	v28 =	vadd.s32 v2, v54;
	v63 =	vld [tilespmem:s18+$0x14A80]  }
0x17b: {  	v59 =	vperm.xlane v25, v10;
	v58 =	vperm.xlane v22, v10;
	v31 =	vld [tilespmem:s18+$0x14980]  }
0x17c: {  	v40 =	vadd.s32 v2, v62;
	v35 =	vmul.f32 v35, v60  }
0x17d: {  	v41 =	vperm.xlane v26, v10;
	v29 =	vmul.f32 v29, v58;
	v30 =	vadd.s32 v2, v59  }
0x17e: {  	v61 =	vperm.xlane v23, v10;
	[tilespmem:v33+s3+$0x0] =	vst.idx.add.f32.msk $0xffff, v35  }
0x17f: {  	[tilespmem:v28+s3+$0x0] =	vst.idx.add.f32.msk $0xffff, v29;
	v33 =	vmul.f32 v63, v41  }
0x180: {  	v29 =	vld [tilespmem:s18+$0x14890];
	v31 =	vmul.f32 v31, v61  }
0x181: {  	v39 =	vperm.xlane v24, v11;
	[tilespmem:v40+s3+$0x0] =	vst.idx.add.f32.msk $0xffff, v33  }
0x182: {  	[tilespmem:v30+s3+$0x0] =	vst.idx.add.f32.msk $0xffff, v31  }
0x183: {  	v47 =	vperm.xlane v27, v11;
	v28 =	vadd.s32 v2, v39;
	v48 =	vld [tilespmem:s18+$0x14A90]  }
0x184: {  	v43 =	vperm.xlane v25, v11;
	v42 =	vperm.xlane v22, v11;
	v31 =	vld [tilespmem:s18+$0x14990]  }
0x185: {  	v51 =	vadd.s32 v2, v47  }
0x186: {  	v53 =	vperm.xlane v26, v11;
	v29 =	vmul.f32 v29, v42;
	v30 =	vadd.s32 v2, v43  }
0x187: {  	v46 =	vperm.xlane v23, v11;
	v44 =	vperm.xlane v21, v13;
	v45 =	vld [tilespmem:s18+$0x147B0]  }
0x188: {  	[tilespmem:v28+s3+$0x0] =	vst.idx.add.f32.msk $0xffff, v29;
	v34 =	vmul.f32 v48, v53  }
0x189: {  	v35 =	vadd.s32 v2, v44;
	v29 =	vld [tilespmem:s18+$0x148A0];
	v31 =	vmul.f32 v31, v46  }
0x18a: {  	v49 =	vperm.xlane v20, v13;
	v50 =	vperm.xlane v24, v12;
	[tilespmem:v51+s3+$0x0] =	vst.idx.add.f32.msk $0xffff, v34  }
0x18b: {  	[tilespmem:v30+s3+$0x0] =	vst.idx.add.f32.msk $0xffff, v31  }
0x18c: {  	v57 =	vperm.xlane v27, v12;
	v52 =	vmul.f32 v45, v49;
	v28 =	vadd.s32 v2, v50;
	v34 =	vld [tilespmem:s18+$0x14AA0]  }
0x18d: {  	v54 =	vperm.xlane v22, v12;
	v55 =	vperm.xlane v25, v12;
	v31 =	vld [tilespmem:s18+$0x149A0]  }
0x18e: {  	[tilespmem:v35+s3+$0x0] =	vst.idx.add.f32.msk $0xffff, v52;
	v59 =	vadd.s32 v2, v57  }
0x18f: {  	v61 =	vperm.xlane v26, v12;
	v29 =	vmul.f32 v29, v54;
	v30 =	vadd.s32 v2, v55  }
0x190: {  	v56 =	vperm.xlane v23, v12;
	v35 =	vld [tilespmem:s18+$0x147C0]  }
0x191: {  	[tilespmem:v28+s3+$0x0] =	vst.idx.add.f32.msk $0xffff, v29;
	v34 =	vmul.f32 v34, v61  }
0x192: {  	v60 =	vperm.xlane v21, v14;
	v29 =	vld [tilespmem:s18+$0x148B0];
	v31 =	vmul.f32 v31, v56  }
0x193: {  	v58 =	vperm.xlane v24, v13;
	[tilespmem:v59+s3+$0x0] =	vst.idx.add.f32.msk $0xffff, v34  }
0x194: {  	v33 =	vadd.s32 v2, v60;
	[tilespmem:v30+s3+$0x0] =	vst.idx.add.f32.msk $0xffff, v31  }
0x195: {  	v42 =	vperm.xlane v27, v13;
	v40 =	vperm.xlane v20, v14;
	v28 =	vadd.s32 v2, v58;
	v43 =	vld [tilespmem:s18+$0x14AB0]  }
0x196: {  	v62 =	vperm.xlane v22, v13;
	v63 =	vperm.xlane v25, v13;
	v31 =	vld [tilespmem:s18+$0x149B0]  }
0x197: {  	v45 =	vadd.s32 v2, v42;
	v35 =	vmul.f32 v35, v40  }
0x198: {  	v46 =	vperm.xlane v26, v13;
	v29 =	vmul.f32 v29, v62;
	v30 =	vadd.s32 v2, v63  }
0x199: {  	v41 =	vperm.xlane v23, v13;
	[tilespmem:v33+s3+$0x0] =	vst.idx.add.f32.msk $0xffff, v35  }
0x19a: {  	[tilespmem:v28+s3+$0x0] =	vst.idx.add.f32.msk $0xffff, v29;
	v33 =	vmul.f32 v43, v46  }
0x19b: {  	v29 =	vld [tilespmem:s18+$0x148C0];
	v31 =	vmul.f32 v31, v41  }
0x19c: {  	v44 =	vperm.xlane v24, v14;
	[tilespmem:v45+s3+$0x0] =	vst.idx.add.f32.msk $0xffff, v33  }
0x19d: {  	[tilespmem:v30+s3+$0x0] =	vst.idx.add.f32.msk $0xffff, v31  }
0x19e: {  	v52 =	vperm.xlane v27, v14;
	v28 =	vadd.s32 v2, v44;
	v53 =	vld [tilespmem:s18+$0x14AC0]  }
0x19f: {  	v47 =	vperm.xlane v22, v14;
	v48 =	vperm.xlane v25, v14;
	v31 =	vld [tilespmem:s18+$0x149C0]  }
0x1a0: {  	v55 =	vadd.s32 v2, v52  }
0x1a1: {  	v57 =	vperm.xlane v26, v14;
	v29 =	vmul.f32 v29, v47;
	v30 =	vadd.s32 v2, v48  }
0x1a2: {  	v50 =	vld [tilespmem:s18+$0x147D0];
	v51 =	vperm.xlane v23, v14  }
0x1a3: {  	v49 =	vperm.xlane v21, v15;
	[tilespmem:v28+s3+$0x0] =	vst.idx.add.f32.msk $0xffff, v29;
	v34 =	vmul.f32 v53, v57  }
0x1a4: {  	v29 =	vld [tilespmem:s18+$0x148D0];
	v31 =	vmul.f32 v31, v51  }
0x1a5: {  	v35 =	vadd.s32 v2, v49;
	v56 =	vperm.xlane v24, v15;
	[tilespmem:v55+s3+$0x0] =	vst.idx.add.f32.msk $0xffff, v34  }
0x1a6: {  	v54 =	vperm.xlane v20, v15;
	[tilespmem:v30+s3+$0x0] =	vst.idx.add.f32.msk $0xffff, v31  }
0x1a7: {  	v39 =	vperm.xlane v27, v15;
	v60 =	vperm.xlane v25, v15;
	v59 =	vadd.s32 v2, v56;
	v34 =	vld [tilespmem:s18+$0x14AD0]  }
0x1a8: {  	v58 =	vperm.xlane v22, v15;
	v28 =	vmul.f32 v50, v54;
	v61 =	vld [tilespmem:s18+$0x149D0]  }
0x1a9: {  	v44 =	vperm.xlane v26, v15;
	v41 =	vadd.s32 v2, v39  }
0x1aa: {  	v63 =	vadd.s32 v2, v60;
	[tilespmem:v35+s3+$0x0] =	vst.idx.add.f32.msk $0xffff, v28;
	v62 =	vmul.f32 v29, v58  }
0x1ab: {  	v38 =	vperm.xlane v23, v15;
	v35 =	vld [tilespmem:s18+$0x147E0]  }
0x1ac: {  	v42 =	vperm.xlane v21, v16;
	[tilespmem:v59+s3+$0x0] =	vst.idx.add.f32.msk $0xffff, v62;
	v33 =	vmul.f32 v34, v44  }
0x1ad: {  	v43 =	vld [tilespmem:s18+$0x148E0];
	v40 =	vmul.f32 v61, v38  }
0x1ae: {  	v46 =	vperm.xlane v24, v16;
	v47 =	vadd.s32 v2, v42;
	[tilespmem:v41+s3+$0x0] =	vst.idx.add.f32.msk $0xffff, v33  }
0x1af: {  	v45 =	vperm.xlane v20, v16;
	[tilespmem:v63+s3+$0x0] =	vst.idx.add.f32.msk $0xffff, v40  }
0x1b0: {  	v54 =	vperm.xlane v27, v16;
	v48 =	vperm.xlane v25, v16;
	v51 =	vadd.s32 v2, v46;
	v55 =	vld [tilespmem:s18+$0x14AE0]  }
0x1b1: {  	v52 =	vperm.xlane v22, v16;
	v50 =	vmul.f32 v35, v45;
	v49 =	vld [tilespmem:s18+$0x149E0]  }
0x1b2: {  	v29 =	vadd.s32 v2, v48;
	v57 =	vadd.s32 v2, v54  }
0x1b3: {  	v58 =	vperm.xlane v26, v16;
	[tilespmem:v47+s3+$0x0] =	vst.idx.add.f32.msk $0xffff, v50;
	v32 =	vmul.f32 v43, v52  }
0x1b4: {  	v53 =	vperm.xlane v23, v16;
	v59 =	vld [tilespmem:s18+$0x147F0]  }
0x1b5: {  	[tilespmem:v51+s3+$0x0] =	vst.idx.add.f32.msk $0xffff, v32;
	v60 =	vmul.f32 v55, v58  }
0x1b6: {  	v61 =	vld [tilespmem:s18+$0x148F0];
	v56 =	vmul.f32 v49, v53  }
0x1b7: {  	v21 =	vperm.xlane v21, v17;
	[tilespmem:v57+s3+$0x0] =	vst.idx.add.f32.msk $0xffff, v60  }
0x1b8: {  	v24 =	vperm.xlane v24, v17;
	[tilespmem:v29+s3+$0x0] =	vst.idx.add.f32.msk $0xffff, v56  }
0x1b9: {  	v21 =	vadd.s32 v2, v21;
	v27 =	vperm.xlane v27, v17;
	v30 =	vld [tilespmem:s18+$0x14AF0]  }
0x1ba: {  	v20 =	vperm.xlane v20, v17;
	v24 =	vadd.s32 v2, v24;
	v25 =	vperm.xlane v25, v17;
	v62 =	vld [tilespmem:s18+$0x149F0]  }
0x1bb: {  	v22 =	vperm.xlane v22, v17;
	v27 =	vadd.s32 v2, v27  }
0x1bc: {  	p1 =	por p0, p0;
	v25 =	vadd.s32 v2, v25;
	v26 =	vperm.xlane v26, v17;
	v20 =	vmul.f32 v59, v20  }
.Ltmp2:
0x1bd: {  	v23 =	vperm.xlane v23, v17;
	v22 =	vmul.f32 v61, v22;
	(pc) =	sbr.rel @p1 .LBB2_7-.Ltmp2, $4  }
0x1be: {  	[tilespmem:v21+s3+$0x0] =	vst.idx.add.f32.msk $0xffff, v20;
	v63 =	vmul.f32 v30, v26  }
0x1bf: {  	[tilespmem:v24+s3+$0x0] =	vst.idx.add.f32.msk $0xffff, v22;
	v20 =	vmul.f32 v62, v23  }
0x1c0: {  	[tilespmem:v27+s3+$0x0] =	vst.idx.add.f32.msk $0xffff, v63  }
0x1c1: {  	p0 =	por $0x0, $0x0;
	s18 =	simm.s32 $0x4;
	[tilespmem:v25+s3+$0x0] =	vst.idx.add.f32.msk $0xffff, v20  }
0x1c2: {  	s17 =	sadd.s32 $0x1, s17  }
0x1c3: {  	p0 =	sne.s32 s17, $0x14  }
.Ltmp3:
0x1c4: {  	_ = 	snop;
	(pc) =	sbr.rel @p0 .LBB2_4-.Ltmp3, $1  }
0x1c5: {  	_ =	sdelay $0x3  }
0x1c6: {  	[tilespmem:s11], [sflag:$0x3] =	stream.indirect.gather [hbm4b:s2+s9], $0x10, s14, s9, $0xb8;
	[tilespmem:$0x14F00] =	vst v63  }
0x1c7: {  	_ =	swait.ge [sflag:s12], $0x800  }
0x1c8: {  	[sflag:s12] =	ssyncset.done $0x0  }
0x1c9: {  	s17 =	simm.s32 $0x0;
	p0 =	por $0x1, $0x1;
	[sflag:s12] =	ssyncadd.s32 $0xFFFFF800  }
.LBB2_10:
0x1ca: {  	s18 =	sshll.u32 s17, $0x4  }
0x1cb: {  	s18 =	sand.u32 $0x3FFFFFF0, s18  }
0x1cc: {  	v19 =	vld [tilespmem:s18+$0x13C80];
	_ =	sdelay $0x2  }
0x1cd: {  	s31 =	sshll.u32 s17, $0x8;
	v18 =	vld [tilespmem:s18+$0x13D00]  }
0x1ce: {  	s17 =	sand.u32 $0x3FFFFF00, s31  }
0x1cf: {  	v21 =	vld [tilespmem:s17+$0x13F00];
	v20 =	vperm.xlane v19, v1;
	_ =	sdelay $0x1  }
0x1d0: {  	v20 =	vadd.s32 v2, v20  }
0x1d1: {  	v22 =	vperm.xlane v18, v1;
	_ =	sdelay $0x1  }
0x1d2: {  	v21 =	vmul.f32 v21, v22;
	_ =	sdelay $0x1  }
0x1d3: {  	[tilespmem:v20+s3+$0x0] =	vst.idx.add.f32.msk $0xffff, v21  }
0x1d4: {  	v40 =	vperm.xlane v19, v3;
	v21 =	vld [tilespmem:s17+$0x13F10];
	_ =	sdelay $0x1  }
0x1d5: {  	v20 =	vadd.s32 v2, v40  }
0x1d6: {  	v41 =	vperm.xlane v18, v3;
	_ =	sdelay $0x1  }
0x1d7: {  	v21 =	vmul.f32 v21, v41;
	_ =	sdelay $0x1  }
0x1d8: {  	[tilespmem:v20+s3+$0x0] =	vst.idx.add.f32.msk $0xffff, v21  }
0x1d9: {  	v42 =	vperm.xlane v19, v4;
	v21 =	vld [tilespmem:s17+$0x13F20];
	_ =	sdelay $0x1  }
0x1da: {  	v20 =	vadd.s32 v2, v42  }
0x1db: {  	v43 =	vperm.xlane v18, v4;
	_ =	sdelay $0x1  }
0x1dc: {  	v21 =	vmul.f32 v21, v43;
	_ =	sdelay $0x1  }
0x1dd: {  	[tilespmem:v20+s3+$0x0] =	vst.idx.add.f32.msk $0xffff, v21  }
0x1de: {  	v44 =	vperm.xlane v19, v5;
	v21 =	vld [tilespmem:s17+$0x13F30];
	_ =	sdelay $0x1  }
0x1df: {  	v20 =	vadd.s32 v2, v44  }
0x1e0: {  	v45 =	vperm.xlane v18, v5;
	_ =	sdelay $0x1  }
0x1e1: {  	v21 =	vmul.f32 v21, v45;
	_ =	sdelay $0x1  }
0x1e2: {  	[tilespmem:v20+s3+$0x0] =	vst.idx.add.f32.msk $0xffff, v21  }
0x1e3: {  	v46 =	vperm.xlane v19, v6;
	v21 =	vld [tilespmem:s17+$0x13F40];
	_ =	sdelay $0x1  }
0x1e4: {  	v25 =	vld [tilespmem:s18+$0x13CB0];
	v20 =	vadd.s32 v2, v46  }
0x1e5: {  	v23 =	vld [tilespmem:s18+$0x13C90];
	v47 =	vperm.xlane v18, v6  }
0x1e6: {  	v24 =	vld [tilespmem:s18+$0x13CA0]  }
0x1e7: {  	v22 =	vld [tilespmem:s18+$0x13D30];
	v21 =	vmul.f32 v21, v47  }
0x1e8: {  	v34 =	vld [tilespmem:s17+$0x14200]  }
0x1e9: {  	v33 =	vperm.xlane v25, v1;
	[tilespmem:v20+s3+$0x0] =	vst.idx.add.f32.msk $0xffff, v21  }
0x1ea: {  	v20 =	vld [tilespmem:s18+$0x13D10]  }
0x1eb: {  	v52 =	vadd.s32 v2, v33;
	v21 =	vld [tilespmem:s18+$0x13D20]  }
0x1ec: {  	v26 =	vld [tilespmem:s17+$0x14000];
	v48 =	vperm.xlane v23, v1;
	v53 =	vperm.xlane v22, v1  }
0x1ed: {  	v31 =	vld [tilespmem:s17+$0x14100];
	v30 =	vperm.xlane v24, v1  }
0x1ee: {  	v28 =	vadd.s32 v2, v48;
	v33 =	vmul.f32 v34, v53  }
0x1ef: {  	v49 =	vadd.s32 v2, v30;
	v29 =	vperm.xlane v20, v1  }
0x1f0: {  	[tilespmem:v52+s3+$0x0] =	vst.idx.add.f32.msk $0xffff, v33;
	v50 =	vperm.xlane v21, v1  }
0x1f1: {  	v32 =	vperm.xlane v19, v7;
	v27 =	vld [tilespmem:s17+$0x13F50];
	v26 =	vmul.f32 v26, v29  }
0x1f2: {  	v60 =	vld [tilespmem:s17+$0x14210];
	v30 =	vmul.f32 v31, v50  }
0x1f3: {  	v59 =	vperm.xlane v25, v3;
	v32 =	vadd.s32 v2, v32;
	[tilespmem:v28+s3+$0x0] =	vst.idx.add.f32.msk $0xffff, v26  }
0x1f4: {  	v35 =	vperm.xlane v18, v7;
	[tilespmem:v49+s3+$0x0] =	vst.idx.add.f32.msk $0xffff, v30  }
0x1f5: {  	v51 =	vperm.xlane v23, v3;
	v55 =	vperm.xlane v24, v3;
	v62 =	vadd.s32 v2, v59;
	v28 =	vld [tilespmem:s17+$0x14010]  }
0x1f6: {  	v37 =	vperm.xlane v22, v3;
	v27 =	vmul.f32 v27, v35;
	v30 =	vld [tilespmem:s17+$0x14110]  }
0x1f7: {  	v57 =	vadd.s32 v2, v55;
	v26 =	vadd.s32 v2, v51  }
0x1f8: {  	v54 =	vperm.xlane v20, v3;
	[tilespmem:v32+s3+$0x0] =	vst.idx.add.f32.msk $0xffff, v27;
	v32 =	vmul.f32 v60, v37  }
0x1f9: {  	v58 =	vperm.xlane v21, v3;
	v36 =	vld [tilespmem:s17+$0x13F60]  }
0x1fa: {  	v63 =	vperm.xlane v19, v8;
	[tilespmem:v62+s3+$0x0] =	vst.idx.add.f32.msk $0xffff, v32;
	v56 =	vmul.f32 v28, v54  }
0x1fb: {  	v43 =	vld [tilespmem:s17+$0x14220];
	v29 =	vmul.f32 v30, v58  }
0x1fc: {  	v42 =	vperm.xlane v25, v4;
	v31 =	vadd.s32 v2, v63;
	[tilespmem:v26+s3+$0x0] =	vst.idx.add.f32.msk $0xffff, v56  }
0x1fd: {  	v40 =	vperm.xlane v18, v8;
	[tilespmem:v57+s3+$0x0] =	vst.idx.add.f32.msk $0xffff, v29  }
0x1fe: {  	v61 =	vperm.xlane v23, v4;
	v39 =	vperm.xlane v24, v4;
	v45 =	vadd.s32 v2, v42;
	v27 =	vld [tilespmem:s17+$0x14020]  }
0x1ff: {  	v46 =	vperm.xlane v22, v4;
	v33 =	vmul.f32 v36, v40;
	v29 =	vld [tilespmem:s17+$0x14120]  }
0x200: {  	v38 =	vperm.xlane v20, v4;
	v26 =	vadd.s32 v2, v61  }
0x201: {  	v28 =	vadd.s32 v2, v39;
	[tilespmem:v31+s3+$0x0] =	vst.idx.add.f32.msk $0xffff, v33;
	v31 =	vmul.f32 v43, v46  }
0x202: {  	v41 =	vperm.xlane v21, v4  }
0x203: {  	[tilespmem:v45+s3+$0x0] =	vst.idx.add.f32.msk $0xffff, v31;
	v27 =	vmul.f32 v27, v38  }
0x204: {  	v53 =	vld [tilespmem:s17+$0x14230];
	v29 =	vmul.f32 v29, v41  }
0x205: {  	v52 =	vperm.xlane v25, v5;
	[tilespmem:v26+s3+$0x0] =	vst.idx.add.f32.msk $0xffff, v27  }
0x206: {  	[tilespmem:v28+s3+$0x0] =	vst.idx.add.f32.msk $0xffff, v29  }
0x207: {  	v44 =	vperm.xlane v23, v5;
	v56 =	vadd.s32 v2, v52;
	v27 =	vld [tilespmem:s17+$0x14030]  }
0x208: {  	v48 =	vperm.xlane v24, v5;
	v58 =	vperm.xlane v22, v5;
	v29 =	vld [tilespmem:s17+$0x14130]  }
0x209: {  	v26 =	vadd.s32 v2, v44  }
0x20a: {  	v47 =	vperm.xlane v20, v5;
	v32 =	vmul.f32 v53, v58;
	v28 =	vadd.s32 v2, v48  }
0x20b: {  	v51 =	vperm.xlane v21, v5;
	v50 =	vld [tilespmem:s17+$0x13F70]  }
0x20c: {  	v49 =	vperm.xlane v19, v9;
	[tilespmem:v56+s3+$0x0] =	vst.idx.add.f32.msk $0xffff, v32;
	v27 =	vmul.f32 v27, v47  }
0x20d: {  	v32 =	vld [tilespmem:s17+$0x14240];
	v29 =	vmul.f32 v29, v51  }
0x20e: {  	v62 =	vperm.xlane v25, v6;
	v33 =	vadd.s32 v2, v49;
	[tilespmem:v26+s3+$0x0] =	vst.idx.add.f32.msk $0xffff, v27  }
0x20f: {  	v54 =	vperm.xlane v18, v9;
	[tilespmem:v28+s3+$0x0] =	vst.idx.add.f32.msk $0xffff, v29  }
0x210: {  	v55 =	vperm.xlane v23, v6;
	v60 =	vperm.xlane v24, v6;
	v36 =	vadd.s32 v2, v62;
	v27 =	vld [tilespmem:s17+$0x14040]  }
0x211: {  	v57 =	vmul.f32 v50, v54;
	v38 =	vperm.xlane v22, v6;
	v29 =	vld [tilespmem:s17+$0x14140]  }
0x212: {  	v59 =	vperm.xlane v20, v6;
	v26 =	vadd.s32 v2, v55  }
0x213: {  	[tilespmem:v33+s3+$0x0] =	vst.idx.add.f32.msk $0xffff, v57;
	v32 =	vmul.f32 v32, v38;
	v28 =	vadd.s32 v2, v60  }
0x214: {  	v61 =	vperm.xlane v21, v6;
	v33 =	vld [tilespmem:s17+$0x13F80]  }
0x215: {  	v37 =	vperm.xlane v19, v10;
	[tilespmem:v36+s3+$0x0] =	vst.idx.add.f32.msk $0xffff, v32;
	v27 =	vmul.f32 v27, v59  }
0x216: {  	v44 =	vld [tilespmem:s17+$0x14250];
	v29 =	vmul.f32 v29, v61  }
0x217: {  	v43 =	vperm.xlane v25, v7;
	v31 =	vadd.s32 v2, v37;
	[tilespmem:v26+s3+$0x0] =	vst.idx.add.f32.msk $0xffff, v27  }
0x218: {  	v41 =	vperm.xlane v18, v10;
	[tilespmem:v28+s3+$0x0] =	vst.idx.add.f32.msk $0xffff, v29  }
0x219: {  	v63 =	vperm.xlane v23, v7;
	v40 =	vperm.xlane v24, v7;
	v46 =	vadd.s32 v2, v43;
	v27 =	vld [tilespmem:s17+$0x14050]  }
0x21a: {  	v33 =	vmul.f32 v33, v41;
	v47 =	vperm.xlane v22, v7;
	v29 =	vld [tilespmem:s17+$0x14150]  }
0x21b: {  	v39 =	vperm.xlane v20, v7;
	v26 =	vadd.s32 v2, v63  }
0x21c: {  	[tilespmem:v31+s3+$0x0] =	vst.idx.add.f32.msk $0xffff, v33;
	v31 =	vmul.f32 v44, v47;
	v28 =	vadd.s32 v2, v40  }
0x21d: {  	v42 =	vperm.xlane v21, v7  }
0x21e: {  	[tilespmem:v46+s3+$0x0] =	vst.idx.add.f32.msk $0xffff, v31;
	v27 =	vmul.f32 v27, v39  }
0x21f: {  	v54 =	vld [tilespmem:s17+$0x14260];
	v29 =	vmul.f32 v29, v42  }
0x220: {  	v53 =	vperm.xlane v25, v8;
	[tilespmem:v26+s3+$0x0] =	vst.idx.add.f32.msk $0xffff, v27  }
0x221: {  	[tilespmem:v28+s3+$0x0] =	vst.idx.add.f32.msk $0xffff, v29  }
0x222: {  	v45 =	vperm.xlane v23, v8;
	v57 =	vadd.s32 v2, v53;
	v27 =	vld [tilespmem:s17+$0x14060]  }
0x223: {  	v49 =	vperm.xlane v24, v8;
	v59 =	vperm.xlane v22, v8;
	v29 =	vld [tilespmem:s17+$0x14160]  }
0x224: {  	v26 =	vadd.s32 v2, v45  }
0x225: {  	v48 =	vperm.xlane v20, v8;
	v32 =	vmul.f32 v54, v59;
	v28 =	vadd.s32 v2, v49  }
0x226: {  	v52 =	vperm.xlane v21, v8;
	v50 =	vperm.xlane v19, v11;
	v51 =	vld [tilespmem:s17+$0x13F90]  }
0x227: {  	[tilespmem:v57+s3+$0x0] =	vst.idx.add.f32.msk $0xffff, v32;
	v27 =	vmul.f32 v27, v48  }
0x228: {  	v33 =	vadd.s32 v2, v50;
	v32 =	vld [tilespmem:s17+$0x14270];
	v29 =	vmul.f32 v29, v52  }
0x229: {  	v55 =	vperm.xlane v18, v11;
	v63 =	vperm.xlane v25, v9;
	[tilespmem:v26+s3+$0x0] =	vst.idx.add.f32.msk $0xffff, v27  }
0x22a: {  	[tilespmem:v28+s3+$0x0] =	vst.idx.add.f32.msk $0xffff, v29  }
0x22b: {  	v56 =	vperm.xlane v23, v9;
	v58 =	vmul.f32 v51, v55;
	v37 =	vadd.s32 v2, v63;
	v27 =	vld [tilespmem:s17+$0x14070]  }
0x22c: {  	v61 =	vperm.xlane v24, v9;
	v39 =	vperm.xlane v22, v9;
	v29 =	vld [tilespmem:s17+$0x14170]  }
0x22d: {  	v60 =	vperm.xlane v20, v9;
	v26 =	vadd.s32 v2, v56  }
0x22e: {  	[tilespmem:v33+s3+$0x0] =	vst.idx.add.f32.msk $0xffff, v58;
	v32 =	vmul.f32 v32, v39;
	v28 =	vadd.s32 v2, v61  }
0x22f: {  	v62 =	vperm.xlane v21, v9;
	v33 =	vld [tilespmem:s17+$0x13FA0]  }
0x230: {  	v38 =	vperm.xlane v19, v12;
	[tilespmem:v37+s3+$0x0] =	vst.idx.add.f32.msk $0xffff, v32;
	v27 =	vmul.f32 v27, v60  }
0x231: {  	v45 =	vld [tilespmem:s17+$0x14280];
	v29 =	vmul.f32 v29, v62  }
0x232: {  	v44 =	vperm.xlane v25, v10;
	v31 =	vadd.s32 v2, v38;
	[tilespmem:v26+s3+$0x0] =	vst.idx.add.f32.msk $0xffff, v27  }
0x233: {  	v42 =	vperm.xlane v18, v12;
	[tilespmem:v28+s3+$0x0] =	vst.idx.add.f32.msk $0xffff, v29  }
0x234: {  	v41 =	vperm.xlane v24, v10;
	v36 =	vperm.xlane v23, v10;
	v47 =	vadd.s32 v2, v44;
	v27 =	vld [tilespmem:s17+$0x14080]  }
0x235: {  	v33 =	vmul.f32 v33, v42;
	v48 =	vperm.xlane v22, v10;
	v29 =	vld [tilespmem:s17+$0x14180]  }
0x236: {  	v40 =	vperm.xlane v20, v10;
	v26 =	vadd.s32 v2, v36  }
0x237: {  	[tilespmem:v31+s3+$0x0] =	vst.idx.add.f32.msk $0xffff, v33;
	v31 =	vmul.f32 v45, v48;
	v28 =	vadd.s32 v2, v41  }
0x238: {  	v43 =	vperm.xlane v21, v10  }
0x239: {  	[tilespmem:v47+s3+$0x0] =	vst.idx.add.f32.msk $0xffff, v31;
	v27 =	vmul.f32 v27, v40  }
0x23a: {  	v55 =	vld [tilespmem:s17+$0x14290];
	v29 =	vmul.f32 v29, v43  }
0x23b: {  	v54 =	vperm.xlane v25, v11;
	[tilespmem:v26+s3+$0x0] =	vst.idx.add.f32.msk $0xffff, v27  }
0x23c: {  	[tilespmem:v28+s3+$0x0] =	vst.idx.add.f32.msk $0xffff, v29  }
0x23d: {  	v46 =	vperm.xlane v23, v11;
	v58 =	vadd.s32 v2, v54;
	v27 =	vld [tilespmem:s17+$0x14090]  }
0x23e: {  	v50 =	vperm.xlane v24, v11;
	v60 =	vperm.xlane v22, v11;
	v29 =	vld [tilespmem:s17+$0x14190]  }
0x23f: {  	v26 =	vadd.s32 v2, v46  }
0x240: {  	v49 =	vperm.xlane v20, v11;
	v32 =	vmul.f32 v55, v60;
	v28 =	vadd.s32 v2, v50  }
0x241: {  	v53 =	vperm.xlane v21, v11;
	v51 =	vperm.xlane v19, v13;
	v52 =	vld [tilespmem:s17+$0x13FB0]  }
0x242: {  	[tilespmem:v58+s3+$0x0] =	vst.idx.add.f32.msk $0xffff, v32;
	v27 =	vmul.f32 v27, v49  }
0x243: {  	v33 =	vadd.s32 v2, v51;
	v32 =	vld [tilespmem:s17+$0x142A0];
	v29 =	vmul.f32 v29, v53  }
0x244: {  	v56 =	vperm.xlane v18, v13;
	v36 =	vperm.xlane v25, v12;
	[tilespmem:v26+s3+$0x0] =	vst.idx.add.f32.msk $0xffff, v27  }
0x245: {  	[tilespmem:v28+s3+$0x0] =	vst.idx.add.f32.msk $0xffff, v29  }
0x246: {  	v57 =	vperm.xlane v23, v12;
	v59 =	vmul.f32 v52, v56;
	v38 =	vadd.s32 v2, v36;
	v27 =	vld [tilespmem:s17+$0x140A0]  }
0x247: {  	v62 =	vperm.xlane v24, v12;
	v40 =	vperm.xlane v22, v12;
	v29 =	vld [tilespmem:s17+$0x141A0]  }
0x248: {  	v61 =	vperm.xlane v20, v12;
	v26 =	vadd.s32 v2, v57  }
0x249: {  	[tilespmem:v33+s3+$0x0] =	vst.idx.add.f32.msk $0xffff, v59;
	v32 =	vmul.f32 v32, v40;
	v28 =	vadd.s32 v2, v62  }
0x24a: {  	v63 =	vperm.xlane v21, v12;
	v33 =	vld [tilespmem:s17+$0x13FC0]  }
0x24b: {  	v39 =	vperm.xlane v19, v14;
	[tilespmem:v38+s3+$0x0] =	vst.idx.add.f32.msk $0xffff, v32;
	v27 =	vmul.f32 v27, v61  }
0x24c: {  	v46 =	vld [tilespmem:s17+$0x142B0];
	v29 =	vmul.f32 v29, v63  }
0x24d: {  	v45 =	vperm.xlane v25, v13;
	v31 =	vadd.s32 v2, v39;
	[tilespmem:v26+s3+$0x0] =	vst.idx.add.f32.msk $0xffff, v27  }
0x24e: {  	v43 =	vperm.xlane v18, v14;
	[tilespmem:v28+s3+$0x0] =	vst.idx.add.f32.msk $0xffff, v29  }
0x24f: {  	v42 =	vperm.xlane v24, v13;
	v37 =	vperm.xlane v23, v13;
	v48 =	vadd.s32 v2, v45;
	v27 =	vld [tilespmem:s17+$0x140B0]  }
0x250: {  	v33 =	vmul.f32 v33, v43;
	v49 =	vperm.xlane v22, v13;
	v29 =	vld [tilespmem:s17+$0x141B0]  }
0x251: {  	v41 =	vperm.xlane v20, v13;
	v26 =	vadd.s32 v2, v37  }
0x252: {  	[tilespmem:v31+s3+$0x0] =	vst.idx.add.f32.msk $0xffff, v33;
	v31 =	vmul.f32 v46, v49;
	v28 =	vadd.s32 v2, v42  }
0x253: {  	v44 =	vperm.xlane v21, v13  }
0x254: {  	[tilespmem:v48+s3+$0x0] =	vst.idx.add.f32.msk $0xffff, v31;
	v27 =	vmul.f32 v27, v41  }
0x255: {  	v55 =	vperm.xlane v25, v14;
	v56 =	vld [tilespmem:s17+$0x142C0];
	v29 =	vmul.f32 v29, v44  }
0x256: {  	[tilespmem:v26+s3+$0x0] =	vst.idx.add.f32.msk $0xffff, v27  }
0x257: {  	v58 =	vadd.s32 v2, v55;
	[tilespmem:v28+s3+$0x0] =	vst.idx.add.f32.msk $0xffff, v29  }
0x258: {  	v47 =	vperm.xlane v23, v14;
	v60 =	vperm.xlane v22, v14;
	v27 =	vld [tilespmem:s17+$0x140C0]  }
0x259: {  	v51 =	vperm.xlane v24, v14;
	v29 =	vld [tilespmem:s17+$0x141C0]  }
0x25a: {  	v32 =	vmul.f32 v56, v60;
	v26 =	vadd.s32 v2, v47  }
0x25b: {  	v50 =	vperm.xlane v20, v14;
	v28 =	vadd.s32 v2, v51  }
0x25c: {  	v54 =	vperm.xlane v21, v14;
	[tilespmem:v58+s3+$0x0] =	vst.idx.add.f32.msk $0xffff, v32  }
0x25d: {  	v40 =	vperm.xlane v25, v15;
	v32 =	vld [tilespmem:s17+$0x142D0];
	v27 =	vmul.f32 v27, v50  }
0x25e: {  	v52 =	vperm.xlane v19, v15;
	v53 =	vld [tilespmem:s17+$0x13FD0];
	v29 =	vmul.f32 v29, v54  }
0x25f: {  	v42 =	vadd.s32 v2, v40;
	[tilespmem:v26+s3+$0x0] =	vst.idx.add.f32.msk $0xffff, v27  }
0x260: {  	v45 =	vperm.xlane v22, v15;
	v33 =	vadd.s32 v2, v52;
	[tilespmem:v28+s3+$0x0] =	vst.idx.add.f32.msk $0xffff, v29  }
0x261: {  	v59 =	vperm.xlane v23, v15;
	v57 =	vperm.xlane v18, v15;
	v27 =	vld [tilespmem:s17+$0x140D0]  }
0x262: {  	v63 =	vperm.xlane v24, v15;
	v31 =	vmul.f32 v32, v45;
	v36 =	vld [tilespmem:s17+$0x141D0]  }
0x263: {  	v62 =	vadd.s32 v2, v59;
	v26 =	vmul.f32 v53, v57  }
0x264: {  	v61 =	vperm.xlane v20, v15;
	v38 =	vadd.s32 v2, v63;
	[tilespmem:v42+s3+$0x0] =	vst.idx.add.f32.msk $0xffff, v31  }
0x265: {  	v39 =	vperm.xlane v21, v15;
	[tilespmem:v33+s3+$0x0] =	vst.idx.add.f32.msk $0xffff, v26  }
0x266: {  	v55 =	vperm.xlane v25, v16;
	v56 =	vld [tilespmem:s17+$0x142E0];
	v37 =	vmul.f32 v27, v61  }
0x267: {  	v43 =	vperm.xlane v19, v16;
	v33 =	vld [tilespmem:s17+$0x13FE0];
	v41 =	vmul.f32 v36, v39  }
0x268: {  	v58 =	vadd.s32 v2, v55;
	[tilespmem:v62+s3+$0x0] =	vst.idx.add.f32.msk $0xffff, v37  }
0x269: {  	v59 =	vperm.xlane v22, v16;
	v48 =	vadd.s32 v2, v43;
	[tilespmem:v38+s3+$0x0] =	vst.idx.add.f32.msk $0xffff, v41  }
0x26a: {  	v46 =	vperm.xlane v18, v16;
	v47 =	vperm.xlane v23, v16;
	v44 =	vld [tilespmem:s17+$0x140E0]  }
0x26b: {  	v49 =	vperm.xlane v24, v16;
	v61 =	vmul.f32 v56, v59;
	v50 =	vld [tilespmem:s17+$0x141E0]  }
0x26c: {  	v52 =	vadd.s32 v2, v47;
	v51 =	vmul.f32 v33, v46  }
0x26d: {  	v53 =	vperm.xlane v20, v16;
	v27 =	vadd.s32 v2, v49;
	[tilespmem:v58+s3+$0x0] =	vst.idx.add.f32.msk $0xffff, v61  }
0x26e: {  	v54 =	vperm.xlane v21, v16;
	[tilespmem:v48+s3+$0x0] =	vst.idx.add.f32.msk $0xffff, v51  }
0x26f: {  	v28 =	vld [tilespmem:s17+$0x142F0];
	v30 =	vmul.f32 v44, v53  }
0x270: {  	v19 =	vperm.xlane v19, v17;
	v60 =	vld [tilespmem:s17+$0x13FF0];
	v57 =	vmul.f32 v50, v54  }
0x271: {  	[tilespmem:v52+s3+$0x0] =	vst.idx.add.f32.msk $0xffff, v30  }
0x272: {  	v19 =	vadd.s32 v2, v19;
	v25 =	vperm.xlane v25, v17;
	[tilespmem:v27+s3+$0x0] =	vst.idx.add.f32.msk $0xffff, v57  }
0x273: {  	v18 =	vperm.xlane v18, v17;
	v23 =	vperm.xlane v23, v17;
	v62 =	vld [tilespmem:s17+$0x140F0]  }
0x274: {  	v25 =	vadd.s32 v2, v25;
	v24 =	vperm.xlane v24, v17;
	v63 =	vld [tilespmem:s17+$0x141F0]  }
0x275: {  	v22 =	vperm.xlane v22, v17;
	v23 =	vadd.s32 v2, v23;
	v18 =	vmul.f32 v60, v18  }
0x276: {  	p1 =	por p0, p0;
	v24 =	vadd.s32 v2, v24;
	v20 =	vperm.xlane v20, v17  }
.Ltmp4:
0x277: {  	v21 =	vperm.xlane v21, v17;
	[tilespmem:v19+s3+$0x0] =	vst.idx.add.f32.msk $0xffff, v18;
	v19 =	vmul.f32 v28, v22;
	(pc) =	sbr.rel @p1 .LBB2_10-.Ltmp4, $4  }
0x278: {  	v20 =	vmul.f32 v62, v20  }
0x279: {  	[tilespmem:v25+s3+$0x0] =	vst.idx.add.f32.msk $0xffff, v19;
	v18 =	vmul.f32 v63, v21  }
0x27a: {  	[tilespmem:v23+s3+$0x0] =	vst.idx.add.f32.msk $0xffff, v20  }
0x27b: {  	p0 =	por $0x0, $0x0;
	s17 =	simm.s32 $0x4;
	[tilespmem:v24+s3+$0x0] =	vst.idx.add.f32.msk $0xffff, v18  }
0x27c: {  	_ =	swait.ge [sflag:s13], $0x800  }
0x27d: {  	[sflag:s13] =	ssyncset.done $0x0  }
0x27e: {  	s17 =	simm.s32 $0x0;
	p0 =	por $0x1, $0x1;
	[sflag:s13] =	ssyncadd.s32 $0xFFFFF800  }
.LBB2_12:
0x27f: {  	s18 =	sshll.u32 s17, $0x4  }
0x280: {  	s18 =	sand.u32 $0x3FFFFFF0, s18  }
0x281: {  	v19 =	vld [tilespmem:s18+$0x13E00];
	_ =	sdelay $0x2  }
0x282: {  	s31 =	sshll.u32 s17, $0x8;
	v18 =	vld [tilespmem:s18+$0x13E80]  }
0x283: {  	s17 =	sand.u32 $0x3FFFFF00, s31  }
0x284: {  	v21 =	vld [tilespmem:s17+$0x14700];
	v20 =	vperm.xlane v19, v1;
	_ =	sdelay $0x1  }
0x285: {  	v20 =	vadd.s32 v2, v20  }
0x286: {  	v22 =	vperm.xlane v18, v1;
	_ =	sdelay $0x1  }
0x287: {  	v21 =	vmul.f32 v21, v22;
	_ =	sdelay $0x1  }
0x288: {  	[tilespmem:v20+s3+$0x0] =	vst.idx.add.f32.msk $0xffff, v21  }
0x289: {  	v40 =	vperm.xlane v19, v3;
	v21 =	vld [tilespmem:s17+$0x14710];
	_ =	sdelay $0x1  }
0x28a: {  	v20 =	vadd.s32 v2, v40  }
0x28b: {  	v41 =	vperm.xlane v18, v3;
	_ =	sdelay $0x1  }
0x28c: {  	v21 =	vmul.f32 v21, v41;
	_ =	sdelay $0x1  }
0x28d: {  	[tilespmem:v20+s3+$0x0] =	vst.idx.add.f32.msk $0xffff, v21  }
0x28e: {  	v42 =	vperm.xlane v19, v4;
	v21 =	vld [tilespmem:s17+$0x14720];
	_ =	sdelay $0x1  }
0x28f: {  	v20 =	vadd.s32 v2, v42  }
0x290: {  	v43 =	vperm.xlane v18, v4;
	_ =	sdelay $0x1  }
0x291: {  	v21 =	vmul.f32 v21, v43;
	_ =	sdelay $0x1  }
0x292: {  	[tilespmem:v20+s3+$0x0] =	vst.idx.add.f32.msk $0xffff, v21  }
0x293: {  	v44 =	vperm.xlane v19, v5;
	v21 =	vld [tilespmem:s17+$0x14730];
	_ =	sdelay $0x1  }
0x294: {  	v20 =	vadd.s32 v2, v44  }
0x295: {  	v45 =	vperm.xlane v18, v5;
	_ =	sdelay $0x1  }
0x296: {  	v21 =	vmul.f32 v21, v45;
	_ =	sdelay $0x1  }
0x297: {  	[tilespmem:v20+s3+$0x0] =	vst.idx.add.f32.msk $0xffff, v21  }
0x298: {  	v46 =	vperm.xlane v19, v6;
	v21 =	vld [tilespmem:s17+$0x14740];
	_ =	sdelay $0x1  }
0x299: {  	v25 =	vld [tilespmem:s18+$0x13E30];
	v20 =	vadd.s32 v2, v46  }
0x29a: {  	v23 =	vld [tilespmem:s18+$0x13E10];
	v47 =	vperm.xlane v18, v6  }
0x29b: {  	v24 =	vld [tilespmem:s18+$0x13E20]  }
0x29c: {  	v22 =	vld [tilespmem:s18+$0x13EB0];
	v21 =	vmul.f32 v21, v47  }
0x29d: {  	v34 =	vld [tilespmem:s17+$0x14A00]  }
0x29e: {  	v33 =	vperm.xlane v25, v1;
	[tilespmem:v20+s3+$0x0] =	vst.idx.add.f32.msk $0xffff, v21  }
0x29f: {  	v20 =	vld [tilespmem:s18+$0x13E90]  }
0x2a0: {  	v52 =	vadd.s32 v2, v33;
	v21 =	vld [tilespmem:s18+$0x13EA0]  }
0x2a1: {  	v26 =	vld [tilespmem:s17+$0x14800];
	v48 =	vperm.xlane v23, v1;
	v53 =	vperm.xlane v22, v1  }
0x2a2: {  	v31 =	vld [tilespmem:s17+$0x14900];
	v30 =	vperm.xlane v24, v1  }
0x2a3: {  	v28 =	vadd.s32 v2, v48;
	v33 =	vmul.f32 v34, v53  }
0x2a4: {  	v49 =	vadd.s32 v2, v30;
	v29 =	vperm.xlane v20, v1  }
0x2a5: {  	[tilespmem:v52+s3+$0x0] =	vst.idx.add.f32.msk $0xffff, v33;
	v50 =	vperm.xlane v21, v1  }
0x2a6: {  	v32 =	vperm.xlane v19, v7;
	v27 =	vld [tilespmem:s17+$0x14750];
	v26 =	vmul.f32 v26, v29  }
0x2a7: {  	v60 =	vld [tilespmem:s17+$0x14A10];
	v30 =	vmul.f32 v31, v50  }
0x2a8: {  	v59 =	vperm.xlane v25, v3;
	v32 =	vadd.s32 v2, v32;
	[tilespmem:v28+s3+$0x0] =	vst.idx.add.f32.msk $0xffff, v26  }
0x2a9: {  	v35 =	vperm.xlane v18, v7;
	[tilespmem:v49+s3+$0x0] =	vst.idx.add.f32.msk $0xffff, v30  }
0x2aa: {  	v51 =	vperm.xlane v23, v3;
	v55 =	vperm.xlane v24, v3;
	v62 =	vadd.s32 v2, v59;
	v28 =	vld [tilespmem:s17+$0x14810]  }
0x2ab: {  	v37 =	vperm.xlane v22, v3;
	v27 =	vmul.f32 v27, v35;
	v30 =	vld [tilespmem:s17+$0x14910]  }
0x2ac: {  	v57 =	vadd.s32 v2, v55;
	v26 =	vadd.s32 v2, v51  }
0x2ad: {  	v54 =	vperm.xlane v20, v3;
	[tilespmem:v32+s3+$0x0] =	vst.idx.add.f32.msk $0xffff, v27;
	v32 =	vmul.f32 v60, v37  }
0x2ae: {  	v58 =	vperm.xlane v21, v3;
	v36 =	vld [tilespmem:s17+$0x14760]  }
0x2af: {  	v63 =	vperm.xlane v19, v8;
	[tilespmem:v62+s3+$0x0] =	vst.idx.add.f32.msk $0xffff, v32;
	v56 =	vmul.f32 v28, v54  }
0x2b0: {  	v43 =	vld [tilespmem:s17+$0x14A20];
	v29 =	vmul.f32 v30, v58  }
0x2b1: {  	v42 =	vperm.xlane v25, v4;
	v31 =	vadd.s32 v2, v63;
	[tilespmem:v26+s3+$0x0] =	vst.idx.add.f32.msk $0xffff, v56  }
0x2b2: {  	v40 =	vperm.xlane v18, v8;
	[tilespmem:v57+s3+$0x0] =	vst.idx.add.f32.msk $0xffff, v29  }
0x2b3: {  	v61 =	vperm.xlane v23, v4;
	v39 =	vperm.xlane v24, v4;
	v45 =	vadd.s32 v2, v42;
	v27 =	vld [tilespmem:s17+$0x14820]  }
0x2b4: {  	v46 =	vperm.xlane v22, v4;
	v33 =	vmul.f32 v36, v40;
	v29 =	vld [tilespmem:s17+$0x14920]  }
0x2b5: {  	v38 =	vperm.xlane v20, v4;
	v26 =	vadd.s32 v2, v61  }
0x2b6: {  	v28 =	vadd.s32 v2, v39;
	[tilespmem:v31+s3+$0x0] =	vst.idx.add.f32.msk $0xffff, v33;
	v31 =	vmul.f32 v43, v46  }
0x2b7: {  	v41 =	vperm.xlane v21, v4  }
0x2b8: {  	[tilespmem:v45+s3+$0x0] =	vst.idx.add.f32.msk $0xffff, v31;
	v27 =	vmul.f32 v27, v38  }
0x2b9: {  	v53 =	vld [tilespmem:s17+$0x14A30];
	v29 =	vmul.f32 v29, v41  }
0x2ba: {  	v52 =	vperm.xlane v25, v5;
	[tilespmem:v26+s3+$0x0] =	vst.idx.add.f32.msk $0xffff, v27  }
0x2bb: {  	[tilespmem:v28+s3+$0x0] =	vst.idx.add.f32.msk $0xffff, v29  }
0x2bc: {  	v44 =	vperm.xlane v23, v5;
	v56 =	vadd.s32 v2, v52;
	v27 =	vld [tilespmem:s17+$0x14830]  }
0x2bd: {  	v48 =	vperm.xlane v24, v5;
	v58 =	vperm.xlane v22, v5;
	v29 =	vld [tilespmem:s17+$0x14930]  }
0x2be: {  	v26 =	vadd.s32 v2, v44  }
0x2bf: {  	v47 =	vperm.xlane v20, v5;
	v32 =	vmul.f32 v53, v58;
	v28 =	vadd.s32 v2, v48  }
0x2c0: {  	v51 =	vperm.xlane v21, v5;
	v50 =	vld [tilespmem:s17+$0x14770]  }
0x2c1: {  	v49 =	vperm.xlane v19, v9;
	[tilespmem:v56+s3+$0x0] =	vst.idx.add.f32.msk $0xffff, v32;
	v27 =	vmul.f32 v27, v47  }
0x2c2: {  	v32 =	vld [tilespmem:s17+$0x14A40];
	v29 =	vmul.f32 v29, v51  }
0x2c3: {  	v62 =	vperm.xlane v25, v6;
	v33 =	vadd.s32 v2, v49;
	[tilespmem:v26+s3+$0x0] =	vst.idx.add.f32.msk $0xffff, v27  }
0x2c4: {  	v54 =	vperm.xlane v18, v9;
	[tilespmem:v28+s3+$0x0] =	vst.idx.add.f32.msk $0xffff, v29  }
0x2c5: {  	v55 =	vperm.xlane v23, v6;
	v60 =	vperm.xlane v24, v6;
	v36 =	vadd.s32 v2, v62;
	v27 =	vld [tilespmem:s17+$0x14840]  }
0x2c6: {  	v57 =	vmul.f32 v50, v54;
	v38 =	vperm.xlane v22, v6;
	v29 =	vld [tilespmem:s17+$0x14940]  }
0x2c7: {  	v59 =	vperm.xlane v20, v6;
	v26 =	vadd.s32 v2, v55  }
0x2c8: {  	[tilespmem:v33+s3+$0x0] =	vst.idx.add.f32.msk $0xffff, v57;
	v32 =	vmul.f32 v32, v38;
	v28 =	vadd.s32 v2, v60  }
0x2c9: {  	v61 =	vperm.xlane v21, v6;
	v33 =	vld [tilespmem:s17+$0x14780]  }
0x2ca: {  	v37 =	vperm.xlane v19, v10;
	[tilespmem:v36+s3+$0x0] =	vst.idx.add.f32.msk $0xffff, v32;
	v27 =	vmul.f32 v27, v59  }
0x2cb: {  	v44 =	vld [tilespmem:s17+$0x14A50];
	v29 =	vmul.f32 v29, v61  }
0x2cc: {  	v43 =	vperm.xlane v25, v7;
	v31 =	vadd.s32 v2, v37;
	[tilespmem:v26+s3+$0x0] =	vst.idx.add.f32.msk $0xffff, v27  }
0x2cd: {  	v41 =	vperm.xlane v18, v10;
	[tilespmem:v28+s3+$0x0] =	vst.idx.add.f32.msk $0xffff, v29  }
0x2ce: {  	v63 =	vperm.xlane v23, v7;
	v40 =	vperm.xlane v24, v7;
	v46 =	vadd.s32 v2, v43;
	v27 =	vld [tilespmem:s17+$0x14850]  }
0x2cf: {  	v33 =	vmul.f32 v33, v41;
	v47 =	vperm.xlane v22, v7;
	v29 =	vld [tilespmem:s17+$0x14950]  }
0x2d0: {  	v39 =	vperm.xlane v20, v7;
	v26 =	vadd.s32 v2, v63  }
0x2d1: {  	[tilespmem:v31+s3+$0x0] =	vst.idx.add.f32.msk $0xffff, v33;
	v31 =	vmul.f32 v44, v47;
	v28 =	vadd.s32 v2, v40  }
0x2d2: {  	v42 =	vperm.xlane v21, v7  }
0x2d3: {  	[tilespmem:v46+s3+$0x0] =	vst.idx.add.f32.msk $0xffff, v31;
	v27 =	vmul.f32 v27, v39  }
0x2d4: {  	v54 =	vld [tilespmem:s17+$0x14A60];
	v29 =	vmul.f32 v29, v42  }
0x2d5: {  	v53 =	vperm.xlane v25, v8;
	[tilespmem:v26+s3+$0x0] =	vst.idx.add.f32.msk $0xffff, v27  }
0x2d6: {  	[tilespmem:v28+s3+$0x0] =	vst.idx.add.f32.msk $0xffff, v29  }
0x2d7: {  	v45 =	vperm.xlane v23, v8;
	v57 =	vadd.s32 v2, v53;
	v27 =	vld [tilespmem:s17+$0x14860]  }
0x2d8: {  	v49 =	vperm.xlane v24, v8;
	v59 =	vperm.xlane v22, v8;
	v29 =	vld [tilespmem:s17+$0x14960]  }
0x2d9: {  	v26 =	vadd.s32 v2, v45  }
0x2da: {  	v48 =	vperm.xlane v20, v8;
	v32 =	vmul.f32 v54, v59;
	v28 =	vadd.s32 v2, v49  }
0x2db: {  	v52 =	vperm.xlane v21, v8;
	v50 =	vperm.xlane v19, v11;
	v51 =	vld [tilespmem:s17+$0x14790]  }
0x2dc: {  	[tilespmem:v57+s3+$0x0] =	vst.idx.add.f32.msk $0xffff, v32;
	v27 =	vmul.f32 v27, v48  }
0x2dd: {  	v33 =	vadd.s32 v2, v50;
	v32 =	vld [tilespmem:s17+$0x14A70];
	v29 =	vmul.f32 v29, v52  }
0x2de: {  	v55 =	vperm.xlane v18, v11;
	v63 =	vperm.xlane v25, v9;
	[tilespmem:v26+s3+$0x0] =	vst.idx.add.f32.msk $0xffff, v27  }
0x2df: {  	[tilespmem:v28+s3+$0x0] =	vst.idx.add.f32.msk $0xffff, v29  }
0x2e0: {  	v56 =	vperm.xlane v23, v9;
	v58 =	vmul.f32 v51, v55;
	v37 =	vadd.s32 v2, v63;
	v27 =	vld [tilespmem:s17+$0x14870]  }
0x2e1: {  	v61 =	vperm.xlane v24, v9;
	v39 =	vperm.xlane v22, v9;
	v29 =	vld [tilespmem:s17+$0x14970]  }
0x2e2: {  	v60 =	vperm.xlane v20, v9;
	v26 =	vadd.s32 v2, v56  }
0x2e3: {  	[tilespmem:v33+s3+$0x0] =	vst.idx.add.f32.msk $0xffff, v58;
	v32 =	vmul.f32 v32, v39;
	v28 =	vadd.s32 v2, v61  }
0x2e4: {  	v62 =	vperm.xlane v21, v9;
	v33 =	vld [tilespmem:s17+$0x147A0]  }
0x2e5: {  	v38 =	vperm.xlane v19, v12;
	[tilespmem:v37+s3+$0x0] =	vst.idx.add.f32.msk $0xffff, v32;
	v27 =	vmul.f32 v27, v60  }
0x2e6: {  	v45 =	vld [tilespmem:s17+$0x14A80];
	v29 =	vmul.f32 v29, v62  }
0x2e7: {  	v44 =	vperm.xlane v25, v10;
	v31 =	vadd.s32 v2, v38;
	[tilespmem:v26+s3+$0x0] =	vst.idx.add.f32.msk $0xffff, v27  }
0x2e8: {  	v42 =	vperm.xlane v18, v12;
	[tilespmem:v28+s3+$0x0] =	vst.idx.add.f32.msk $0xffff, v29  }
0x2e9: {  	v41 =	vperm.xlane v24, v10;
	v36 =	vperm.xlane v23, v10;
	v47 =	vadd.s32 v2, v44;
	v27 =	vld [tilespmem:s17+$0x14880]  }
0x2ea: {  	v33 =	vmul.f32 v33, v42;
	v48 =	vperm.xlane v22, v10;
	v29 =	vld [tilespmem:s17+$0x14980]  }
0x2eb: {  	v40 =	vperm.xlane v20, v10;
	v26 =	vadd.s32 v2, v36  }
0x2ec: {  	[tilespmem:v31+s3+$0x0] =	vst.idx.add.f32.msk $0xffff, v33;
	v31 =	vmul.f32 v45, v48;
	v28 =	vadd.s32 v2, v41  }
0x2ed: {  	v43 =	vperm.xlane v21, v10  }
0x2ee: {  	[tilespmem:v47+s3+$0x0] =	vst.idx.add.f32.msk $0xffff, v31;
	v27 =	vmul.f32 v27, v40  }
0x2ef: {  	v55 =	vld [tilespmem:s17+$0x14A90];
	v29 =	vmul.f32 v29, v43  }
0x2f0: {  	v54 =	vperm.xlane v25, v11;
	[tilespmem:v26+s3+$0x0] =	vst.idx.add.f32.msk $0xffff, v27  }
0x2f1: {  	[tilespmem:v28+s3+$0x0] =	vst.idx.add.f32.msk $0xffff, v29  }
0x2f2: {  	v46 =	vperm.xlane v23, v11;
	v58 =	vadd.s32 v2, v54;
	v27 =	vld [tilespmem:s17+$0x14890]  }
0x2f3: {  	v50 =	vperm.xlane v24, v11;
	v60 =	vperm.xlane v22, v11;
	v29 =	vld [tilespmem:s17+$0x14990]  }
0x2f4: {  	v26 =	vadd.s32 v2, v46  }
0x2f5: {  	v49 =	vperm.xlane v20, v11;
	v32 =	vmul.f32 v55, v60;
	v28 =	vadd.s32 v2, v50  }
0x2f6: {  	v53 =	vperm.xlane v21, v11;
	v51 =	vperm.xlane v19, v13;
	v52 =	vld [tilespmem:s17+$0x147B0]  }
0x2f7: {  	[tilespmem:v58+s3+$0x0] =	vst.idx.add.f32.msk $0xffff, v32;
	v27 =	vmul.f32 v27, v49  }
0x2f8: {  	v33 =	vadd.s32 v2, v51;
	v32 =	vld [tilespmem:s17+$0x14AA0];
	v29 =	vmul.f32 v29, v53  }
0x2f9: {  	v56 =	vperm.xlane v18, v13;
	v36 =	vperm.xlane v25, v12;
	[tilespmem:v26+s3+$0x0] =	vst.idx.add.f32.msk $0xffff, v27  }
0x2fa: {  	[tilespmem:v28+s3+$0x0] =	vst.idx.add.f32.msk $0xffff, v29  }
0x2fb: {  	v57 =	vperm.xlane v23, v12;
	v59 =	vmul.f32 v52, v56;
	v38 =	vadd.s32 v2, v36;
	v27 =	vld [tilespmem:s17+$0x148A0]  }
0x2fc: {  	v62 =	vperm.xlane v24, v12;
	v40 =	vperm.xlane v22, v12;
	v29 =	vld [tilespmem:s17+$0x149A0]  }
0x2fd: {  	v61 =	vperm.xlane v20, v12;
	v26 =	vadd.s32 v2, v57  }
0x2fe: {  	[tilespmem:v33+s3+$0x0] =	vst.idx.add.f32.msk $0xffff, v59;
	v32 =	vmul.f32 v32, v40;
	v28 =	vadd.s32 v2, v62  }
0x2ff: {  	v63 =	vperm.xlane v21, v12;
	v33 =	vld [tilespmem:s17+$0x147C0]  }
0x300: {  	v39 =	vperm.xlane v19, v14;
	[tilespmem:v38+s3+$0x0] =	vst.idx.add.f32.msk $0xffff, v32;
	v27 =	vmul.f32 v27, v61  }
0x301: {  	v46 =	vld [tilespmem:s17+$0x14AB0];
	v29 =	vmul.f32 v29, v63  }
0x302: {  	v45 =	vperm.xlane v25, v13;
	v31 =	vadd.s32 v2, v39;
	[tilespmem:v26+s3+$0x0] =	vst.idx.add.f32.msk $0xffff, v27  }
0x303: {  	v43 =	vperm.xlane v18, v14;
	[tilespmem:v28+s3+$0x0] =	vst.idx.add.f32.msk $0xffff, v29  }
0x304: {  	v42 =	vperm.xlane v24, v13;
	v37 =	vperm.xlane v23, v13;
	v48 =	vadd.s32 v2, v45;
	v27 =	vld [tilespmem:s17+$0x148B0]  }
0x305: {  	v33 =	vmul.f32 v33, v43;
	v49 =	vperm.xlane v22, v13;
	v29 =	vld [tilespmem:s17+$0x149B0]  }
0x306: {  	v41 =	vperm.xlane v20, v13;
	v26 =	vadd.s32 v2, v37  }
0x307: {  	[tilespmem:v31+s3+$0x0] =	vst.idx.add.f32.msk $0xffff, v33;
	v31 =	vmul.f32 v46, v49;
	v28 =	vadd.s32 v2, v42  }
0x308: {  	v44 =	vperm.xlane v21, v13  }
0x309: {  	[tilespmem:v48+s3+$0x0] =	vst.idx.add.f32.msk $0xffff, v31;
	v27 =	vmul.f32 v27, v41  }
0x30a: {  	v55 =	vperm.xlane v25, v14;
	v56 =	vld [tilespmem:s17+$0x14AC0];
	v29 =	vmul.f32 v29, v44  }
0x30b: {  	[tilespmem:v26+s3+$0x0] =	vst.idx.add.f32.msk $0xffff, v27  }
0x30c: {  	v58 =	vadd.s32 v2, v55;
	[tilespmem:v28+s3+$0x0] =	vst.idx.add.f32.msk $0xffff, v29  }
0x30d: {  	v47 =	vperm.xlane v23, v14;
	v60 =	vperm.xlane v22, v14;
	v27 =	vld [tilespmem:s17+$0x148C0]  }
0x30e: {  	v51 =	vperm.xlane v24, v14;
	v29 =	vld [tilespmem:s17+$0x149C0]  }
0x30f: {  	v32 =	vmul.f32 v56, v60;
	v26 =	vadd.s32 v2, v47  }
0x310: {  	v50 =	vperm.xlane v20, v14;
	v28 =	vadd.s32 v2, v51  }
0x311: {  	v54 =	vperm.xlane v21, v14;
	[tilespmem:v58+s3+$0x0] =	vst.idx.add.f32.msk $0xffff, v32  }
0x312: {  	v40 =	vperm.xlane v25, v15;
	v32 =	vld [tilespmem:s17+$0x14AD0];
	v27 =	vmul.f32 v27, v50  }
0x313: {  	v52 =	vperm.xlane v19, v15;
	v53 =	vld [tilespmem:s17+$0x147D0];
	v29 =	vmul.f32 v29, v54  }
0x314: {  	v42 =	vadd.s32 v2, v40;
	[tilespmem:v26+s3+$0x0] =	vst.idx.add.f32.msk $0xffff, v27  }
0x315: {  	v45 =	vperm.xlane v22, v15;
	v33 =	vadd.s32 v2, v52;
	[tilespmem:v28+s3+$0x0] =	vst.idx.add.f32.msk $0xffff, v29  }
0x316: {  	v59 =	vperm.xlane v23, v15;
	v57 =	vperm.xlane v18, v15;
	v27 =	vld [tilespmem:s17+$0x148D0]  }
0x317: {  	v63 =	vperm.xlane v24, v15;
	v31 =	vmul.f32 v32, v45;
	v36 =	vld [tilespmem:s17+$0x149D0]  }
0x318: {  	v62 =	vadd.s32 v2, v59;
	v26 =	vmul.f32 v53, v57  }
0x319: {  	v61 =	vperm.xlane v20, v15;
	v38 =	vadd.s32 v2, v63;
	[tilespmem:v42+s3+$0x0] =	vst.idx.add.f32.msk $0xffff, v31  }
0x31a: {  	v39 =	vperm.xlane v21, v15;
	[tilespmem:v33+s3+$0x0] =	vst.idx.add.f32.msk $0xffff, v26  }
0x31b: {  	v55 =	vperm.xlane v25, v16;
	v56 =	vld [tilespmem:s17+$0x14AE0];
	v37 =	vmul.f32 v27, v61  }
0x31c: {  	v43 =	vperm.xlane v19, v16;
	v33 =	vld [tilespmem:s17+$0x147E0];
	v41 =	vmul.f32 v36, v39  }
0x31d: {  	v58 =	vadd.s32 v2, v55;
	[tilespmem:v62+s3+$0x0] =	vst.idx.add.f32.msk $0xffff, v37  }
0x31e: {  	v59 =	vperm.xlane v22, v16;
	v48 =	vadd.s32 v2, v43;
	[tilespmem:v38+s3+$0x0] =	vst.idx.add.f32.msk $0xffff, v41  }
0x31f: {  	v46 =	vperm.xlane v18, v16;
	v47 =	vperm.xlane v23, v16;
	v44 =	vld [tilespmem:s17+$0x148E0]  }
0x320: {  	v49 =	vperm.xlane v24, v16;
	v61 =	vmul.f32 v56, v59;
	v50 =	vld [tilespmem:s17+$0x149E0]  }
0x321: {  	v52 =	vadd.s32 v2, v47;
	v51 =	vmul.f32 v33, v46  }
0x322: {  	v53 =	vperm.xlane v20, v16;
	v27 =	vadd.s32 v2, v49;
	[tilespmem:v58+s3+$0x0] =	vst.idx.add.f32.msk $0xffff, v61  }
0x323: {  	v54 =	vperm.xlane v21, v16;
	[tilespmem:v48+s3+$0x0] =	vst.idx.add.f32.msk $0xffff, v51  }
0x324: {  	v28 =	vld [tilespmem:s17+$0x14AF0];
	v30 =	vmul.f32 v44, v53  }
0x325: {  	v19 =	vperm.xlane v19, v17;
	v60 =	vld [tilespmem:s17+$0x147F0];
	v57 =	vmul.f32 v50, v54  }
0x326: {  	[tilespmem:v52+s3+$0x0] =	vst.idx.add.f32.msk $0xffff, v30  }
0x327: {  	v19 =	vadd.s32 v2, v19;
	v25 =	vperm.xlane v25, v17;
	[tilespmem:v27+s3+$0x0] =	vst.idx.add.f32.msk $0xffff, v57  }
0x328: {  	v18 =	vperm.xlane v18, v17;
	v23 =	vperm.xlane v23, v17;
	v62 =	vld [tilespmem:s17+$0x148F0]  }
0x329: {  	v25 =	vadd.s32 v2, v25;
	v24 =	vperm.xlane v24, v17;
	v63 =	vld [tilespmem:s17+$0x149F0]  }
0x32a: {  	v22 =	vperm.xlane v22, v17;
	v23 =	vadd.s32 v2, v23;
	v18 =	vmul.f32 v60, v18  }
0x32b: {  	p1 =	por p0, p0;
	v24 =	vadd.s32 v2, v24;
	v20 =	vperm.xlane v20, v17  }
.Ltmp5:
0x32c: {  	v21 =	vperm.xlane v21, v17;
	[tilespmem:v19+s3+$0x0] =	vst.idx.add.f32.msk $0xffff, v18;
	v19 =	vmul.f32 v28, v22;
	(pc) =	sbr.rel @p1 .LBB2_12-.Ltmp5, $4  }
0x32d: {  	v20 =	vmul.f32 v62, v20  }
0x32e: {  	[tilespmem:v25+s3+$0x0] =	vst.idx.add.f32.msk $0xffff, v19;
	v18 =	vmul.f32 v63, v21  }
0x32f: {  	[tilespmem:v23+s3+$0x0] =	vst.idx.add.f32.msk $0xffff, v20  }
0x330: {  	p0 =	por $0x0, $0x0;
	s17 =	simm.s32 $0x4;
	[tilespmem:v24+s3+$0x0] =	vst.idx.add.f32.msk $0xffff, v18  }
0x331: {  	s16 =	sadd.s32 $0x1, s16  }
0x332: {  	p0 =	sne.s32 s16, s6  }
.Ltmp6:
0x333: {  	_ = 	snop;
	(pc) =	sbr.rel @p0 .LBB2_1-.Ltmp6, $4  }
0x334: {  	[hbm4b:s5+s3] =	stream.linear.scatter [tilespmem:s3], [sflag:$0x4], $0x10000, $0x38;
	[tilespmem:$0x14F00] =	vst v63  }
0x335: {  	_ =	swait.ge [sflag:s15], $0x10000  }
0x336: {  	[sflag:s15] =	ssyncset.done $0x0  }
0x337: {  	[sflag:s15] =	ssyncadd.s32 $0xFFFF0000  }
0x338: {  	_ =	sfence.sel $0x180000  }
0x339: {  	[bflag:$0x0] =	sbarrier.arrive $0xFFFF  }
0x33a: {  	p0 =	sne.s32 s0, $0x0;
	_ =	strace $0x90000047  }
0x33b: {  	s0 =	sadd.s32 @!p0 $0x100000, s1;
	[bflag:$0x2] =	sbarrier.arrive $0xFFFF  }
0x33c: {  	[sflag:s0] =	ssyncadd.tile.s32 @!p0 $0x1;
	_ =	shalt  }
.Lfunc_end2:
_tile_overlayer_lowered:
.L_overlay_start_2:
0x33d: {  	(tag) =	ssettag $0x2  }
0x33e: {  	s0 =	rddreg [dreg:$0x0];
	s2 =	stileid.u32  }
0x33f: {  	s1 =	rddreg [dreg:$0x1];
	p0 =	sne.s32 s2, $0x0  }
0x340: {  	s3 =	rddreg [dreg:$0x2];
	[bflag:$0x3] =	sbarrier.arrive $0xFFFF;
	s2 =	simm.s32 @!p0 $0x1C04  }
0x341: {  	[timem:s3], [sflag:s2] =	dma.local @!p0 [hbm:s0], s1  }
0x342: {  	s0 =	simm.s32 @!p0 $0x4  }
0x343: {  	_ =	swait.ge @!p0 [sflag:s0], s1  }
0x344: {  	s1 =	ssub.s32 @!p0 $0x0, s1;
	[sflag:s0] =	ssyncset.done @!p0 $0x0  }
0x345: {  	[sflag:s0] =	ssyncadd.s32 @!p0 s1  }
0x346: {  	[bflag:$0x3] =	sbarrier.arrive $0xFFFF  }
0x347: {  	_ =	shalt  }

</sc_bundles>
